<compile_context>
chip_gen: v7x
topology: tpu7x:2x2x1
jax: 0.10.2.dev20260603
libtpu: 0.0.44.dev20260713+nightly
codegen_flags: <defaults>
</compile_context>

<pallas_src>
import functools

import jax
import jax.numpy as jnp
from jax import lax
from jax.experimental import pallas as pl
from jax.experimental.pallas import tpu as pltpu
from jax.experimental.pallas import tpu_sc as plsc

VOXEL_SIZE = 0.1
BEV_STRIDE = 8.0
PC_MIN_X = 0.0
PC_MIN_Y = -40.0
RADIUS = 2.0
RADIUS_SQ = 4.0
NSAMPLE = 16
NW = 32
IMAX = 0x7FFFFFFF

KT = 256


def _transpose_bev_tc(bev):
    B, C, H, W = bev.shape
    CB = 128
    nc = C // CB
    NJ = 5
    HB = H // NJ // 9
    bev6 = bev.reshape(B, C, NJ, 9, HB, W)

    def body(bev_ref, out_ref):
        x = bev_ref[0, :, 0]
        out_ref[0] = x.reshape(CB, 9 * HB * W).T

    out = pl.pallas_call(
        body,
        grid=(B, nc, NJ),
        in_specs=[pl.BlockSpec((1, CB, 1, 9, HB, W),
                               lambda b, c, j: (b, c, j, 0, 0, 0))],
        out_specs=pl.BlockSpec((1, 9 * HB * W, CB),
                               lambda b, c, j: (b * NJ + j, 0, c)),
        out_shape=jax.ShapeDtypeStruct((B * NJ, 9 * HB * W, C), jnp.float32),
    )(bev6)
    return out.reshape(B * H * W, C)


def _bilinear_bev_sc(keypoints, bev_features):
    B, C, H, W = bev_features.shape
    K = keypoints.shape[1]
    BK = B * K
    KPW = BK // NW
    NG = KPW // 16
    KPB = K

    ims = _transpose_bev_tc(bev_features)
    kx = keypoints[:, :, 0].reshape(BK)
    ky = keypoints[:, :, 1].reshape(BK)

    mesh = plsc.VectorSubcoreMesh(core_axis_name="c", subcore_axis_name="s")
    sx = jnp.float32(VOXEL_SIZE * BEV_STRIDE)

    @functools.partial(
        pl.kernel,
        out_type=jax.ShapeDtypeStruct((BK, C), jnp.float32),
        mesh=mesh,
        scratch_types=[
            pltpu.VMEM((KPW,), jnp.float32),
            pltpu.VMEM((KPW,), jnp.float32),
            pltpu.VMEM((64,), jnp.int32),
            pltpu.VMEM((64, C), jnp.float32),
            pltpu.VMEM((16, C), jnp.float32),
            pltpu.SemaphoreType.DMA,
        ],
    )
    def bev_kernel(ims_hbm, kx_hbm, ky_hbm, out_hbm, kx_v, ky_v, idx_v,
                   rows_v, acc_v, sem):
        cid = lax.axis_index("c")
        sid = lax.axis_index("s")
        wid = sid * 2 + cid
        base_kp = wid * KPW
        bbase = (base_kp // KPB) * (H * W)
        pltpu.sync_copy(kx_hbm.at[pl.ds(base_kp, KPW)], kx_v)
        pltpu.sync_copy(ky_hbm.at[pl.ds(base_kp, KPW)], ky_v)

        def group(g, _):
            goff = g * 16
            xf = kx_v[pl.ds(goff, 16)] / sx
            yf = (ky_v[pl.ds(goff, 16)] - jnp.float32(PC_MIN_Y)) / sx
            x0 = jnp.minimum(jnp.maximum(xf.astype(jnp.int32), 0), W - 1)
            x1 = jnp.minimum(x0 + 1, W - 1)
            y0 = jnp.minimum(jnp.maximum(yf.astype(jnp.int32), 0), H - 1)
            y1 = jnp.minimum(y0 + 1, H - 1)
            idx_v[pl.ds(0, 16)] = bbase + y0 * W + x0
            idx_v[pl.ds(16, 16)] = bbase + y1 * W + x0
            idx_v[pl.ds(32, 16)] = bbase + y0 * W + x1
            idx_v[pl.ds(48, 16)] = bbase + y1 * W + x1
            xf0 = x0.astype(jnp.float32)
            xf1 = x1.astype(jnp.float32)
            yf0 = y0.astype(jnp.float32)
            yf1 = y1.astype(jnp.float32)
            wa_all = (xf1 - xf) * (yf1 - yf)
            wb_all = (xf1 - xf) * (yf - yf0)
            wc_all = (xf - xf0) * (yf1 - yf)
            wd_all = (xf - xf0) * (yf - yf0)
            pltpu.async_copy(ims_hbm.at[idx_v], rows_v, sem).wait()

            def combine(j, _):
                jv = jnp.full((16,), 0, jnp.int32) + j
                wa = wa_all.at[jv].get(mode="promise_in_bounds")
                wb = wb_all.at[jv].get(mode="promise_in_bounds")
                wc = wc_all.at[jv].get(mode="promise_in_bounds")
                wd = wd_all.at[jv].get(mode="promise_in_bounds")
                for cc in range(C // 16):
                    sl = pl.ds(cc * 16, 16)
                    acc_v[j, sl] = (rows_v[j, sl] * wa + rows_v[j + 16, sl] * wb
                                    + rows_v[j + 32, sl] * wc
                                    + rows_v[j + 48, sl] * wd)
                return 0

            lax.fori_loop(0, 16, combine, 0)
            pltpu.sync_copy(acc_v, out_hbm.at[pl.ds(base_kp + goff, 16)])
            return 0

        lax.fori_loop(0, NG, group, 0)

    out = bev_kernel(ims, kx, ky)
    return out.reshape(B, K, C)


def _select_sc(keypoints_sorted, points):
    B, K, _ = keypoints_sorted.shape
    N = points.shape[1]
    BK = B * K
    KPW = BK // NW
    NCH = N // 16
    CAP = N + 16

    px = points[:, :, 0].reshape(B * N)
    py = points[:, :, 1].reshape(B * N)
    pz = points[:, :, 2].reshape(B * N)
    kx = keypoints_sorted[:, :, 0].reshape(BK)
    ky = keypoints_sorted[:, :, 1].reshape(BK)
    kz = keypoints_sorted[:, :, 2].reshape(BK)

    mesh = plsc.VectorSubcoreMesh(core_axis_name="c", subcore_axis_name="s")

    @functools.partial(
        pl.kernel,
        out_type=[jax.ShapeDtypeStruct((BK, 16), jnp.float32)] * 3,
        mesh=mesh,
        compiler_params=pltpu.CompilerParams(needs_layout_passes=False),
        scratch_types=[
            pltpu.VMEM((N,), jnp.float32),
            pltpu.VMEM((N,), jnp.float32),
            pltpu.VMEM((N,), jnp.float32),
            pltpu.VMEM((CAP,), jnp.float32),
            pltpu.VMEM((CAP,), jnp.float32),
            pltpu.VMEM((CAP,), jnp.float32),
            pltpu.VMEM((CAP,), jnp.int32),
            pltpu.VMEM((KPW,), jnp.float32),
            pltpu.VMEM((KPW,), jnp.float32),
            pltpu.VMEM((KPW,), jnp.float32),
            pltpu.VMEM((KPW, 16), jnp.float32),
            pltpu.VMEM((KPW, 16), jnp.float32),
            pltpu.VMEM((KPW, 16), jnp.float32),
            pltpu.SemaphoreType.DMA,
        ],
    )
    def sel_kernel(px_hbm, py_hbm, pz_hbm, kx_hbm, ky_hbm, kz_hbm,
                   ox_hbm, oy_hbm, oz_hbm,
                   pxo, pyo, pzo, cxp, cyp, czp, cix,
                   kxv, kyv, kzv, oxv, oyv, ozv, sem):
        cid = lax.axis_index("c")
        sid = lax.axis_index("s")
        wid = sid * 2 + cid
        base_kp = wid * KPW
        pb = (base_kp // K) * N
        pltpu.sync_copy(px_hbm.at[pl.ds(pb, N)], pxo)
        pltpu.sync_copy(py_hbm.at[pl.ds(pb, N)], pyo)
        pltpu.sync_copy(pz_hbm.at[pl.ds(pb, N)], pzo)
        pltpu.sync_copy(kx_hbm.at[pl.ds(base_kp, KPW)], kxv)
        pltpu.sync_copy(ky_hbm.at[pl.ds(base_kp, KPW)], kyv)
        pltpu.sync_copy(kz_hbm.at[pl.ds(base_kp, KPW)], kzv)

        def wminmax(g, carry):
            lo, hi = carry
            v = kxv[pl.ds(g * 16, 16)]
            return jnp.minimum(lo, v), jnp.maximum(hi, v)
        lo16, hi16 = lax.fori_loop(0, KPW // 16, wminmax,
                                   (jnp.full((16,), 1e30, jnp.float32),
                                    jnp.full((16,), -1e30, jnp.float32)))
        lov = jnp.full((16,), lax.reduce_min(lo16, axes=(0,)) - RADIUS)
        hiv = jnp.full((16,), lax.reduce_max(hi16, axes=(0,)) + RADIUS)

        lane = lax.iota(jnp.int32, 16)

        def p1(c, off):
            pxc = pxo[pl.ds(c * 16, 16)]
            m = (pxc >= lov) & (pxc <= hiv)
            cnt = lax.reduce_max(plsc.all_reduce_population_count(m),
                                 axes=(0,))
            plsc.store_compressed(cxp.at[pl.ds(off, 16)], pxc, mask=m)
            plsc.store_compressed(cyp.at[pl.ds(off, 16)],
                                  pyo[pl.ds(c * 16, 16)], mask=m)
            plsc.store_compressed(czp.at[pl.ds(off, 16)],
                                  pzo[pl.ds(c * 16, 16)], mask=m)
            plsc.store_compressed(cix.at[pl.ds(off, 16)], lane + c * 16,
                                  mask=m)
            return off + cnt
        ntot = lax.fori_loop(0, NCH, p1, jnp.int32(0))
        tmask = lane >= 0
        plsc.store_compressed(cxp.at[pl.ds(ntot, 16)],
                              jnp.full((16,), 1e9, jnp.float32), mask=tmask)
        plsc.store_compressed(cyp.at[pl.ds(ntot, 16)],
                              jnp.full((16,), 1e9, jnp.float32), mask=tmask)
        plsc.store_compressed(czp.at[pl.ds(ntot, 16)],
                              jnp.full((16,), 1e9, jnp.float32), mask=tmask)
        plsc.store_compressed(cix.at[pl.ds(ntot, 16)],
                              jnp.zeros((16,), jnp.int32), mask=tmask)
        nch2 = (ntot + 15) // 16

        def kgroup(g, _):
            kxg = kxv[pl.ds(g * 16, 16)]
            kyg = kyv[pl.ds(g * 16, 16)]
            kzg = kzv[pl.ds(g * 16, 16)]

            def onekp(t, _):
                tv = jnp.full((16,), 0, jnp.int32) + t
                kxb = kxg.at[tv].get(mode="promise_in_bounds")
                kyb = kyg.at[tv].get(mode="promise_in_bounds")
                kzb = kzg.at[tv].get(mode="promise_in_bounds")

                def p2(q, cur):
                    qo = q * 16
                    dx = cxp[pl.ds(qo, 16)] - kxb
                    dy = cyp[pl.ds(qo, 16)] - kyb
                    dz = czp[pl.ds(qo, 16)] - kzb
                    d2 = dx * dx + dy * dy + dz * dz
                    msk = d2 <= RADIUS_SQ
                    key = jnp.where(
                        msk,
                        (d2 * 32768.0).astype(jnp.int32) * 8192
                        + cix[pl.ds(qo, 16)],
                        IMAX)
                    ks, _u = plsc.sort_key_val(key, key)
                    rs = lax.rev(ks, (0,))
                    lo = jnp.minimum(cur, rs)
                    cur2, _u2 = plsc.sort_key_val(lo, lo)
                    return cur2

                cur = lax.fori_loop(0, nch2, p2,
                                    jnp.full((16,), IMAX, jnp.int32))
                valid = cur < IMAX
                sidx = jnp.where(valid, cur & 8191, 0)
                gx = plsc.load_gather(pxo, [sidx])
                gy = plsc.load_gather(pyo, [sidx])
                gz = plsc.load_gather(pzo, [sidx])
                far = jnp.float32(1e6)
                j = g * 16 + t
                oxv[j, :] = jnp.where(valid, gx - kxb, far)
                oyv[j, :] = jnp.where(valid, gy - kyb, far)
                ozv[j, :] = jnp.where(valid, gz - kzb, far)
                return 0

            lax.fori_loop(0, 16, onekp, 0)
            return 0

        lax.fori_loop(0, KPW // 16, kgroup, 0)
        pltpu.sync_copy(oxv, ox_hbm.at[pl.ds(base_kp, KPW)])
        pltpu.sync_copy(oyv, oy_hbm.at[pl.ds(base_kp, KPW)])
        pltpu.sync_copy(ozv, oz_hbm.at[pl.ds(base_kp, KPW)])

    return sel_kernel(px, py, pz, kx, ky, kz)


def _fuse_body(rel_ref, bev_ref, w1_ref, w2_ref, w3_ref, fwa_ref, fwb_ref,
               out_ref):
    rel = rel_ref[...]
    z1 = jnp.dot(rel, w1_ref[...], preferred_element_type=jnp.float32)
    h = jax.nn.relu(z1)
    h = jax.nn.relu(jnp.dot(h, w2_ref[...],
                            preferred_element_type=jnp.float32))
    h = jax.nn.relu(jnp.dot(h, w3_ref[...],
                            preferred_element_type=jnp.float32))
    d2s = jnp.sum(rel * rel, axis=1, keepdims=True)
    h = jnp.where(d2s <= RADIUS_SQ, h, 0.0)
    h3 = h.reshape(KT, NSAMPLE, h.shape[1])
    pooled = jnp.max(h3, axis=1)
    bev = bev_ref[0]
    fused = jnp.dot(bev, fwa_ref[...], preferred_element_type=jnp.float32)
    fused = fused + jnp.dot(pooled, fwb_ref[...],
                            preferred_element_type=jnp.float32)
    out_ref[0] = jax.nn.relu(fused)


def kernel(keypoints, points, bev_features, mlp_w1, mlp_w2, mlp_w3, fusion_w):
    B, K, _ = keypoints.shape
    N = points.shape[1]
    C = bev_features.shape[1]
    BK = B * K

    xq = (keypoints[:, :, 0] * 128.0).astype(jnp.int32)
    packed = xq * K + jax.lax.broadcasted_iota(jnp.int32, (B, K), 1)
    perm = jax.lax.sort(packed, dimension=1) % K
    kp_sorted = jnp.take_along_axis(keypoints, perm[:, :, None], axis=1)

    point_bev = _bilinear_bev_sc(kp_sorted, bev_features)
    rx, ry, rz = _select_sc(kp_sorted, points)
    rel = jnp.stack([rx.reshape(B, K, 16), ry.reshape(B, K, 16),
                     rz.reshape(B, K, 16)], axis=-1).reshape(BK * NSAMPLE, 3)

    fwa = fusion_w[:C]
    fwb = fusion_w[C:]
    nkb = K // KT
    grid = (B * nkb,)

    out_sorted = pl.pallas_call(
        _fuse_body,
        grid=grid,
        in_specs=[
            pl.BlockSpec((KT * NSAMPLE, 3), lambda i: (i, 0)),
            pl.BlockSpec((1, KT, C), lambda i: (i // nkb, i % nkb, 0)),
            pl.BlockSpec((3, 8), lambda i: (0, 0)),
            pl.BlockSpec((8, 16), lambda i: (0, 0)),
            pl.BlockSpec((16, 32), lambda i: (0, 0)),
            pl.BlockSpec((C, 128), lambda i: (0, 0)),
            pl.BlockSpec((32, 128), lambda i: (0, 0)),
        ],
        out_specs=pl.BlockSpec((1, KT, 128), lambda i: (i // nkb, i % nkb, 0)),
        out_shape=jax.ShapeDtypeStruct((B, K, 128), jnp.float32),
    )(rel, point_bev, mlp_w1, mlp_w2, mlp_w3, fwa, fwb)

    bidx = jax.lax.broadcasted_iota(jnp.int32, (B, K), 0)
    out = jnp.zeros((B, K, 128), jnp.float32).at[bidx, perm].set(out_sorted)
    return out

# --- scband reference (transcript-rebuilt; emitter-appended) ---
"""Pipeline reference for scband-voxel-set-abstraction-23244363006088 (READ-ONLY COPY).

The authoritative reference and input builder live on the scoring server;
editing this copy changes nothing except your own understanding.
"""

import jax, jax.numpy as jnp
import numpy as np

VOXEL_SIZE = 0.1
BEV_STRIDE = 8.0
PC_MIN = jnp.array([0.0, -40.0, -3.0], dtype=jnp.float32)
PC_EXTENT = jnp.array([70.4, 80.0, 4.0], dtype=jnp.float32)
RADIUS = 2.0
NSAMPLE = 16


def bilinear_interpolate(im, x, y):
    # im: (H, W, C), x/y: (N,) — faithful to bilinear_interpolate_torch
    H, W, C = im.shape
    x0 = jnp.clip(jnp.floor(x).astype(jnp.int32), 0, W - 1)
    x1 = jnp.clip(jnp.floor(x).astype(jnp.int32) + 1, 0, W - 1)
    y0 = jnp.clip(jnp.floor(y).astype(jnp.int32), 0, H - 1)
    y1 = jnp.clip(jnp.floor(y).astype(jnp.int32) + 1, 0, H - 1)
    Ia = im[y0, x0]
    Ib = im[y1, x0]
    Ic = im[y0, x1]
    Id = im[y1, x1]
    wa = (x1.astype(x.dtype) - x) * (y1.astype(y.dtype) - y)
    wb = (x1.astype(x.dtype) - x) * (y - y0.astype(y.dtype))
    wc = (x - x0.astype(x.dtype)) * (y1.astype(y.dtype) - y)
    wd = (x - x0.astype(x.dtype)) * (y - y0.astype(y.dtype))
    return Ia * wa[:, None] + Ib * wb[:, None] + Ic * wc[:, None] + Id * wd[:, None]


def setup_inputs(seed: int = 0) -> dict:
    key = jax.random.key(seed)
    ks = jax.random.split(key, 7)
    B, K, N = 2, 2048, 8192
    keypoints = jax.random.uniform(ks[0], (B, K, 3), dtype=jnp.float32) * PC_EXTENT + PC_MIN
    points = jax.random.uniform(ks[1], (B, N, 3), dtype=jnp.float32) * PC_EXTENT + PC_MIN
    bev_features = jax.random.normal(ks[2], (B, 256, 180, 180), dtype=jnp.float32)
    mlp_w1 = jax.random.normal(ks[3], (3, 8), dtype=jnp.float32) * 0.3
    mlp_w2 = jax.random.normal(ks[4], (8, 16), dtype=jnp.float32) * 0.2
    mlp_w3 = jax.random.normal(ks[5], (16, 32), dtype=jnp.float32) * 0.15
    fusion_w = jax.random.normal(ks[6], (288, 128), dtype=jnp.float32) * 0.05
    return {"keypoints": keypoints, "points": points, "bev_features": bev_features,
            "mlp_w1": mlp_w1, "mlp_w2": mlp_w2, "mlp_w3": mlp_w3, "fusion_w": fusion_w}


def reference(keypoints, points, bev_features, mlp_w1, mlp_w2, mlp_w3, fusion_w):
    # 1) interpolate_from_bev_features
    x_idxs = (keypoints[:, :, 0] - PC_MIN[0]) / VOXEL_SIZE / BEV_STRIDE
    y_idxs = (keypoints[:, :, 1] - PC_MIN[1]) / VOXEL_SIZE / BEV_STRIDE
    ims = jnp.transpose(bev_features, (0, 2, 3, 1))  # (B, H, W, C)
    point_bev = jax.vmap(bilinear_interpolate)(ims, x_idxs, y_idxs)  # (B, K, 256)
    # 2) QueryAndGroup: radius-limited kNN retrieval of raw points around each keypoint
    d2 = jnp.sum((keypoints[:, :, None, :] - points[:, None, :, :]) ** 2, axis=-1)  # (B, K, N)
    neg_d2, idx = jax.lax.top_k(-d2, NSAMPLE)  # (B, K, NSAMPLE)
    grouped = jax.vmap(lambda p, i: p[i])(points, idx)  # (B, K, NSAMPLE, 3)
    rel = grouped - keypoints[:, :, None, :]
    within = (-neg_d2) <= RADIUS ** 2
    # 3) per-neighbor MLP (3 -> 8 -> 16 -> 32) + masked max pool over the group
    h = jax.nn.relu(rel @ mlp_w1)
    h = jax.nn.relu(h @ mlp_w2)
    h = jax.nn.relu(h @ mlp_w3)
    h = jnp.where(within[..., None], h, 0.0)
    pooled = jnp.max(h, axis=2)  # (B, K, 32)
    # 4) vsa_point_feature_fusion
    fused_in = jnp.concatenate([point_bev, pooled], axis=-1)  # (B, K, 288)
    out = jax.nn.relu(fused_in @ fusion_w)  # (B, K, 128)
    return out

if __name__ == "__main__":
    import jax
    _d = setup_inputs()
    print(jax.jit(kernel)(*tuple(_d.values())))

</pallas_src>

<mosaic_0001>
#map = affine_map<(d0, d1) -> (0)>
#map1 = affine_map<(d0, d1) -> (0, 0)>
module attributes {stable_mosaic.version = 14 : i64} {
  func.func @sel_kernel(%arg0: i32, %arg1: i32, %arg2: memref<16384xf32, #tpu.memory_space<hbm>>, %arg3: memref<16384xf32, #tpu.memory_space<hbm>>, %arg4: memref<16384xf32, #tpu.memory_space<hbm>>, %arg5: memref<4096xf32, #tpu.memory_space<hbm>>, %arg6: memref<4096xf32, #tpu.memory_space<hbm>>, %arg7: memref<4096xf32, #tpu.memory_space<hbm>>, %arg8: memref<4096x16xf32, #tpu.memory_space<hbm>>, %arg9: memref<4096x16xf32, #tpu.memory_space<hbm>>, %arg10: memref<4096x16xf32, #tpu.memory_space<hbm>>, %arg11: memref<8192xf32, #tpu.memory_space<vmem>>, %arg12: memref<8192xf32, #tpu.memory_space<vmem>>, %arg13: memref<8192xf32, #tpu.memory_space<vmem>>, %arg14: memref<8208xf32, #tpu.memory_space<vmem>>, %arg15: memref<8208xf32, #tpu.memory_space<vmem>>, %arg16: memref<8208xf32, #tpu.memory_space<vmem>>, %arg17: memref<8208xi32, #tpu.memory_space<vmem>>, %arg18: memref<128xf32, #tpu.memory_space<vmem>>, %arg19: memref<128xf32, #tpu.memory_space<vmem>>, %arg20: memref<128xf32, #tpu.memory_space<vmem>>, %arg21: memref<128x16xf32, #tpu.memory_space<vmem>>, %arg22: memref<128x16xf32, #tpu.memory_space<vmem>>, %arg23: memref<128x16xf32, #tpu.memory_space<vmem>>, %arg24: memref<!tpu.dma_semaphore, #tpu.memory_space<semaphore_mem>>) attributes {dimension_semantics = [#tpu.dimension_semantics<core_parallel>, #tpu.dimension_semantics<subcore_parallel>], iteration_bounds = array<i64: 2, 16>, scalar_prefetch = 0 : i64, scratch_operands = 14 : i64, tpu.core_type = #tpu.core_type<sc_vector_subcore>, window_params = [{transform_indices = #map}, {transform_indices = #map}, {transform_indices = #map}, {transform_indices = #map}, {transform_indices = #map}, {transform_indices = #map}, {transform_indices = #map1}, {transform_indices = #map1}, {transform_indices = #map1}]} {
    %mul3A = arith.constant 2 : i32
    %mul3A_0 = arith.muli %arg1, %mul3A : i32
    %add3A = arith.addi %mul3A_0, %arg0 : i32
    %mul3A_1 = arith.constant 128 : i32
    %mul3A_2 = arith.muli %add3A, %mul3A_1 : i32
    %jit3A = arith.constant 2048 : i32
    %div3A = arith.divsi %mul3A_2, %jit3A : i32
    %sign3A = arith.constant 0 : i32
    %sign3A_3 = arith.cmpi sgt, %mul3A_2, %sign3A : i32
    %sign3A_4 = arith.extui %sign3A_3 : i1 to i32
    %sign3A_5 = arith.constant 0 : i32
    %sign3A_6 = arith.cmpi slt, %mul3A_2, %sign3A_5 : i32
    %sign3A_7 = arith.extui %sign3A_6 : i1 to i32
    %sign3A_8 = arith.subi %sign3A_4, %sign3A_7 : i32
    %sign3A_9 = arith.constant 0 : i32
    %sign3A_10 = arith.cmpi sgt, %jit3A, %sign3A_9 : i32
    %sign3A_11 = arith.extui %sign3A_10 : i1 to i32
    %sign3A_12 = arith.constant 0 : i32
    %sign3A_13 = arith.cmpi slt, %jit3A, %sign3A_12 : i32
    %sign3A_14 = arith.extui %sign3A_13 : i1 to i32
    %sign3A_15 = arith.subi %sign3A_11, %sign3A_14 : i32
    %ne3A = arith.cmpi ne, %sign3A_8, %sign3A_15 : i32
    %rem3A = arith.remsi %mul3A_2, %jit3A : i32
    %ne3A_16 = arith.constant 0 : i32
    %ne3A_17 = arith.cmpi ne, %rem3A, %ne3A_16 : i32
    %and3A = arith.andi %ne3A, %ne3A_17 : i1
    %sub3A = arith.constant 1 : i32
    %sub3A_18 = arith.subi %div3A, %sub3A : i32
    %select_n3A = arith.select %and3A, %sub3A_18, %div3A : i32
    %mul3A_19 = arith.constant 8192 : i32
    %mul3A_20 = arith.muli %select_n3A, %mul3A_19 : i32
    "tpu.region"() ({
      %run_scoped3A = tpu.sem_alloc : memref<!tpu.dma_semaphore, #tpu.memory_space<semaphore_mem>>
      %dma_start3A = tpu.memref_slice %arg2[%mul3A_20] : memref<16384xf32, #tpu.memory_space<hbm>> -> memref<8192xf32, #tpu.memory_space<hbm>>
      %dma_start3A_98 = tpu.memref_slice %arg2[%mul3A_20] : memref<16384xf32, #tpu.memory_space<hbm>> -> memref<8192xf32, #tpu.memory_space<hbm>>
      tpu.enqueue_dma source(%dma_start3A_98 : memref<8192xf32, #tpu.memory_space<hbm>>) target(%arg11 : memref<8192xf32, #tpu.memory_space<vmem>>) target_semaphore(%run_scoped3A : memref<!tpu.dma_semaphore, #tpu.memory_space<semaphore_mem>>)
      %dma_wait3A = tpu.memref_slice %arg2[%mul3A_20] : memref<16384xf32, #tpu.memory_space<hbm>> -> memref<8192xf32, #tpu.memory_space<hbm>>
      %dma_wait3A_99 = tpu.memref_slice %arg2[%mul3A_20] : memref<16384xf32, #tpu.memory_space<hbm>> -> memref<8192xf32, #tpu.memory_space<hbm>>
      tpu.wait_dma2 semaphore(%run_scoped3A : memref<!tpu.dma_semaphore, #tpu.memory_space<semaphore_mem>>) src(%dma_wait3A_99 : memref<8192xf32, #tpu.memory_space<hbm>>) dst(%arg11 : memref<8192xf32, #tpu.memory_space<vmem>>)
      tpu.yield
    }) : () -> ()
    "tpu.region"() ({
      %run_scoped3A = tpu.sem_alloc : memref<!tpu.dma_semaphore, #tpu.memory_space<semaphore_mem>>
      %dma_start3A = tpu.memref_slice %arg3[%mul3A_20] : memref<16384xf32, #tpu.memory_space<hbm>> -> memref<8192xf32, #tpu.memory_space<hbm>>
      %dma_start3A_98 = tpu.memref_slice %arg3[%mul3A_20] : memref<16384xf32, #tpu.memory_space<hbm>> -> memref<8192xf32, #tpu.memory_space<hbm>>
      tpu.enqueue_dma source(%dma_start3A_98 : memref<8192xf32, #tpu.memory_space<hbm>>) target(%arg12 : memref<8192xf32, #tpu.memory_space<vmem>>) target_semaphore(%run_scoped3A : memref<!tpu.dma_semaphore, #tpu.memory_space<semaphore_mem>>)
      %dma_wait3A = tpu.memref_slice %arg3[%mul3A_20] : memref<16384xf32, #tpu.memory_space<hbm>> -> memref<8192xf32, #tpu.memory_space<hbm>>
      %dma_wait3A_99 = tpu.memref_slice %arg3[%mul3A_20] : memref<16384xf32, #tpu.memory_space<hbm>> -> memref<8192xf32, #tpu.memory_space<hbm>>
      tpu.wait_dma2 semaphore(%run_scoped3A : memref<!tpu.dma_semaphore, #tpu.memory_space<semaphore_mem>>) src(%dma_wait3A_99 : memref<8192xf32, #tpu.memory_space<hbm>>) dst(%arg12 : memref<8192xf32, #tpu.memory_space<vmem>>)
      tpu.yield
    }) : () -> ()
    "tpu.region"() ({
      %run_scoped3A = tpu.sem_alloc : memref<!tpu.dma_semaphore, #tpu.memory_space<semaphore_mem>>
      %dma_start3A = tpu.memref_slice %arg4[%mul3A_20] : memref<16384xf32, #tpu.memory_space<hbm>> -> memref<8192xf32, #tpu.memory_space<hbm>>
      %dma_start3A_98 = tpu.memref_slice %arg4[%mul3A_20] : memref<16384xf32, #tpu.memory_space<hbm>> -> memref<8192xf32, #tpu.memory_space<hbm>>
      tpu.enqueue_dma source(%dma_start3A_98 : memref<8192xf32, #tpu.memory_space<hbm>>) target(%arg13 : memref<8192xf32, #tpu.memory_space<vmem>>) target_semaphore(%run_scoped3A : memref<!tpu.dma_semaphore, #tpu.memory_space<semaphore_mem>>)
      %dma_wait3A = tpu.memref_slice %arg4[%mul3A_20] : memref<16384xf32, #tpu.memory_space<hbm>> -> memref<8192xf32, #tpu.memory_space<hbm>>
      %dma_wait3A_99 = tpu.memref_slice %arg4[%mul3A_20] : memref<16384xf32, #tpu.memory_space<hbm>> -> memref<8192xf32, #tpu.memory_space<hbm>>
      tpu.wait_dma2 semaphore(%run_scoped3A : memref<!tpu.dma_semaphore, #tpu.memory_space<semaphore_mem>>) src(%dma_wait3A_99 : memref<8192xf32, #tpu.memory_space<hbm>>) dst(%arg13 : memref<8192xf32, #tpu.memory_space<vmem>>)
      tpu.yield
    }) : () -> ()
    "tpu.region"() ({
      %run_scoped3A = tpu.sem_alloc : memref<!tpu.dma_semaphore, #tpu.memory_space<semaphore_mem>>
      %dma_start3A = tpu.memref_slice %arg5[%mul3A_2] : memref<4096xf32, #tpu.memory_space<hbm>> -> memref<128xf32, #tpu.memory_space<hbm>>
      %dma_start3A_98 = tpu.memref_slice %arg5[%mul3A_2] : memref<4096xf32, #tpu.memory_space<hbm>> -> memref<128xf32, #tpu.memory_space<hbm>>
      tpu.enqueue_dma source(%dma_start3A_98 : memref<128xf32, #tpu.memory_space<hbm>>) target(%arg18 : memref<128xf32, #tpu.memory_space<vmem>>) target_semaphore(%run_scoped3A : memref<!tpu.dma_semaphore, #tpu.memory_space<semaphore_mem>>)
      %dma_wait3A = tpu.memref_slice %arg5[%mul3A_2] : memref<4096xf32, #tpu.memory_space<hbm>> -> memref<128xf32, #tpu.memory_space<hbm>>
      %dma_wait3A_99 = tpu.memref_slice %arg5[%mul3A_2] : memref<4096xf32, #tpu.memory_space<hbm>> -> memref<128xf32, #tpu.memory_space<hbm>>
      tpu.wait_dma2 semaphore(%run_scoped3A : memref<!tpu.dma_semaphore, #tpu.memory_space<semaphore_mem>>) src(%dma_wait3A_99 : memref<128xf32, #tpu.memory_space<hbm>>) dst(%arg18 : memref<128xf32, #tpu.memory_space<vmem>>)
      tpu.yield
    }) : () -> ()
    "tpu.region"() ({
      %run_scoped3A = tpu.sem_alloc : memref<!tpu.dma_semaphore, #tpu.memory_space<semaphore_mem>>
      %dma_start3A = tpu.memref_slice %arg6[%mul3A_2] : memref<4096xf32, #tpu.memory_space<hbm>> -> memref<128xf32, #tpu.memory_space<hbm>>
      %dma_start3A_98 = tpu.memref_slice %arg6[%mul3A_2] : memref<4096xf32, #tpu.memory_space<hbm>> -> memref<128xf32, #tpu.memory_space<hbm>>
      tpu.enqueue_dma source(%dma_start3A_98 : memref<128xf32, #tpu.memory_space<hbm>>) target(%arg19 : memref<128xf32, #tpu.memory_space<vmem>>) target_semaphore(%run_scoped3A : memref<!tpu.dma_semaphore, #tpu.memory_space<semaphore_mem>>)
      %dma_wait3A = tpu.memref_slice %arg6[%mul3A_2] : memref<4096xf32, #tpu.memory_space<hbm>> -> memref<128xf32, #tpu.memory_space<hbm>>
      %dma_wait3A_99 = tpu.memref_slice %arg6[%mul3A_2] : memref<4096xf32, #tpu.memory_space<hbm>> -> memref<128xf32, #tpu.memory_space<hbm>>
      tpu.wait_dma2 semaphore(%run_scoped3A : memref<!tpu.dma_semaphore, #tpu.memory_space<semaphore_mem>>) src(%dma_wait3A_99 : memref<128xf32, #tpu.memory_space<hbm>>) dst(%arg19 : memref<128xf32, #tpu.memory_space<vmem>>)
      tpu.yield
    }) : () -> ()
    "tpu.region"() ({
      %run_scoped3A = tpu.sem_alloc : memref<!tpu.dma_semaphore, #tpu.memory_space<semaphore_mem>>
      %dma_start3A = tpu.memref_slice %arg7[%mul3A_2] : memref<4096xf32, #tpu.memory_space<hbm>> -> memref<128xf32, #tpu.memory_space<hbm>>
      %dma_start3A_98 = tpu.memref_slice %arg7[%mul3A_2] : memref<4096xf32, #tpu.memory_space<hbm>> -> memref<128xf32, #tpu.memory_space<hbm>>
      tpu.enqueue_dma source(%dma_start3A_98 : memref<128xf32, #tpu.memory_space<hbm>>) target(%arg20 : memref<128xf32, #tpu.memory_space<vmem>>) target_semaphore(%run_scoped3A : memref<!tpu.dma_semaphore, #tpu.memory_space<semaphore_mem>>)
      %dma_wait3A = tpu.memref_slice %arg7[%mul3A_2] : memref<4096xf32, #tpu.memory_space<hbm>> -> memref<128xf32, #tpu.memory_space<hbm>>
      %dma_wait3A_99 = tpu.memref_slice %arg7[%mul3A_2] : memref<4096xf32, #tpu.memory_space<hbm>> -> memref<128xf32, #tpu.memory_space<hbm>>
      tpu.wait_dma2 semaphore(%run_scoped3A : memref<!tpu.dma_semaphore, #tpu.memory_space<semaphore_mem>>) src(%dma_wait3A_99 : memref<128xf32, #tpu.memory_space<hbm>>) dst(%arg20 : memref<128xf32, #tpu.memory_space<vmem>>)
      tpu.yield
    }) : () -> ()
    %broadcast_in_dim3A = arith.constant 1.000000e+30 : f32
    %broadcast_in_dim3A_21 = vector.broadcast %broadcast_in_dim3A : f32 to vector<16xf32>
    %broadcast_in_dim3A_22 = arith.constant -1.000000e+30 : f32
    %broadcast_in_dim3A_23 = vector.broadcast %broadcast_in_dim3A_22 : f32 to vector<16xf32>
    %scan3A = arith.constant 0 : i32
    %scan3A_24 = arith.constant 8 : i32
    %scan3A_25 = arith.addi %scan3A, %scan3A_24 : i32
    %scan3A_26 = arith.constant 1 : i32
    %scan3A_27:2 = scf.for %scan3A_98 = %scan3A to %scan3A_25 step %scan3A_26 iter_args(%scan3A_99 = %broadcast_in_dim3A_21, %scan3A_100 = %broadcast_in_dim3A_23) -> (vector<16xf32>, vector<16xf32>)  : i32 {
      %mul3A_101 = arith.constant 16 : i32
      %mul3A_102 = arith.muli %scan3A_98, %mul3A_101 : i32
      %get3A = arith.index_cast %mul3A_102 : i32 to index
      %get3A_103 = tpu.vector_load %arg18[%get3A] {strides = array<i32>} : memref<128xf32, #tpu.memory_space<vmem>>, vector<16xf32>,
      %get3A_104 = vector.shape_cast %get3A_103 : vector<16xf32> to vector<16xf32>
      %min3A = arith.minimumf %scan3A_99, %get3A_104 : vector<16xf32>
      %max3A = arith.maximumf %scan3A_100, %get3A_104 : vector<16xf32>
      scf.yield %min3A, %max3A : vector<16xf32>, vector<16xf32>
    }
    %scan3A_28 = arith.constant 8 : i32
    %reduce_min3A = arith.constant true
    %reduce_min3A_29 = vector.broadcast %reduce_min3A : i1 to vector<16xi1>
    %reduce_min3A_30 = tpu.scan <min>, %scan3A_27#0 masked %reduce_min3A_29 : vector<16xf32>, vector<16xi1> -> vector<16xf32>
    %reduce_min3A_31 = vector.extract %reduce_min3A_30[15] : f32 from vector<16xf32>
    %sub3A_32 = arith.constant 2.000000e+00 : f32
    %sub3A_33 = arith.subf %reduce_min3A_31, %sub3A_32 : f32
    %broadcast_in_dim3A_34 = vector.broadcast %sub3A_33 : f32 to vector<16xf32>
    %reduce_max3A = arith.constant true
    %reduce_max3A_35 = vector.broadcast %reduce_max3A : i1 to vector<16xi1>
    %reduce_max3A_36 = tpu.scan <max>, %scan3A_27#1 masked %reduce_max3A_35 : vector<16xf32>, vector<16xi1> -> vector<16xf32>
    %reduce_max3A_37 = vector.extract %reduce_max3A_36[15] : f32 from vector<16xf32>
    %add3A_38 = arith.constant 2.000000e+00 : f32
    %add3A_39 = arith.addf %reduce_max3A_37, %add3A_38 : f32
    %broadcast_in_dim3A_40 = vector.broadcast %add3A_39 : f32 to vector<16xf32>
    %iota3A = tpu.iota {dimensions = array<i32: 0>} : vector<16xi32>
    %scan3A_41 = arith.constant 0 : i32
    %scan3A_42 = arith.constant 0 : i32
    %scan3A_43 = arith.constant 512 : i32
    %scan3A_44 = arith.addi %scan3A_42, %scan3A_43 : i32
    %scan3A_45 = arith.constant 1 : i32
    %scan3A_46 = scf.for %scan3A_98 = %scan3A_42 to %scan3A_44 step %scan3A_45 iter_args(%scan3A_99 = %scan3A_41) -> (i32)  : i32 {
      %mul3A_100 = arith.constant 16 : i32
      %mul3A_101 = arith.muli %scan3A_98, %mul3A_100 : i32
      %get3A = arith.index_cast %mul3A_101 : i32 to index
      %get3A_102 = tpu.vector_load %arg11[%get3A] {strides = array<i32>} : memref<8192xf32, #tpu.memory_space<vmem>>, vector<16xf32>,
      %ge3A_103 = arith.cmpf oge, %get3A_102, %broadcast_in_dim3A_34 : vector<16xf32>
      %le3A = arith.cmpf ole, %get3A_102, %broadcast_in_dim3A_40 : vector<16xf32>
      %and3A_104 = arith.andi %ge3A_103, %le3A : vector<16xi1>
      %all_reduce_population_count3A = tpu.all_reduce %and3A_104 {dim = 0 : i64, kind = #tpu.reduction_kind<sum>} : vector<16xi1> -> vector<16xi32>
      %reduce_max3A_105 = arith.constant true
      %reduce_max3A_106 = vector.broadcast %reduce_max3A_105 : i1 to vector<16xi1>
      %reduce_max3A_107 = arith.constant -2147483648 : i32
      %reduce_max3A_108 = vector.broadcast %reduce_max3A_107 : i32 to vector<16xi32>
      %reduce_max3A_109 = arith.xori %all_reduce_population_count3A, %reduce_max3A_108 : vector<16xi32>
      %reduce_max3A_110 = tpu.scan <max>, %reduce_max3A_109 masked %reduce_max3A_106 : vector<16xi32>, vector<16xi1> -> vector<16xi32>
      %reduce_max3A_111 = arith.xori %reduce_max3A_110, %reduce_max3A_108 : vector<16xi32>
      %reduce_max3A_112 = vector.extract %reduce_max3A_111[15] : i32 from vector<16xi32>
      %swap3A_113 = arith.index_cast %scan3A_99 : i32 to index
      %swap3A_114 = tpu.vector_load %arg14[%swap3A_113] masked %and3A_104 {strides = array<i32>} : memref<8208xf32, #tpu.memory_space<vmem>>, vector<16xf32>, vector<16xi1>
      tpu.vector_store %arg14[%swap3A_113], %get3A_102 masked %and3A_104 {strides = array<i32>} : memref<8208xf32, #tpu.memory_space<vmem>>, vector<16xf32>, vector<16xi1>
      %mul3A_115 = arith.constant 16 : i32
      %mul3A_116 = arith.muli %scan3A_98, %mul3A_115 : i32
      %get3A_117 = arith.index_cast %mul3A_116 : i32 to index
      %get3A_118 = tpu.vector_load %arg12[%get3A_117] {strides = array<i32>} : memref<8192xf32, #tpu.memory_space<vmem>>, vector<16xf32>,
      %swap3A_119 = arith.index_cast %scan3A_99 : i32 to index
      %swap3A_120 = tpu.vector_load %arg15[%swap3A_119] masked %and3A_104 {strides = array<i32>} : memref<8208xf32, #tpu.memory_space<vmem>>, vector<16xf32>, vector<16xi1>
      tpu.vector_store %arg15[%swap3A_119], %get3A_118 masked %and3A_104 {strides = array<i32>} : memref<8208xf32, #tpu.memory_space<vmem>>, vector<16xf32>, vector<16xi1>
      %mul3A_121 = arith.constant 16 : i32
      %mul3A_122 = arith.muli %scan3A_98, %mul3A_121 : i32
      %get3A_123 = arith.index_cast %mul3A_122 : i32 to index
      %get3A_124 = tpu.vector_load %arg13[%get3A_123] {strides = array<i32>} : memref<8192xf32, #tpu.memory_space<vmem>>, vector<16xf32>,
      %swap3A_125 = arith.index_cast %scan3A_99 : i32 to index
      %swap3A_126 = tpu.vector_load %arg16[%swap3A_125] masked %and3A_104 {strides = array<i32>} : memref<8208xf32, #tpu.memory_space<vmem>>, vector<16xf32>, vector<16xi1>
      tpu.vector_store %arg16[%swap3A_125], %get3A_124 masked %and3A_104 {strides = array<i32>} : memref<8208xf32, #tpu.memory_space<vmem>>, vector<16xf32>, vector<16xi1>
      %mul3A_127 = arith.constant 16 : i32
      %mul3A_128 = arith.muli %scan3A_98, %mul3A_127 : i32
      %add3A_129 = vector.broadcast %mul3A_128 : i32 to vector<16xi32>
      %add3A_130 = arith.addi %iota3A, %add3A_129 : vector<16xi32>
      %swap3A_131 = arith.index_cast %scan3A_99 : i32 to index
      %swap3A_132 = tpu.vector_load %arg17[%swap3A_131] masked %and3A_104 {strides = array<i32>} : memref<8208xi32, #tpu.memory_space<vmem>>, vector<16xi32>, vector<16xi1>
      tpu.vector_store %arg17[%swap3A_131], %add3A_130 masked %and3A_104 {strides = array<i32>} : memref<8208xi32, #tpu.memory_space<vmem>>, vector<16xi32>, vector<16xi1>
      %add3A_133 = arith.addi %scan3A_99, %reduce_max3A_112 : i32
      scf.yield %add3A_133 : i32
    }
    %scan3A_47 = arith.constant 512 : i32
    %ge3A = arith.constant 0 : i32
    %ge3A_48 = vector.broadcast %ge3A : i32 to vector<16xi32>
    %ge3A_49 = arith.cmpi sge, %iota3A, %ge3A_48 : vector<16xi32>
    %broadcast_in_dim3A_50 = arith.constant 1.000000e+09 : f32
    %broadcast_in_dim3A_51 = vector.broadcast %broadcast_in_dim3A_50 : f32 to vector<16xf32>
    %swap3A = arith.index_cast %scan3A_46 : i32 to index
    %swap3A_52 = tpu.vector_load %arg14[%swap3A] masked %ge3A_49 {strides = array<i32>} : memref<8208xf32, #tpu.memory_space<vmem>>, vector<16xf32>, vector<16xi1>
    tpu.vector_store %arg14[%swap3A], %broadcast_in_dim3A_51 masked %ge3A_49 {strides = array<i32>} : memref<8208xf32, #tpu.memory_space<vmem>>, vector<16xf32>, vector<16xi1>
    %broadcast_in_dim3A_53 = arith.constant 1.000000e+09 : f32
    %broadcast_in_dim3A_54 = vector.broadcast %broadcast_in_dim3A_53 : f32 to vector<16xf32>
    %swap3A_55 = arith.index_cast %scan3A_46 : i32 to index
    %swap3A_56 = tpu.vector_load %arg15[%swap3A_55] masked %ge3A_49 {strides = array<i32>} : memref<8208xf32, #tpu.memory_space<vmem>>, vector<16xf32>, vector<16xi1>
    tpu.vector_store %arg15[%swap3A_55], %broadcast_in_dim3A_54 masked %ge3A_49 {strides = array<i32>} : memref<8208xf32, #tpu.memory_space<vmem>>, vector<16xf32>, vector<16xi1>
    %broadcast_in_dim3A_57 = arith.constant 1.000000e+09 : f32
    %broadcast_in_dim3A_58 = vector.broadcast %broadcast_in_dim3A_57 : f32 to vector<16xf32>
    %swap3A_59 = arith.index_cast %scan3A_46 : i32 to index
    %swap3A_60 = tpu.vector_load %arg16[%swap3A_59] masked %ge3A_49 {strides = array<i32>} : memref<8208xf32, #tpu.memory_space<vmem>>, vector<16xf32>, vector<16xi1>
    tpu.vector_store %arg16[%swap3A_59], %broadcast_in_dim3A_58 masked %ge3A_49 {strides = array<i32>} : memref<8208xf32, #tpu.memory_space<vmem>>, vector<16xf32>, vector<16xi1>
    %broadcast_in_dim3A_61 = arith.constant 0 : i32
    %broadcast_in_dim3A_62 = vector.broadcast %broadcast_in_dim3A_61 : i32 to vector<16xi32>
    %swap3A_63 = arith.index_cast %scan3A_46 : i32 to index
    %swap3A_64 = tpu.vector_load %arg17[%swap3A_63] masked %ge3A_49 {strides = array<i32>} : memref<8208xi32, #tpu.memory_space<vmem>>, vector<16xi32>, vector<16xi1>
    tpu.vector_store %arg17[%swap3A_63], %broadcast_in_dim3A_62 masked %ge3A_49 {strides = array<i32>} : memref<8208xi32, #tpu.memory_space<vmem>>, vector<16xi32>, vector<16xi1>
    %add3A_65 = arith.constant 15 : i32
    %add3A_66 = arith.addi %scan3A_46, %add3A_65 : i32
    %jit3A_67 = arith.constant 16 : i32
    %div3A_68 = arith.divsi %add3A_66, %jit3A_67 : i32
    %sign3A_69 = arith.constant 0 : i32
    %sign3A_70 = arith.cmpi sgt, %add3A_66, %sign3A_69 : i32
    %sign3A_71 = arith.extui %sign3A_70 : i1 to i32
    %sign3A_72 = arith.constant 0 : i32
    %sign3A_73 = arith.cmpi slt, %add3A_66, %sign3A_72 : i32
    %sign3A_74 = arith.extui %sign3A_73 : i1 to i32
    %sign3A_75 = arith.subi %sign3A_71, %sign3A_74 : i32
    %sign3A_76 = arith.constant 0 : i32
    %sign3A_77 = arith.cmpi sgt, %jit3A_67, %sign3A_76 : i32
    %sign3A_78 = arith.extui %sign3A_77 : i1 to i32
    %sign3A_79 = arith.constant 0 : i32
    %sign3A_80 = arith.cmpi slt, %jit3A_67, %sign3A_79 : i32
    %sign3A_81 = arith.extui %sign3A_80 : i1 to i32
    %sign3A_82 = arith.subi %sign3A_78, %sign3A_81 : i32
    %ne3A_83 = arith.cmpi ne, %sign3A_75, %sign3A_82 : i32
    %rem3A_84 = arith.remsi %add3A_66, %jit3A_67 : i32
    %ne3A_85 = arith.constant 0 : i32
    %ne3A_86 = arith.cmpi ne, %rem3A_84, %ne3A_85 : i32
    %and3A_87 = arith.andi %ne3A_83, %ne3A_86 : i1
    %sub3A_88 = arith.constant 1 : i32
    %sub3A_89 = arith.subi %div3A_68, %sub3A_88 : i32
    %select_n3A_90 = arith.select %and3A_87, %sub3A_89, %div3A_68 : i32
    %scan3A_91 = arith.constant 0 : i32
    %scan3A_92 = arith.constant 0 : i32
    %scan3A_93 = arith.constant 8 : i32
    %scan3A_94 = arith.addi %scan3A_92, %scan3A_93 : i32
    %scan3A_95 = arith.constant 1 : i32
    %scan3A_96 = scf.for %scan3A_98 = %scan3A_92 to %scan3A_94 step %scan3A_95 iter_args(%scan3A_99 = %scan3A_91) -> (i32)  : i32 {
      %mul3A_100 = arith.constant 16 : i32
      %mul3A_101 = arith.muli %scan3A_98, %mul3A_100 : i32
      %get3A = arith.index_cast %mul3A_101 : i32 to index
      %get3A_102 = tpu.vector_load %arg18[%get3A] {strides = array<i32>} : memref<128xf32, #tpu.memory_space<vmem>>, vector<16xf32>,
      %get3A_103 = vector.shape_cast %get3A_102 : vector<16xf32> to vector<16xf32>
      %mul3A_104 = arith.constant 16 : i32
      %mul3A_105 = arith.muli %scan3A_98, %mul3A_104 : i32
      %get3A_106 = arith.index_cast %mul3A_105 : i32 to index
      %get3A_107 = tpu.vector_load %arg19[%get3A_106] {strides = array<i32>} : memref<128xf32, #tpu.memory_space<vmem>>, vector<16xf32>,
      %get3A_108 = vector.shape_cast %get3A_107 : vector<16xf32> to vector<16xf32>
      %mul3A_109 = arith.constant 16 : i32
      %mul3A_110 = arith.muli %scan3A_98, %mul3A_109 : i32
      %get3A_111 = arith.index_cast %mul3A_110 : i32 to index
      %get3A_112 = tpu.vector_load %arg20[%get3A_111] {strides = array<i32>} : memref<128xf32, #tpu.memory_space<vmem>>, vector<16xf32>,
      %get3A_113 = vector.shape_cast %get3A_112 : vector<16xf32> to vector<16xf32>
      %scan3A_114 = arith.constant 0 : i32
      %scan3A_115 = arith.constant 0 : i32
      %scan3A_116 = arith.constant 16 : i32
      %scan3A_117 = arith.addi %scan3A_115, %scan3A_116 : i32
      %scan3A_118 = arith.constant 1 : i32
      %scan3A_119 = scf.for %scan3A_122 = %scan3A_115 to %scan3A_117 step %scan3A_118 iter_args(%scan3A_123 = %scan3A_114) -> (i32)  : i32 {
        %broadcast_in_dim3A_124 = arith.constant 0 : i32
        %broadcast_in_dim3A_125 = vector.broadcast %broadcast_in_dim3A_124 : i32 to vector<16xi32>
        %add3A_126 = vector.broadcast %scan3A_122 : i32 to vector<16xi32>
        %add3A_127 = arith.addi %broadcast_in_dim3A_125, %add3A_126 : vector<16xi32>
        %lt3A = arith.constant 0 : i32
        %lt3A_128 = vector.broadcast %lt3A : i32 to vector<16xi32>
        %lt3A_129 = arith.cmpi slt, %add3A_127, %lt3A_128 : vector<16xi32>
        %add3A_130 = arith.constant 16 : i32
        %add3A_131 = vector.broadcast %add3A_130 : i32 to vector<16xi32>
        %add3A_132 = arith.addi %add3A_127, %add3A_131 : vector<16xi32>
        %select_n3A_133 = arith.select %lt3A_129, %add3A_132, %add3A_127 : vector<16xi1>, vector<16xi32>
        %broadcast_in_dim3A_134 = vector.shape_cast %select_n3A_133 : vector<16xi32> to vector<16x1xi32>
        %gather3A = vector.shape_cast %broadcast_in_dim3A_134 : vector<16x1xi32> to vector<16xi32>
        %gather3A_135 = tpu.dynamic_gather %get3A_103[%gather3A] in [0] : vector<16xf32>, vector<16xi32> -> vector<16xf32>
        %lt3A_136 = arith.constant 0 : i32
        %lt3A_137 = vector.broadcast %lt3A_136 : i32 to vector<16xi32>
        %lt3A_138 = arith.cmpi slt, %add3A_127, %lt3A_137 : vector<16xi32>
        %add3A_139 = arith.constant 16 : i32
        %add3A_140 = vector.broadcast %add3A_139 : i32 to vector<16xi32>
        %add3A_141 = arith.addi %add3A_127, %add3A_140 : vector<16xi32>
        %select_n3A_142 = arith.select %lt3A_138, %add3A_141, %add3A_127 : vector<16xi1>, vector<16xi32>
        %broadcast_in_dim3A_143 = vector.shape_cast %select_n3A_142 : vector<16xi32> to vector<16x1xi32>
        %gather3A_144 = vector.shape_cast %broadcast_in_dim3A_143 : vector<16x1xi32> to vector<16xi32>
        %gather3A_145 = tpu.dynamic_gather %get3A_108[%gather3A_144] in [0] : vector<16xf32>, vector<16xi32> -> vector<16xf32>
        %lt3A_146 = arith.constant 0 : i32
        %lt3A_147 = vector.broadcast %lt3A_146 : i32 to vector<16xi32>
        %lt3A_148 = arith.cmpi slt, %add3A_127, %lt3A_147 : vector<16xi32>
        %add3A_149 = arith.constant 16 : i32
        %add3A_150 = vector.broadcast %add3A_149 : i32 to vector<16xi32>
        %add3A_151 = arith.addi %add3A_127, %add3A_150 : vector<16xi32>
        %select_n3A_152 = arith.select %lt3A_148, %add3A_151, %add3A_127 : vector<16xi1>, vector<16xi32>
        %broadcast_in_dim3A_153 = vector.shape_cast %select_n3A_152 : vector<16xi32> to vector<16x1xi32>
        %gather3A_154 = vector.shape_cast %broadcast_in_dim3A_153 : vector<16x1xi32> to vector<16xi32>
        %gather3A_155 = tpu.dynamic_gather %get3A_113[%gather3A_154] in [0] : vector<16xf32>, vector<16xi32> -> vector<16xf32>
        %broadcast_in_dim3A_156 = arith.constant 2147483647 : i32
        %broadcast_in_dim3A_157 = vector.broadcast %broadcast_in_dim3A_156 : i32 to vector<16xi32>
        %while3A = arith.constant 0 : i32
        %while3A_158 = arith.subi %select_n3A_90, %while3A : i32
        %while3A_159 = arith.addi %while3A, %while3A_158 : i32
        %while3A_160 = arith.constant 1 : i32
        %while3A_161 = arith.divsi %while3A_158, %while3A_160 : i32
        %while3A_162 = arith.muli %while3A_161, %while3A_160 : i32
        %while3A_163 = arith.addi %while3A, %while3A_162 : i32
        %while3A_164 = arith.constant 1 : i32
        %while3A_165 = scf.for %while3A_205 = %while3A to %while3A_163 step %while3A_164 iter_args(%while3A_206 = %broadcast_in_dim3A_157) -> (vector<16xi32>)  : i32 {
          %mul3A_207 = arith.constant 16 : i32
          %mul3A_208 = arith.muli %while3A_205, %mul3A_207 : i32
          %get3A_209 = arith.index_cast %mul3A_208 : i32 to index
          %get3A_210 = tpu.vector_load %arg14[%get3A_209] {strides = array<i32>} : memref<8208xf32, #tpu.memory_space<vmem>>, vector<16xf32>,
          %sub3A_211 = arith.subf %get3A_210, %gather3A_135 : vector<16xf32>
          %get3A_212 = arith.index_cast %mul3A_208 : i32 to index
          %get3A_213 = tpu.vector_load %arg15[%get3A_212] {strides = array<i32>} : memref<8208xf32, #tpu.memory_space<vmem>>, vector<16xf32>,
          %sub3A_214 = arith.subf %get3A_213, %gather3A_145 : vector<16xf32>
          %get3A_215 = arith.index_cast %mul3A_208 : i32 to index
          %get3A_216 = tpu.vector_load %arg16[%get3A_215] {strides = array<i32>} : memref<8208xf32, #tpu.memory_space<vmem>>, vector<16xf32>,
          %sub3A_217 = arith.subf %get3A_216, %gather3A_155 : vector<16xf32>
          %mul3A_218 = arith.mulf %sub3A_211, %sub3A_211 : vector<16xf32>
          %mul3A_219 = arith.mulf %sub3A_214, %sub3A_214 : vector<16xf32>
          %add3A_220 = arith.addf %mul3A_218, %mul3A_219 : vector<16xf32>
          %mul3A_221 = arith.mulf %sub3A_217, %sub3A_217 : vector<16xf32>
          %add3A_222 = arith.addf %add3A_220, %mul3A_221 : vector<16xf32>
          %le3A = arith.constant 4.000000e+00 : f32
          %le3A_223 = vector.broadcast %le3A : f32 to vector<16xf32>
          %le3A_224 = arith.cmpf ole, %add3A_222, %le3A_223 : vector<16xf32>
          %mul3A_225 = arith.constant 3.276800e+04 : f32
          %mul3A_226 = vector.broadcast %mul3A_225 : f32 to vector<16xf32>
          %mul3A_227 = arith.mulf %add3A_222, %mul3A_226 : vector<16xf32>
          %convert_element_type3A = arith.fptosi %mul3A_227 : vector<16xf32> to vector<16xi32>
          %mul3A_228 = arith.constant 8192 : i32
          %mul3A_229 = vector.broadcast %mul3A_228 : i32 to vector<16xi32>
          %mul3A_230 = arith.muli %convert_element_type3A, %mul3A_229 : vector<16xi32>
          %get3A_231 = arith.index_cast %mul3A_208 : i32 to index
          %get3A_232 = tpu.vector_load %arg17[%get3A_231] {strides = array<i32>} : memref<8208xi32, #tpu.memory_space<vmem>>, vector<16xi32>,
          %add3A_233 = arith.addi %mul3A_230, %get3A_232 : vector<16xi32>
          %jit3A_234 = arith.constant 2147483647 : i32
          %broadcast_in_dim3A_235 = vector.broadcast %jit3A_234 : i32 to vector<16xi32>
          %select_n3A_236 = arith.select %le3A_224, %add3A_233, %broadcast_in_dim3A_235 : vector<16xi1>, vector<16xi32>
          %masked_sort3A = arith.constant dense<true> : vector<16xi1>
          %masked_sort3A_237 = arith.constant -2147483648 : i32
          %masked_sort3A_238 = vector.broadcast %masked_sort3A_237 : i32 to vector<16xi32>
          %masked_sort3A_239 = arith.xori %select_n3A_236, %masked_sort3A_238 : vector<16xi32>
          %masked_sort3A_240, %masked_sort3A_241, %masked_sort3A_242 = tpu.sort %masked_sort3A_239, %select_n3A_236 masked %masked_sort3A : (vector<16xi32>, vector<16xi32>, vector<16xi1>) -> (vector<16xi1>, vector<16xi32>, vector<16xi32>)
          %masked_sort3A_243 = arith.xori %masked_sort3A_241, %masked_sort3A_238 : vector<16xi32>
          %rev3A = arith.constant 15 : i32
          %rev3A_244 = vector.broadcast %rev3A : i32 to vector<16xi32>
          %rev3A_245 = tpu.iota {dimensions = array<i32: 0>} : vector<16xi32>
          %rev3A_246 = arith.subi %rev3A_244, %rev3A_245 : vector<16xi32>
          %rev3A_247 = tpu.dynamic_gather %masked_sort3A_243[%rev3A_246] in [0] : vector<16xi32>, vector<16xi32> -> vector<16xi32>
          %min3A = arith.minsi %while3A_206, %rev3A_247 : vector<16xi32>
          %masked_sort3A_248 = arith.constant dense<true> : vector<16xi1>
          %masked_sort3A_249 = arith.constant -2147483648 : i32
          %masked_sort3A_250 = vector.broadcast %masked_sort3A_249 : i32 to vector<16xi32>
          %masked_sort3A_251 = arith.xori %min3A, %masked_sort3A_250 : vector<16xi32>
          %masked_sort3A_252, %masked_sort3A_253, %masked_sort3A_254 = tpu.sort %masked_sort3A_251, %min3A masked %masked_sort3A_248 : (vector<16xi32>, vector<16xi32>, vector<16xi1>) -> (vector<16xi1>, vector<16xi32>, vector<16xi32>)
          %masked_sort3A_255 = arith.xori %masked_sort3A_253, %masked_sort3A_250 : vector<16xi32>
          scf.yield %masked_sort3A_255 : vector<16xi32>
        }
        %while3A_166 = arith.constant 1 : i32
        %while3A_167 = scf.for %while3A_205 = %while3A_163 to %while3A_159 step %while3A_166 iter_args(%while3A_206 = %while3A_165) -> (vector<16xi32>)  : i32 {
          %mul3A_207 = arith.constant 16 : i32
          %mul3A_208 = arith.muli %while3A_205, %mul3A_207 : i32
          %get3A_209 = arith.index_cast %mul3A_208 : i32 to index
          %get3A_210 = tpu.vector_load %arg14[%get3A_209] {strides = array<i32>} : memref<8208xf32, #tpu.memory_space<vmem>>, vector<16xf32>,
          %sub3A_211 = arith.subf %get3A_210, %gather3A_135 : vector<16xf32>
          %get3A_212 = arith.index_cast %mul3A_208 : i32 to index
          %get3A_213 = tpu.vector_load %arg15[%get3A_212] {strides = array<i32>} : memref<8208xf32, #tpu.memory_space<vmem>>, vector<16xf32>,
          %sub3A_214 = arith.subf %get3A_213, %gather3A_145 : vector<16xf32>
          %get3A_215 = arith.index_cast %mul3A_208 : i32 to index
          %get3A_216 = tpu.vector_load %arg16[%get3A_215] {strides = array<i32>} : memref<8208xf32, #tpu.memory_space<vmem>>, vector<16xf32>,
          %sub3A_217 = arith.subf %get3A_216, %gather3A_155 : vector<16xf32>
          %mul3A_218 = arith.mulf %sub3A_211, %sub3A_211 : vector<16xf32>
          %mul3A_219 = arith.mulf %sub3A_214, %sub3A_214 : vector<16xf32>
          %add3A_220 = arith.addf %mul3A_218, %mul3A_219 : vector<16xf32>
          %mul3A_221 = arith.mulf %sub3A_217, %sub3A_217 : vector<16xf32>
          %add3A_222 = arith.addf %add3A_220, %mul3A_221 : vector<16xf32>
          %le3A = arith.constant 4.000000e+00 : f32
          %le3A_223 = vector.broadcast %le3A : f32 to vector<16xf32>
          %le3A_224 = arith.cmpf ole, %add3A_222, %le3A_223 : vector<16xf32>
          %mul3A_225 = arith.constant 3.276800e+04 : f32
          %mul3A_226 = vector.broadcast %mul3A_225 : f32 to vector<16xf32>
          %mul3A_227 = arith.mulf %add3A_222, %mul3A_226 : vector<16xf32>
          %convert_element_type3A = arith.fptosi %mul3A_227 : vector<16xf32> to vector<16xi32>
          %mul3A_228 = arith.constant 8192 : i32
          %mul3A_229 = vector.broadcast %mul3A_228 : i32 to vector<16xi32>
          %mul3A_230 = arith.muli %convert_element_type3A, %mul3A_229 : vector<16xi32>
          %get3A_231 = arith.index_cast %mul3A_208 : i32 to index
          %get3A_232 = tpu.vector_load %arg17[%get3A_231] {strides = array<i32>} : memref<8208xi32, #tpu.memory_space<vmem>>, vector<16xi32>,
          %add3A_233 = arith.addi %mul3A_230, %get3A_232 : vector<16xi32>
          %jit3A_234 = arith.constant 2147483647 : i32
          %broadcast_in_dim3A_235 = vector.broadcast %jit3A_234 : i32 to vector<16xi32>
          %select_n3A_236 = arith.select %le3A_224, %add3A_233, %broadcast_in_dim3A_235 : vector<16xi1>, vector<16xi32>
          %masked_sort3A = arith.constant dense<true> : vector<16xi1>
          %masked_sort3A_237 = arith.constant -2147483648 : i32
          %masked_sort3A_238 = vector.broadcast %masked_sort3A_237 : i32 to vector<16xi32>
          %masked_sort3A_239 = arith.xori %select_n3A_236, %masked_sort3A_238 : vector<16xi32>
          %masked_sort3A_240, %masked_sort3A_241, %masked_sort3A_242 = tpu.sort %masked_sort3A_239, %select_n3A_236 masked %masked_sort3A : (vector<16xi32>, vector<16xi32>, vector<16xi1>) -> (vector<16xi1>, vector<16xi32>, vector<16xi32>)
          %masked_sort3A_243 = arith.xori %masked_sort3A_241, %masked_sort3A_238 : vector<16xi32>
          %rev3A = arith.constant 15 : i32
          %rev3A_244 = vector.broadcast %rev3A : i32 to vector<16xi32>
          %rev3A_245 = tpu.iota {dimensions = array<i32: 0>} : vector<16xi32>
          %rev3A_246 = arith.subi %rev3A_244, %rev3A_245 : vector<16xi32>
          %rev3A_247 = tpu.dynamic_gather %masked_sort3A_243[%rev3A_246] in [0] : vector<16xi32>, vector<16xi32> -> vector<16xi32>
          %min3A = arith.minsi %while3A_206, %rev3A_247 : vector<16xi32>
          %masked_sort3A_248 = arith.constant dense<true> : vector<16xi1>
          %masked_sort3A_249 = arith.constant -2147483648 : i32
          %masked_sort3A_250 = vector.broadcast %masked_sort3A_249 : i32 to vector<16xi32>
          %masked_sort3A_251 = arith.xori %min3A, %masked_sort3A_250 : vector<16xi32>
          %masked_sort3A_252, %masked_sort3A_253, %masked_sort3A_254 = tpu.sort %masked_sort3A_251, %min3A masked %masked_sort3A_248 : (vector<16xi32>, vector<16xi32>, vector<16xi1>) -> (vector<16xi1>, vector<16xi32>, vector<16xi32>)
          %masked_sort3A_255 = arith.xori %masked_sort3A_253, %masked_sort3A_250 : vector<16xi32>
          scf.yield %masked_sort3A_255 : vector<16xi32>
        }
        %lt3A_168 = arith.constant 2147483647 : i32
        %lt3A_169 = vector.broadcast %lt3A_168 : i32 to vector<16xi32>
        %lt3A_170 = arith.cmpi slt, %while3A_167, %lt3A_169 : vector<16xi32>
        %and3A_171 = arith.constant 8191 : i32
        %and3A_172 = vector.broadcast %and3A_171 : i32 to vector<16xi32>
        %and3A_173 = arith.andi %while3A_167, %and3A_172 : vector<16xi32>
        %jit3A_174 = arith.constant 0 : i32
        %broadcast_in_dim3A_175 = vector.broadcast %jit3A_174 : i32 to vector<16xi32>
        %select_n3A_176 = arith.select %lt3A_170, %and3A_173, %broadcast_in_dim3A_175 : vector<16xi1>, vector<16xi32>
        %gather3A_177 = tpu.vector_load_idx %arg11[%select_n3A_176] : memref<8192xf32, #tpu.memory_space<vmem>>[vector<16xi32>], vector<16xf32>,
        %gather3A_178 = tpu.vector_load_idx %arg12[%select_n3A_176] : memref<8192xf32, #tpu.memory_space<vmem>>[vector<16xi32>], vector<16xf32>,
        %gather3A_179 = tpu.vector_load_idx %arg13[%select_n3A_176] : memref<8192xf32, #tpu.memory_space<vmem>>[vector<16xi32>], vector<16xf32>,
        %mul3A_180 = arith.constant 16 : i32
        %mul3A_181 = arith.muli %scan3A_98, %mul3A_180 : i32
        %add3A_182 = arith.addi %mul3A_181, %scan3A_122 : i32
        %sub3A_183 = arith.subf %gather3A_177, %gather3A_135 : vector<16xf32>
        %jit3A_184 = arith.constant 1.000000e+06 : f32
        %broadcast_in_dim3A_185 = vector.broadcast %jit3A_184 : f32 to vector<16xf32>
        %select_n3A_186 = arith.select %lt3A_170, %sub3A_183, %broadcast_in_dim3A_185 : vector<16xi1>, vector<16xf32>
        %swap3A_187 = arith.index_cast %add3A_182 : i32 to index
        %swap3A_188 = arith.constant 0 : index
        %swap3A_189 = tpu.vector_load %arg21[%swap3A_187, %swap3A_188] {strides = array<i32>} : memref<128x16xf32, #tpu.memory_space<vmem>>, vector<16xf32>,
        tpu.vector_store %arg21[%swap3A_187, %swap3A_188], %select_n3A_186 {strides = array<i32>} : memref<128x16xf32, #tpu.memory_space<vmem>>, vector<16xf32>,
        %sub3A_190 = arith.subf %gather3A_178, %gather3A_145 : vector<16xf32>
        %jit3A_191 = arith.constant 1.000000e+06 : f32
        %broadcast_in_dim3A_192 = vector.broadcast %jit3A_191 : f32 to vector<16xf32>
        %select_n3A_193 = arith.select %lt3A_170, %sub3A_190, %broadcast_in_dim3A_192 : vector<16xi1>, vector<16xf32>
        %swap3A_194 = arith.index_cast %add3A_182 : i32 to index
        %swap3A_195 = arith.constant 0 : index
        %swap3A_196 = tpu.vector_load %arg22[%swap3A_194, %swap3A_195] {strides = array<i32>} : memref<128x16xf32, #tpu.memory_space<vmem>>, vector<16xf32>,
        tpu.vector_store %arg22[%swap3A_194, %swap3A_195], %select_n3A_193 {strides = array<i32>} : memref<128x16xf32, #tpu.memory_space<vmem>>, vector<16xf32>,
        %sub3A_197 = arith.subf %gather3A_179, %gather3A_155 : vector<16xf32>
        %jit3A_198 = arith.constant 1.000000e+06 : f32
        %broadcast_in_dim3A_199 = vector.broadcast %jit3A_198 : f32 to vector<16xf32>
        %select_n3A_200 = arith.select %lt3A_170, %sub3A_197, %broadcast_in_dim3A_199 : vector<16xi1>, vector<16xf32>
        %swap3A_201 = arith.index_cast %add3A_182 : i32 to index
        %swap3A_202 = arith.constant 0 : index
        %swap3A_203 = tpu.vector_load %arg23[%swap3A_201, %swap3A_202] {strides = array<i32>} : memref<128x16xf32, #tpu.memory_space<vmem>>, vector<16xf32>,
        tpu.vector_store %arg23[%swap3A_201, %swap3A_202], %select_n3A_200 {strides = array<i32>} : memref<128x16xf32, #tpu.memory_space<vmem>>, vector<16xf32>,
        %scan3A_204 = arith.constant 0 : i32
        scf.yield %scan3A_204 : i32
      }
      %scan3A_120 = arith.constant 16 : i32
      %scan3A_121 = arith.constant 0 : i32
      scf.yield %scan3A_121 : i32
    }
    %scan3A_97 = arith.constant 8 : i32
    "tpu.region"() ({
      %run_scoped3A = tpu.sem_alloc : memref<!tpu.dma_semaphore, #tpu.memory_space<semaphore_mem>>
      %dma_start3A = arith.constant 0 : i32
      %dma_start3A_98 = tpu.memref_slice %arg8[%mul3A_2, %dma_start3A] : memref<4096x16xf32, #tpu.memory_space<hbm>> -> memref<128x16xf32, #tpu.memory_space<hbm>>
      %dma_start3A_99 = arith.constant 0 : i32
      %dma_start3A_100 = tpu.memref_slice %arg8[%mul3A_2, %dma_start3A_99] : memref<4096x16xf32, #tpu.memory_space<hbm>> -> memref<128x16xf32, #tpu.memory_space<hbm>>
      tpu.enqueue_dma source(%arg21 : memref<128x16xf32, #tpu.memory_space<vmem>>) target(%dma_start3A_100 : memref<128x16xf32, #tpu.memory_space<hbm>>) target_semaphore(%run_scoped3A : memref<!tpu.dma_semaphore, #tpu.memory_space<semaphore_mem>>)
      %dma_wait3A = arith.constant 0 : i32
      %dma_wait3A_101 = tpu.memref_slice %arg8[%mul3A_2, %dma_wait3A] : memref<4096x16xf32, #tpu.memory_space<hbm>> -> memref<128x16xf32, #tpu.memory_space<hbm>>
      %dma_wait3A_102 = arith.constant 0 : i32
      %dma_wait3A_103 = tpu.memref_slice %arg8[%mul3A_2, %dma_wait3A_102] : memref<4096x16xf32, #tpu.memory_space<hbm>> -> memref<128x16xf32, #tpu.memory_space<hbm>>
      tpu.wait_dma2 semaphore(%run_scoped3A : memref<!tpu.dma_semaphore, #tpu.memory_space<semaphore_mem>>) src(%arg21 : memref<128x16xf32, #tpu.memory_space<vmem>>) dst(%dma_wait3A_103 : memref<128x16xf32, #tpu.memory_space<hbm>>)
      tpu.yield
    }) : () -> ()
    "tpu.region"() ({
      %run_scoped3A = tpu.sem_alloc : memref<!tpu.dma_semaphore, #tpu.memory_space<semaphore_mem>>
      %dma_start3A = arith.constant 0 : i32
      %dma_start3A_98 = tpu.memref_slice %arg9[%mul3A_2, %dma_start3A] : memref<4096x16xf32, #tpu.memory_space<hbm>> -> memref<128x16xf32, #tpu.memory_space<hbm>>
      %dma_start3A_99 = arith.constant 0 : i32
      %dma_start3A_100 = tpu.memref_slice %arg9[%mul3A_2, %dma_start3A_99] : memref<4096x16xf32, #tpu.memory_space<hbm>> -> memref<128x16xf32, #tpu.memory_space<hbm>>
      tpu.enqueue_dma source(%arg22 : memref<128x16xf32, #tpu.memory_space<vmem>>) target(%dma_start3A_100 : memref<128x16xf32, #tpu.memory_space<hbm>>) target_semaphore(%run_scoped3A : memref<!tpu.dma_semaphore, #tpu.memory_space<semaphore_mem>>)
      %dma_wait3A = arith.constant 0 : i32
      %dma_wait3A_101 = tpu.memref_slice %arg9[%mul3A_2, %dma_wait3A] : memref<4096x16xf32, #tpu.memory_space<hbm>> -> memref<128x16xf32, #tpu.memory_space<hbm>>
      %dma_wait3A_102 = arith.constant 0 : i32
      %dma_wait3A_103 = tpu.memref_slice %arg9[%mul3A_2, %dma_wait3A_102] : memref<4096x16xf32, #tpu.memory_space<hbm>> -> memref<128x16xf32, #tpu.memory_space<hbm>>
      tpu.wait_dma2 semaphore(%run_scoped3A : memref<!tpu.dma_semaphore, #tpu.memory_space<semaphore_mem>>) src(%arg22 : memref<128x16xf32, #tpu.memory_space<vmem>>) dst(%dma_wait3A_103 : memref<128x16xf32, #tpu.memory_space<hbm>>)
      tpu.yield
    }) : () -> ()
    "tpu.region"() ({
      %run_scoped3A = tpu.sem_alloc : memref<!tpu.dma_semaphore, #tpu.memory_space<semaphore_mem>>
      %dma_start3A = arith.constant 0 : i32
      %dma_start3A_98 = tpu.memref_slice %arg10[%mul3A_2, %dma_start3A] : memref<4096x16xf32, #tpu.memory_space<hbm>> -> memref<128x16xf32, #tpu.memory_space<hbm>>
      %dma_start3A_99 = arith.constant 0 : i32
      %dma_start3A_100 = tpu.memref_slice %arg10[%mul3A_2, %dma_start3A_99] : memref<4096x16xf32, #tpu.memory_space<hbm>> -> memref<128x16xf32, #tpu.memory_space<hbm>>
      tpu.enqueue_dma source(%arg23 : memref<128x16xf32, #tpu.memory_space<vmem>>) target(%dma_start3A_100 : memref<128x16xf32, #tpu.memory_space<hbm>>) target_semaphore(%run_scoped3A : memref<!tpu.dma_semaphore, #tpu.memory_space<semaphore_mem>>)
      %dma_wait3A = arith.constant 0 : i32
      %dma_wait3A_101 = tpu.memref_slice %arg10[%mul3A_2, %dma_wait3A] : memref<4096x16xf32, #tpu.memory_space<hbm>> -> memref<128x16xf32, #tpu.memory_space<hbm>>
      %dma_wait3A_102 = arith.constant 0 : i32
      %dma_wait3A_103 = tpu.memref_slice %arg10[%mul3A_2, %dma_wait3A_102] : memref<4096x16xf32, #tpu.memory_space<hbm>> -> memref<128x16xf32, #tpu.memory_space<hbm>>
      tpu.wait_dma2 semaphore(%run_scoped3A : memref<!tpu.dma_semaphore, #tpu.memory_space<semaphore_mem>>) src(%arg23 : memref<128x16xf32, #tpu.memory_space<vmem>>) dst(%dma_wait3A_103 : memref<128x16xf32, #tpu.memory_space<hbm>>)
      tpu.yield
    }) : () -> ()
    return
  }
}

#map = affine_map<(d0, d1) -> (0, 0)>
#map1 = affine_map<(d0, d1) -> (0)>
module attributes {stable_mosaic.version = 14 : i64} {
  func.func @_rewritten_body(%arg0: i32, %arg1: i32, %arg2: memref<64800x256xf32, #tpu.memory_space<hbm>>, %arg3: memref<4096xf32, #tpu.memory_space<hbm>>, %arg4: memref<4096xf32, #tpu.memory_space<hbm>>, %arg5: memref<1xf32, #tpu.memory_space<hbm>>, %arg6: memref<4096x256xf32, #tpu.memory_space<hbm>>, %arg7: memref<128xf32, #tpu.memory_space<vmem>>, %arg8: memref<128xf32, #tpu.memory_space<vmem>>, %arg9: memref<64xi32, #tpu.memory_space<vmem>>, %arg10: memref<64x256xf32, #tpu.memory_space<vmem>>, %arg11: memref<16x256xf32, #tpu.memory_space<vmem>>, %arg12: memref<!tpu.dma_semaphore, #tpu.memory_space<semaphore_mem>>) attributes {dimension_semantics = [#tpu.dimension_semantics<core_parallel>, #tpu.dimension_semantics<subcore_parallel>], iteration_bounds = array<i64: 2, 16>, scalar_prefetch = 0 : i64, scratch_operands = 6 : i64, tpu.core_type = #tpu.core_type<sc_vector_subcore>, window_params = [{transform_indices = #map}, {transform_indices = #map1}, {transform_indices = #map1}, {transform_indices = #map1}, {transform_indices = #map}]} {
    %empty_ref3A = memref.alloca() : memref<16xf32, #tpu.memory_space<vmem>>
    "tpu.region"() ({
      %run_scoped3A = tpu.sem_alloc : memref<!tpu.dma_semaphore, #tpu.memory_space<semaphore_mem>>
      %dma_start3A = arith.constant 0 : i32
      %dma_start3A_29 = tpu.memref_slice %empty_ref3A[%dma_start3A] : memref<16xf32, #tpu.memory_space<vmem>> -> memref<1xf32, #tpu.memory_space<vmem>>
      %dma_start3A_30 = arith.constant 0 : i32
      %dma_start3A_31 = tpu.memref_slice %empty_ref3A[%dma_start3A_30] : memref<16xf32, #tpu.memory_space<vmem>> -> memref<1xf32, #tpu.memory_space<vmem>>
      tpu.enqueue_dma source(%arg5 : memref<1xf32, #tpu.memory_space<hbm>>) target(%dma_start3A_31 : memref<1xf32, #tpu.memory_space<vmem>>) target_semaphore(%run_scoped3A : memref<!tpu.dma_semaphore, #tpu.memory_space<semaphore_mem>>)
      %dma_wait3A = arith.constant 0 : i32
      %dma_wait3A_32 = tpu.memref_slice %empty_ref3A[%dma_wait3A] : memref<16xf32, #tpu.memory_space<vmem>> -> memref<1xf32, #tpu.memory_space<vmem>>
      %dma_wait3A_33 = arith.constant 0 : i32
      %dma_wait3A_34 = tpu.memref_slice %empty_ref3A[%dma_wait3A_33] : memref<16xf32, #tpu.memory_space<vmem>> -> memref<1xf32, #tpu.memory_space<vmem>>
      tpu.wait_dma2 semaphore(%run_scoped3A : memref<!tpu.dma_semaphore, #tpu.memory_space<semaphore_mem>>) src(%arg5 : memref<1xf32, #tpu.memory_space<hbm>>) dst(%dma_wait3A_34 : memref<1xf32, #tpu.memory_space<vmem>>)
      tpu.yield
    }) : () -> ()
    %get3A = arith.constant 0 : index
    %get3A_0 = tpu.vector_load %empty_ref3A[%get3A] {strides = array<i32>} : memref<16xf32, #tpu.memory_space<vmem>>, vector<16xf32>,
    %get3A_1 = vector.shape_cast %get3A_0 : vector<16xf32> to vector<16xf32>
    %slice3A = vector.extract_strided_slice %get3A_1 {offsets = [0], sizes = [1], strides = [1]} : vector<16xf32> to vector<1xf32>
    %squeeze3A = vector.extract %slice3A[0] : f32 from vector<1xf32>
    %mul3A = arith.constant 2 : i32
    %mul3A_2 = arith.muli %arg1, %mul3A : i32
    %add3A = arith.addi %mul3A_2, %arg0 : i32
    %mul3A_3 = arith.constant 128 : i32
    %mul3A_4 = arith.muli %add3A, %mul3A_3 : i32
    %jit3A = arith.constant 2048 : i32
    %div3A = arith.divsi %mul3A_4, %jit3A : i32
    %sign3A = arith.constant 0 : i32
    %sign3A_5 = arith.cmpi sgt, %mul3A_4, %sign3A : i32
    %sign3A_6 = arith.extui %sign3A_5 : i1 to i32
    %sign3A_7 = arith.constant 0 : i32
    %sign3A_8 = arith.cmpi slt, %mul3A_4, %sign3A_7 : i32
    %sign3A_9 = arith.extui %sign3A_8 : i1 to i32
    %sign3A_10 = arith.subi %sign3A_6, %sign3A_9 : i32
    %sign3A_11 = arith.constant 0 : i32
    %sign3A_12 = arith.cmpi sgt, %jit3A, %sign3A_11 : i32
    %sign3A_13 = arith.extui %sign3A_12 : i1 to i32
    %sign3A_14 = arith.constant 0 : i32
    %sign3A_15 = arith.cmpi slt, %jit3A, %sign3A_14 : i32
    %sign3A_16 = arith.extui %sign3A_15 : i1 to i32
    %sign3A_17 = arith.subi %sign3A_13, %sign3A_16 : i32
    %ne3A = arith.cmpi ne, %sign3A_10, %sign3A_17 : i32
    %rem3A = arith.remsi %mul3A_4, %jit3A : i32
    %ne3A_18 = arith.constant 0 : i32
    %ne3A_19 = arith.cmpi ne, %rem3A, %ne3A_18 : i32
    %and3A = arith.andi %ne3A, %ne3A_19 : i1
    %sub3A = arith.constant 1 : i32
    %sub3A_20 = arith.subi %div3A, %sub3A : i32
    %select_n3A = arith.select %and3A, %sub3A_20, %div3A : i32
    %mul3A_21 = arith.constant 32400 : i32
    %mul3A_22 = arith.muli %select_n3A, %mul3A_21 : i32
    "tpu.region"() ({
      %run_scoped3A = tpu.sem_alloc : memref<!tpu.dma_semaphore, #tpu.memory_space<semaphore_mem>>
      %dma_start3A = tpu.memref_slice %arg3[%mul3A_4] : memref<4096xf32, #tpu.memory_space<hbm>> -> memref<128xf32, #tpu.memory_space<hbm>>
      %dma_start3A_29 = tpu.memref_slice %arg3[%mul3A_4] : memref<4096xf32, #tpu.memory_space<hbm>> -> memref<128xf32, #tpu.memory_space<hbm>>
      tpu.enqueue_dma source(%dma_start3A_29 : memref<128xf32, #tpu.memory_space<hbm>>) target(%arg7 : memref<128xf32, #tpu.memory_space<vmem>>) target_semaphore(%run_scoped3A : memref<!tpu.dma_semaphore, #tpu.memory_space<semaphore_mem>>)
      %dma_wait3A = tpu.memref_slice %arg3[%mul3A_4] : memref<4096xf32, #tpu.memory_space<hbm>> -> memref<128xf32, #tpu.memory_space<hbm>>
      %dma_wait3A_30 = tpu.memref_slice %arg3[%mul3A_4] : memref<4096xf32, #tpu.memory_space<hbm>> -> memref<128xf32, #tpu.memory_space<hbm>>
      tpu.wait_dma2 semaphore(%run_scoped3A : memref<!tpu.dma_semaphore, #tpu.memory_space<semaphore_mem>>) src(%dma_wait3A_30 : memref<128xf32, #tpu.memory_space<hbm>>) dst(%arg7 : memref<128xf32, #tpu.memory_space<vmem>>)
      tpu.yield
    }) : () -> ()
    "tpu.region"() ({
      %run_scoped3A = tpu.sem_alloc : memref<!tpu.dma_semaphore, #tpu.memory_space<semaphore_mem>>
      %dma_start3A = tpu.memref_slice %arg4[%mul3A_4] : memref<4096xf32, #tpu.memory_space<hbm>> -> memref<128xf32, #tpu.memory_space<hbm>>
      %dma_start3A_29 = tpu.memref_slice %arg4[%mul3A_4] : memref<4096xf32, #tpu.memory_space<hbm>> -> memref<128xf32, #tpu.memory_space<hbm>>
      tpu.enqueue_dma source(%dma_start3A_29 : memref<128xf32, #tpu.memory_space<hbm>>) target(%arg8 : memref<128xf32, #tpu.memory_space<vmem>>) target_semaphore(%run_scoped3A : memref<!tpu.dma_semaphore, #tpu.memory_space<semaphore_mem>>)
      %dma_wait3A = tpu.memref_slice %arg4[%mul3A_4] : memref<4096xf32, #tpu.memory_space<hbm>> -> memref<128xf32, #tpu.memory_space<hbm>>
      %dma_wait3A_30 = tpu.memref_slice %arg4[%mul3A_4] : memref<4096xf32, #tpu.memory_space<hbm>> -> memref<128xf32, #tpu.memory_space<hbm>>
      tpu.wait_dma2 semaphore(%run_scoped3A : memref<!tpu.dma_semaphore, #tpu.memory_space<semaphore_mem>>) src(%dma_wait3A_30 : memref<128xf32, #tpu.memory_space<hbm>>) dst(%arg8 : memref<128xf32, #tpu.memory_space<vmem>>)
      tpu.yield
    }) : () -> ()
    %scan3A = arith.constant 0 : i32
    %scan3A_23 = arith.constant 0 : i32
    %scan3A_24 = arith.constant 8 : i32
    %scan3A_25 = arith.addi %scan3A_23, %scan3A_24 : i32
    %scan3A_26 = arith.constant 1 : i32
    %scan3A_27 = scf.for %scan3A_29 = %scan3A_23 to %scan3A_25 step %scan3A_26 iter_args(%scan3A_30 = %scan3A) -> (i32)  : i32 {
      %mul3A_31 = arith.constant 16 : i32
      %mul3A_32 = arith.muli %scan3A_29, %mul3A_31 : i32
      %get3A_33 = arith.index_cast %mul3A_32 : i32 to index
      %get3A_34 = tpu.vector_load %arg7[%get3A_33] {strides = array<i32>} : memref<128xf32, #tpu.memory_space<vmem>>, vector<16xf32>,
      %get3A_35 = vector.shape_cast %get3A_34 : vector<16xf32> to vector<16xf32>
      %div3A_36 = vector.broadcast %squeeze3A : f32 to vector<16xf32>
      %div3A_37 = arith.divf %get3A_35, %div3A_36 : vector<16xf32>
      %get3A_38 = arith.index_cast %mul3A_32 : i32 to index
      %get3A_39 = tpu.vector_load %arg8[%get3A_38] {strides = array<i32>} : memref<128xf32, #tpu.memory_space<vmem>>, vector<16xf32>,
      %get3A_40 = vector.shape_cast %get3A_39 : vector<16xf32> to vector<16xf32>
      %sub3A_41 = arith.constant -4.000000e+01 : f32
      %sub3A_42 = vector.broadcast %sub3A_41 : f32 to vector<16xf32>
      %sub3A_43 = arith.subf %get3A_40, %sub3A_42 : vector<16xf32>
      %div3A_44 = vector.broadcast %squeeze3A : f32 to vector<16xf32>
      %div3A_45 = arith.divf %sub3A_43, %div3A_44 : vector<16xf32>
      %convert_element_type3A = arith.fptosi %div3A_37 : vector<16xf32> to vector<16xi32>
      %max3A = arith.constant 0 : i32
      %max3A_46 = vector.broadcast %max3A : i32 to vector<16xi32>
      %max3A_47 = arith.maxsi %convert_element_type3A, %max3A_46 : vector<16xi32>
      %min3A = arith.constant 179 : i32
      %min3A_48 = vector.broadcast %min3A : i32 to vector<16xi32>
      %min3A_49 = arith.minsi %max3A_47, %min3A_48 : vector<16xi32>
      %add3A_50 = arith.constant 1 : i32
      %add3A_51 = vector.broadcast %add3A_50 : i32 to vector<16xi32>
      %add3A_52 = arith.addi %min3A_49, %add3A_51 : vector<16xi32>
      %min3A_53 = arith.constant 179 : i32
      %min3A_54 = vector.broadcast %min3A_53 : i32 to vector<16xi32>
      %min3A_55 = arith.minsi %add3A_52, %min3A_54 : vector<16xi32>
      %convert_element_type3A_56 = arith.fptosi %div3A_45 : vector<16xf32> to vector<16xi32>
      %max3A_57 = arith.constant 0 : i32
      %max3A_58 = vector.broadcast %max3A_57 : i32 to vector<16xi32>
      %max3A_59 = arith.maxsi %convert_element_type3A_56, %max3A_58 : vector<16xi32>
      %min3A_60 = arith.constant 179 : i32
      %min3A_61 = vector.broadcast %min3A_60 : i32 to vector<16xi32>
      %min3A_62 = arith.minsi %max3A_59, %min3A_61 : vector<16xi32>
      %add3A_63 = arith.constant 1 : i32
      %add3A_64 = vector.broadcast %add3A_63 : i32 to vector<16xi32>
      %add3A_65 = arith.addi %min3A_62, %add3A_64 : vector<16xi32>
      %min3A_66 = arith.constant 179 : i32
      %min3A_67 = vector.broadcast %min3A_66 : i32 to vector<16xi32>
      %min3A_68 = arith.minsi %add3A_65, %min3A_67 : vector<16xi32>
      %mul3A_69 = arith.constant 180 : i32
      %mul3A_70 = vector.broadcast %mul3A_69 : i32 to vector<16xi32>
      %mul3A_71 = arith.muli %min3A_62, %mul3A_70 : vector<16xi32>
      %add3A_72 = vector.broadcast %mul3A_22 : i32 to vector<16xi32>
      %add3A_73 = arith.addi %add3A_72, %mul3A_71 : vector<16xi32>
      %add3A_74 = arith.addi %add3A_73, %min3A_49 : vector<16xi32>
      %swap3A = arith.constant 0 : index
      %swap3A_75 = tpu.vector_load %arg9[%swap3A] {strides = array<i32>} : memref<64xi32, #tpu.memory_space<vmem>>, vector<16xi32>,
      %swap3A_76 = vector.shape_cast %swap3A_75 : vector<16xi32> to vector<16xi32>
      %swap3A_77 = vector.shape_cast %add3A_74 : vector<16xi32> to vector<16xi32>
      tpu.vector_store %arg9[%swap3A], %swap3A_77 {strides = array<i32>} : memref<64xi32, #tpu.memory_space<vmem>>, vector<16xi32>,
      %mul3A_78 = arith.constant 180 : i32
      %mul3A_79 = vector.broadcast %mul3A_78 : i32 to vector<16xi32>
      %mul3A_80 = arith.muli %min3A_68, %mul3A_79 : vector<16xi32>
      %add3A_81 = vector.broadcast %mul3A_22 : i32 to vector<16xi32>
      %add3A_82 = arith.addi %add3A_81, %mul3A_80 : vector<16xi32>
      %add3A_83 = arith.addi %add3A_82, %min3A_49 : vector<16xi32>
      %swap3A_84 = arith.constant 16 : index
      %swap3A_85 = tpu.vector_load %arg9[%swap3A_84] {strides = array<i32>} : memref<64xi32, #tpu.memory_space<vmem>>, vector<16xi32>,
      %swap3A_86 = vector.shape_cast %swap3A_85 : vector<16xi32> to vector<16xi32>
      %swap3A_87 = vector.shape_cast %add3A_83 : vector<16xi32> to vector<16xi32>
      tpu.vector_store %arg9[%swap3A_84], %swap3A_87 {strides = array<i32>} : memref<64xi32, #tpu.memory_space<vmem>>, vector<16xi32>,
      %mul3A_88 = arith.constant 180 : i32
      %mul3A_89 = vector.broadcast %mul3A_88 : i32 to vector<16xi32>
      %mul3A_90 = arith.muli %min3A_62, %mul3A_89 : vector<16xi32>
      %add3A_91 = vector.broadcast %mul3A_22 : i32 to vector<16xi32>
      %add3A_92 = arith.addi %add3A_91, %mul3A_90 : vector<16xi32>
      %add3A_93 = arith.addi %add3A_92, %min3A_55 : vector<16xi32>
      %swap3A_94 = arith.constant 32 : index
      %swap3A_95 = tpu.vector_load %arg9[%swap3A_94] {strides = array<i32>} : memref<64xi32, #tpu.memory_space<vmem>>, vector<16xi32>,
      %swap3A_96 = vector.shape_cast %swap3A_95 : vector<16xi32> to vector<16xi32>
      %swap3A_97 = vector.shape_cast %add3A_93 : vector<16xi32> to vector<16xi32>
      tpu.vector_store %arg9[%swap3A_94], %swap3A_97 {strides = array<i32>} : memref<64xi32, #tpu.memory_space<vmem>>, vector<16xi32>,
      %mul3A_98 = arith.constant 180 : i32
      %mul3A_99 = vector.broadcast %mul3A_98 : i32 to vector<16xi32>
      %mul3A_100 = arith.muli %min3A_68, %mul3A_99 : vector<16xi32>
      %add3A_101 = vector.broadcast %mul3A_22 : i32 to vector<16xi32>
      %add3A_102 = arith.addi %add3A_101, %mul3A_100 : vector<16xi32>
      %add3A_103 = arith.addi %add3A_102, %min3A_55 : vector<16xi32>
      %swap3A_104 = arith.constant 48 : index
      %swap3A_105 = tpu.vector_load %arg9[%swap3A_104] {strides = array<i32>} : memref<64xi32, #tpu.memory_space<vmem>>, vector<16xi32>,
      %swap3A_106 = vector.shape_cast %swap3A_105 : vector<16xi32> to vector<16xi32>
      %swap3A_107 = vector.shape_cast %add3A_103 : vector<16xi32> to vector<16xi32>
      tpu.vector_store %arg9[%swap3A_104], %swap3A_107 {strides = array<i32>} : memref<64xi32, #tpu.memory_space<vmem>>, vector<16xi32>,
      %convert_element_type3A_108 = arith.sitofp %min3A_49 : vector<16xi32> to vector<16xf32>
      %convert_element_type3A_109 = arith.sitofp %min3A_55 : vector<16xi32> to vector<16xf32>
      %convert_element_type3A_110 = arith.sitofp %min3A_62 : vector<16xi32> to vector<16xf32>
      %convert_element_type3A_111 = arith.sitofp %min3A_68 : vector<16xi32> to vector<16xf32>
      %sub3A_112 = arith.subf %convert_element_type3A_109, %div3A_37 : vector<16xf32>
      %sub3A_113 = arith.subf %convert_element_type3A_111, %div3A_45 : vector<16xf32>
      %mul3A_114 = arith.mulf %sub3A_112, %sub3A_113 : vector<16xf32>
      %sub3A_115 = arith.subf %convert_element_type3A_109, %div3A_37 : vector<16xf32>
      %sub3A_116 = arith.subf %div3A_45, %convert_element_type3A_110 : vector<16xf32>
      %mul3A_117 = arith.mulf %sub3A_115, %sub3A_116 : vector<16xf32>
      %sub3A_118 = arith.subf %div3A_37, %convert_element_type3A_108 : vector<16xf32>
      %sub3A_119 = arith.subf %convert_element_type3A_111, %div3A_45 : vector<16xf32>
      %mul3A_120 = arith.mulf %sub3A_118, %sub3A_119 : vector<16xf32>
      %sub3A_121 = arith.subf %div3A_37, %convert_element_type3A_108 : vector<16xf32>
      %sub3A_122 = arith.subf %div3A_45, %convert_element_type3A_110 : vector<16xf32>
      %mul3A_123 = arith.mulf %sub3A_121, %sub3A_122 : vector<16xf32>
      %dma_start3A = arith.constant 0 : i32
      %dma_start3A_124 = arith.constant 0 : i32
      %dma_start3A_125 = tpu.memref_slice %arg2[%dma_start3A, %dma_start3A_124] : memref<64800x256xf32, #tpu.memory_space<hbm>> -> memref<64800x256xf32, #tpu.memory_space<hbm>>
      tpu.enqueue_indirect_dma source(%dma_start3A_125 : memref<64800x256xf32, #tpu.memory_space<hbm>>) target(%arg10 : memref<64x256xf32, #tpu.memory_space<vmem>>) offsets(%arg9 : memref<64xi32, #tpu.memory_space<vmem>>) semaphore(%arg12 : memref<!tpu.dma_semaphore, #tpu.memory_space<semaphore_mem>>)
      %dma_wait3A = arith.constant 0 : i32
      %dma_wait3A_126 = arith.constant 0 : i32
      %dma_wait3A_127 = tpu.memref_slice %arg2[%dma_wait3A, %dma_wait3A_126] : memref<64800x256xf32, #tpu.memory_space<hbm>> -> memref<64800x256xf32, #tpu.memory_space<hbm>>
      tpu.wait_indirect_dma semaphore(%arg12 : memref<!tpu.dma_semaphore, #tpu.memory_space<semaphore_mem>>) src(%dma_wait3A_127 : memref<64800x256xf32, #tpu.memory_space<hbm>>) dst(%arg10 : memref<64x256xf32, #tpu.memory_space<vmem>>)
      %scan3A_128 = arith.constant 0 : i32
      %scan3A_129 = arith.constant 0 : i32
      %scan3A_130 = arith.constant 16 : i32
      %scan3A_131 = arith.addi %scan3A_129, %scan3A_130 : i32
      %scan3A_132 = arith.constant 1 : i32
      %scan3A_133 = scf.for %scan3A_137 = %scan3A_129 to %scan3A_131 step %scan3A_132 iter_args(%scan3A_138 = %scan3A_128) -> (i32)  : i32 {
        %broadcast_in_dim3A = arith.constant 0 : i32
        %broadcast_in_dim3A_139 = vector.broadcast %broadcast_in_dim3A : i32 to vector<16xi32>
        %add3A_140 = vector.broadcast %scan3A_137 : i32 to vector<16xi32>
        %add3A_141 = arith.addi %broadcast_in_dim3A_139, %add3A_140 : vector<16xi32>
        %lt3A = arith.constant 0 : i32
        %lt3A_142 = vector.broadcast %lt3A : i32 to vector<16xi32>
        %lt3A_143 = arith.cmpi slt, %add3A_141, %lt3A_142 : vector<16xi32>
        %add3A_144 = arith.constant 16 : i32
        %add3A_145 = vector.broadcast %add3A_144 : i32 to vector<16xi32>
        %add3A_146 = arith.addi %add3A_141, %add3A_145 : vector<16xi32>
        %select_n3A_147 = arith.select %lt3A_143, %add3A_146, %add3A_141 : vector<16xi1>, vector<16xi32>
        %broadcast_in_dim3A_148 = vector.shape_cast %select_n3A_147 : vector<16xi32> to vector<16x1xi32>
        %gather3A = vector.shape_cast %broadcast_in_dim3A_148 : vector<16x1xi32> to vector<16xi32>
        %gather3A_149 = tpu.dynamic_gather %mul3A_114[%gather3A] in [0] : vector<16xf32>, vector<16xi32> -> vector<16xf32>
        %lt3A_150 = arith.constant 0 : i32
        %lt3A_151 = vector.broadcast %lt3A_150 : i32 to vector<16xi32>
        %lt3A_152 = arith.cmpi slt, %add3A_141, %lt3A_151 : vector<16xi32>
        %add3A_153 = arith.constant 16 : i32
        %add3A_154 = vector.broadcast %add3A_153 : i32 to vector<16xi32>
        %add3A_155 = arith.addi %add3A_141, %add3A_154 : vector<16xi32>
        %select_n3A_156 = arith.select %lt3A_152, %add3A_155, %add3A_141 : vector<16xi1>, vector<16xi32>
        %broadcast_in_dim3A_157 = vector.shape_cast %select_n3A_156 : vector<16xi32> to vector<16x1xi32>
        %gather3A_158 = vector.shape_cast %broadcast_in_dim3A_157 : vector<16x1xi32> to vector<16xi32>
        %gather3A_159 = tpu.dynamic_gather %mul3A_117[%gather3A_158] in [0] : vector<16xf32>, vector<16xi32> -> vector<16xf32>
        %lt3A_160 = arith.constant 0 : i32
        %lt3A_161 = vector.broadcast %lt3A_160 : i32 to vector<16xi32>
        %lt3A_162 = arith.cmpi slt, %add3A_141, %lt3A_161 : vector<16xi32>
        %add3A_163 = arith.constant 16 : i32
        %add3A_164 = vector.broadcast %add3A_163 : i32 to vector<16xi32>
        %add3A_165 = arith.addi %add3A_141, %add3A_164 : vector<16xi32>
        %select_n3A_166 = arith.select %lt3A_162, %add3A_165, %add3A_141 : vector<16xi1>, vector<16xi32>
        %broadcast_in_dim3A_167 = vector.shape_cast %select_n3A_166 : vector<16xi32> to vector<16x1xi32>
        %gather3A_168 = vector.shape_cast %broadcast_in_dim3A_167 : vector<16x1xi32> to vector<16xi32>
        %gather3A_169 = tpu.dynamic_gather %mul3A_120[%gather3A_168] in [0] : vector<16xf32>, vector<16xi32> -> vector<16xf32>
        %lt3A_170 = arith.constant 0 : i32
        %lt3A_171 = vector.broadcast %lt3A_170 : i32 to vector<16xi32>
        %lt3A_172 = arith.cmpi slt, %add3A_141, %lt3A_171 : vector<16xi32>
        %add3A_173 = arith.constant 16 : i32
        %add3A_174 = vector.broadcast %add3A_173 : i32 to vector<16xi32>
        %add3A_175 = arith.addi %add3A_141, %add3A_174 : vector<16xi32>
        %select_n3A_176 = arith.select %lt3A_172, %add3A_175, %add3A_141 : vector<16xi1>, vector<16xi32>
        %broadcast_in_dim3A_177 = vector.shape_cast %select_n3A_176 : vector<16xi32> to vector<16x1xi32>
        %gather3A_178 = vector.shape_cast %broadcast_in_dim3A_177 : vector<16x1xi32> to vector<16xi32>
        %gather3A_179 = tpu.dynamic_gather %mul3A_123[%gather3A_178] in [0] : vector<16xf32>, vector<16xi32> -> vector<16xf32>
        %get3A_180 = arith.index_cast %scan3A_137 : i32 to index
        %get3A_181 = arith.constant 0 : index
        %get3A_182 = tpu.vector_load %arg10[%get3A_180, %get3A_181] {strides = array<i32>} : memref<64x256xf32, #tpu.memory_space<vmem>>, vector<1x16xf32>,
        %get3A_183 = vector.shape_cast %get3A_182 : vector<1x16xf32> to vector<16xf32>
        %mul3A_184 = arith.mulf %get3A_183, %gather3A_149 : vector<16xf32>
        %add3A_185 = arith.constant 16 : i32
        %add3A_186 = arith.addi %scan3A_137, %add3A_185 : i32
        %get3A_187 = arith.index_cast %add3A_186 : i32 to index
        %get3A_188 = arith.constant 0 : index
        %get3A_189 = tpu.vector_load %arg10[%get3A_187, %get3A_188] {strides = array<i32>} : memref<64x256xf32, #tpu.memory_space<vmem>>, vector<1x16xf32>,
        %get3A_190 = vector.shape_cast %get3A_189 : vector<1x16xf32> to vector<16xf32>
        %mul3A_191 = arith.mulf %get3A_190, %gather3A_159 : vector<16xf32>
        %add3A_192 = arith.addf %mul3A_184, %mul3A_191 : vector<16xf32>
        %add3A_193 = arith.constant 32 : i32
        %add3A_194 = arith.addi %scan3A_137, %add3A_193 : i32
        %get3A_195 = arith.index_cast %add3A_194 : i32 to index
        %get3A_196 = arith.constant 0 : index
        %get3A_197 = tpu.vector_load %arg10[%get3A_195, %get3A_196] {strides = array<i32>} : memref<64x256xf32, #tpu.memory_space<vmem>>, vector<1x16xf32>,
        %get3A_198 = vector.shape_cast %get3A_197 : vector<1x16xf32> to vector<16xf32>
        %mul3A_199 = arith.mulf %get3A_198, %gather3A_169 : vector<16xf32>
        %add3A_200 = arith.addf %add3A_192, %mul3A_199 : vector<16xf32>
        %add3A_201 = arith.constant 48 : i32
        %add3A_202 = arith.addi %scan3A_137, %add3A_201 : i32
        %get3A_203 = arith.index_cast %add3A_202 : i32 to index
        %get3A_204 = arith.constant 0 : index
        %get3A_205 = tpu.vector_load %arg10[%get3A_203, %get3A_204] {strides = array<i32>} : memref<64x256xf32, #tpu.memory_space<vmem>>, vector<1x16xf32>,
        %get3A_206 = vector.shape_cast %get3A_205 : vector<1x16xf32> to vector<16xf32>
        %mul3A_207 = arith.mulf %get3A_206, %gather3A_179 : vector<16xf32>
        %add3A_208 = arith.addf %add3A_200, %mul3A_207 : vector<16xf32>
        %swap3A_209 = arith.index_cast %scan3A_137 : i32 to index
        %swap3A_210 = arith.constant 0 : index
        %swap3A_211 = tpu.vector_load %arg11[%swap3A_209, %swap3A_210] {strides = array<i32>} : memref<16x256xf32, #tpu.memory_space<vmem>>, vector<1x16xf32>,
        %swap3A_212 = vector.shape_cast %swap3A_211 : vector<1x16xf32> to vector<16xf32>
        %swap3A_213 = vector.shape_cast %add3A_208 : vector<16xf32> to vector<1x16xf32>
        tpu.vector_store %arg11[%swap3A_209, %swap3A_210], %swap3A_213 {strides = array<i32>} : memref<16x256xf32, #tpu.memory_space<vmem>>, vector<1x16xf32>,
        %get3A_214 = arith.index_cast %scan3A_137 : i32 to index
        %get3A_215 = arith.constant 16 : index
        %get3A_216 = tpu.vector_load %arg10[%get3A_214, %get3A_215] {strides = array<i32>} : memref<64x256xf32, #tpu.memory_space<vmem>>, vector<1x16xf32>,
        %get3A_217 = vector.shape_cast %get3A_216 : vector<1x16xf32> to vector<16xf32>
        %mul3A_218 = arith.mulf %get3A_217, %gather3A_149 : vector<16xf32>
        %add3A_219 = arith.constant 16 : i32
        %add3A_220 = arith.addi %scan3A_137, %add3A_219 : i32
        %get3A_221 = arith.index_cast %add3A_220 : i32 to index
        %get3A_222 = arith.constant 16 : index
        %get3A_223 = tpu.vector_load %arg10[%get3A_221, %get3A_222] {strides = array<i32>} : memref<64x256xf32, #tpu.memory_space<vmem>>, vector<1x16xf32>,
        %get3A_224 = vector.shape_cast %get3A_223 : vector<1x16xf32> to vector<16xf32>
        %mul3A_225 = arith.mulf %get3A_224, %gather3A_159 : vector<16xf32>
        %add3A_226 = arith.addf %mul3A_218, %mul3A_225 : vector<16xf32>
        %add3A_227 = arith.constant 32 : i32
        %add3A_228 = arith.addi %scan3A_137, %add3A_227 : i32
        %get3A_229 = arith.index_cast %add3A_228 : i32 to index
        %get3A_230 = arith.constant 16 : index
        %get3A_231 = tpu.vector_load %arg10[%get3A_229, %get3A_230] {strides = array<i32>} : memref<64x256xf32, #tpu.memory_space<vmem>>, vector<1x16xf32>,
        %get3A_232 = vector.shape_cast %get3A_231 : vector<1x16xf32> to vector<16xf32>
        %mul3A_233 = arith.mulf %get3A_232, %gather3A_169 : vector<16xf32>
        %add3A_234 = arith.addf %add3A_226, %mul3A_233 : vector<16xf32>
        %add3A_235 = arith.constant 48 : i32
        %add3A_236 = arith.addi %scan3A_137, %add3A_235 : i32
        %get3A_237 = arith.index_cast %add3A_236 : i32 to index
        %get3A_238 = arith.constant 16 : index
        %get3A_239 = tpu.vector_load %arg10[%get3A_237, %get3A_238] {strides = array<i32>} : memref<64x256xf32, #tpu.memory_space<vmem>>, vector<1x16xf32>,
        %get3A_240 = vector.shape_cast %get3A_239 : vector<1x16xf32> to vector<16xf32>
        %mul3A_241 = arith.mulf %get3A_240, %gather3A_179 : vector<16xf32>
        %add3A_242 = arith.addf %add3A_234, %mul3A_241 : vector<16xf32>
        %swap3A_243 = arith.index_cast %scan3A_137 : i32 to index
        %swap3A_244 = arith.constant 16 : index
        %swap3A_245 = tpu.vector_load %arg11[%swap3A_243, %swap3A_244] {strides = array<i32>} : memref<16x256xf32, #tpu.memory_space<vmem>>, vector<1x16xf32>,
        %swap3A_246 = vector.shape_cast %swap3A_245 : vector<1x16xf32> to vector<16xf32>
        %swap3A_247 = vector.shape_cast %add3A_242 : vector<16xf32> to vector<1x16xf32>
        tpu.vector_store %arg11[%swap3A_243, %swap3A_244], %swap3A_247 {strides = array<i32>} : memref<16x256xf32, #tpu.memory_space<vmem>>, vector<1x16xf32>,
        %get3A_248 = arith.index_cast %scan3A_137 : i32 to index
        %get3A_249 = arith.constant 32 : index
        %get3A_250 = tpu.vector_load %arg10[%get3A_248, %get3A_249] {strides = array<i32>} : memref<64x256xf32, #tpu.memory_space<vmem>>, vector<1x16xf32>,
        %get3A_251 = vector.shape_cast %get3A_250 : vector<1x16xf32> to vector<16xf32>
        %mul3A_252 = arith.mulf %get3A_251, %gather3A_149 : vector<16xf32>
        %add3A_253 = arith.constant 16 : i32
        %add3A_254 = arith.addi %scan3A_137, %add3A_253 : i32
        %get3A_255 = arith.index_cast %add3A_254 : i32 to index
        %get3A_256 = arith.constant 32 : index
        %get3A_257 = tpu.vector_load %arg10[%get3A_255, %get3A_256] {strides = array<i32>} : memref<64x256xf32, #tpu.memory_space<vmem>>, vector<1x16xf32>,
        %get3A_258 = vector.shape_cast %get3A_257 : vector<1x16xf32> to vector<16xf32>
        %mul3A_259 = arith.mulf %get3A_258, %gather3A_159 : vector<16xf32>
        %add3A_260 = arith.addf %mul3A_252, %mul3A_259 : vector<16xf32>
        %add3A_261 = arith.constant 32 : i32
        %add3A_262 = arith.addi %scan3A_137, %add3A_261 : i32
        %get3A_263 = arith.index_cast %add3A_262 : i32 to index
        %get3A_264 = arith.constant 32 : index
        %get3A_265 = tpu.vector_load %arg10[%get3A_263, %get3A_264] {strides = array<i32>} : memref<64x256xf32, #tpu.memory_space<vmem>>, vector<1x16xf32>,
        %get3A_266 = vector.shape_cast %get3A_265 : vector<1x16xf32> to vector<16xf32>
        %mul3A_267 = arith.mulf %get3A_266, %gather3A_169 : vector<16xf32>
        %add3A_268 = arith.addf %add3A_260, %mul3A_267 : vector<16xf32>
        %add3A_269 = arith.constant 48 : i32
        %add3A_270 = arith.addi %scan3A_137, %add3A_269 : i32
        %get3A_271 = arith.index_cast %add3A_270 : i32 to index
        %get3A_272 = arith.constant 32 : index
        %get3A_273 = tpu.vector_load %arg10[%get3A_271, %get3A_272] {strides = array<i32>} : memref<64x256xf32, #tpu.memory_space<vmem>>, vector<1x16xf32>,
        %get3A_274 = vector.shape_cast %get3A_273 : vector<1x16xf32> to vector<16xf32>
        %mul3A_275 = arith.mulf %get3A_274, %gather3A_179 : vector<16xf32>
        %add3A_276 = arith.addf %add3A_268, %mul3A_275 : vector<16xf32>
        %swap3A_277 = arith.index_cast %scan3A_137 : i32 to index
        %swap3A_278 = arith.constant 32 : index
        %swap3A_279 = tpu.vector_load %arg11[%swap3A_277, %swap3A_278] {strides = array<i32>} : memref<16x256xf32, #tpu.memory_space<vmem>>, vector<1x16xf32>,
        %swap3A_280 = vector.shape_cast %swap3A_279 : vector<1x16xf32> to vector<16xf32>
        %swap3A_281 = vector.shape_cast %add3A_276 : vector<16xf32> to vector<1x16xf32>
        tpu.vector_store %arg11[%swap3A_277, %swap3A_278], %swap3A_281 {strides = array<i32>} : memref<16x256xf32, #tpu.memory_space<vmem>>, vector<1x16xf32>,
        %get3A_282 = arith.index_cast %scan3A_137 : i32 to index
        %get3A_283 = arith.constant 48 : index
        %get3A_284 = tpu.vector_load %arg10[%get3A_282, %get3A_283] {strides = array<i32>} : memref<64x256xf32, #tpu.memory_space<vmem>>, vector<1x16xf32>,
        %get3A_285 = vector.shape_cast %get3A_284 : vector<1x16xf32> to vector<16xf32>
        %mul3A_286 = arith.mulf %get3A_285, %gather3A_149 : vector<16xf32>
        %add3A_287 = arith.constant 16 : i32
        %add3A_288 = arith.addi %scan3A_137, %add3A_287 : i32
        %get3A_289 = arith.index_cast %add3A_288 : i32 to index
        %get3A_290 = arith.constant 48 : index
        %get3A_291 = tpu.vector_load %arg10[%get3A_289, %get3A_290] {strides = array<i32>} : memref<64x256xf32, #tpu.memory_space<vmem>>, vector<1x16xf32>,
        %get3A_292 = vector.shape_cast %get3A_291 : vector<1x16xf32> to vector<16xf32>
        %mul3A_293 = arith.mulf %get3A_292, %gather3A_159 : vector<16xf32>
        %add3A_294 = arith.addf %mul3A_286, %mul3A_293 : vector<16xf32>
        %add3A_295 = arith.constant 32 : i32
        %add3A_296 = arith.addi %scan3A_137, %add3A_295 : i32
        %get3A_297 = arith.index_cast %add3A_296 : i32 to index
        %get3A_298 = arith.constant 48 : index
        %get3A_299 = tpu.vector_load %arg10[%get3A_297, %get3A_298] {strides = array<i32>} : memref<64x256xf32, #tpu.memory_space<vmem>>, vector<1x16xf32>,
        %get3A_300 = vector.shape_cast %get3A_299 : vector<1x16xf32> to vector<16xf32>
        %mul3A_301 = arith.mulf %get3A_300, %gather3A_169 : vector<16xf32>
        %add3A_302 = arith.addf %add3A_294, %mul3A_301 : vector<16xf32>
        %add3A_303 = arith.constant 48 : i32
        %add3A_304 = arith.addi %scan3A_137, %add3A_303 : i32
        %get3A_305 = arith.index_cast %add3A_304 : i32 to index
        %get3A_306 = arith.constant 48 : index
        %get3A_307 = tpu.vector_load %arg10[%get3A_305, %get3A_306] {strides = array<i32>} : memref<64x256xf32, #tpu.memory_space<vmem>>, vector<1x16xf32>,
        %get3A_308 = vector.shape_cast %get3A_307 : vector<1x16xf32> to vector<16xf32>
        %mul3A_309 = arith.mulf %get3A_308, %gather3A_179 : vector<16xf32>
        %add3A_310 = arith.addf %add3A_302, %mul3A_309 : vector<16xf32>
        %swap3A_311 = arith.index_cast %scan3A_137 : i32 to index
        %swap3A_312 = arith.constant 48 : index
        %swap3A_313 = tpu.vector_load %arg11[%swap3A_311, %swap3A_312] {strides = array<i32>} : memref<16x256xf32, #tpu.memory_space<vmem>>, vector<1x16xf32>,
        %swap3A_314 = vector.shape_cast %swap3A_313 : vector<1x16xf32> to vector<16xf32>
        %swap3A_315 = vector.shape_cast %add3A_310 : vector<16xf32> to vector<1x16xf32>
        tpu.vector_store %arg11[%swap3A_311, %swap3A_312], %swap3A_315 {strides = array<i32>} : memref<16x256xf32, #tpu.memory_space<vmem>>, vector<1x16xf32>,
        %get3A_316 = arith.index_cast %scan3A_137 : i32 to index
        %get3A_317 = arith.constant 64 : index
        %get3A_318 = tpu.vector_load %arg10[%get3A_316, %get3A_317] {strides = array<i32>} : memref<64x256xf32, #tpu.memory_space<vmem>>, vector<1x16xf32>,
        %get3A_319 = vector.shape_cast %get3A_318 : vector<1x16xf32> to vector<16xf32>
        %mul3A_320 = arith.mulf %get3A_319, %gather3A_149 : vector<16xf32>
        %add3A_321 = arith.constant 16 : i32
        %add3A_322 = arith.addi %scan3A_137, %add3A_321 : i32
        %get3A_323 = arith.index_cast %add3A_322 : i32 to index
        %get3A_324 = arith.constant 64 : index
        %get3A_325 = tpu.vector_load %arg10[%get3A_323, %get3A_324] {strides = array<i32>} : memref<64x256xf32, #tpu.memory_space<vmem>>, vector<1x16xf32>,
        %get3A_326 = vector.shape_cast %get3A_325 : vector<1x16xf32> to vector<16xf32>
        %mul3A_327 = arith.mulf %get3A_326, %gather3A_159 : vector<16xf32>
        %add3A_328 = arith.addf %mul3A_320, %mul3A_327 : vector<16xf32>
        %add3A_329 = arith.constant 32 : i32
        %add3A_330 = arith.addi %scan3A_137, %add3A_329 : i32
        %get3A_331 = arith.index_cast %add3A_330 : i32 to index
        %get3A_332 = arith.constant 64 : index
        %get3A_333 = tpu.vector_load %arg10[%get3A_331, %get3A_332] {strides = array<i32>} : memref<64x256xf32, #tpu.memory_space<vmem>>, vector<1x16xf32>,
        %get3A_334 = vector.shape_cast %get3A_333 : vector<1x16xf32> to vector<16xf32>
        %mul3A_335 = arith.mulf %get3A_334, %gather3A_169 : vector<16xf32>
        %add3A_336 = arith.addf %add3A_328, %mul3A_335 : vector<16xf32>
        %add3A_337 = arith.constant 48 : i32
        %add3A_338 = arith.addi %scan3A_137, %add3A_337 : i32
        %get3A_339 = arith.index_cast %add3A_338 : i32 to index
        %get3A_340 = arith.constant 64 : index
        %get3A_341 = tpu.vector_load %arg10[%get3A_339, %get3A_340] {strides = array<i32>} : memref<64x256xf32, #tpu.memory_space<vmem>>, vector<1x16xf32>,
        %get3A_342 = vector.shape_cast %get3A_341 : vector<1x16xf32> to vector<16xf32>
        %mul3A_343 = arith.mulf %get3A_342, %gather3A_179 : vector<16xf32>
        %add3A_344 = arith.addf %add3A_336, %mul3A_343 : vector<16xf32>
        %swap3A_345 = arith.index_cast %scan3A_137 : i32 to index
        %swap3A_346 = arith.constant 64 : index
        %swap3A_347 = tpu.vector_load %arg11[%swap3A_345, %swap3A_346] {strides = array<i32>} : memref<16x256xf32, #tpu.memory_space<vmem>>, vector<1x16xf32>,
        %swap3A_348 = vector.shape_cast %swap3A_347 : vector<1x16xf32> to vector<16xf32>
        %swap3A_349 = vector.shape_cast %add3A_344 : vector<16xf32> to vector<1x16xf32>
        tpu.vector_store %arg11[%swap3A_345, %swap3A_346], %swap3A_349 {strides = array<i32>} : memref<16x256xf32, #tpu.memory_space<vmem>>, vector<1x16xf32>,
        %get3A_350 = arith.index_cast %scan3A_137 : i32 to index
        %get3A_351 = arith.constant 80 : index
        %get3A_352 = tpu.vector_load %arg10[%get3A_350, %get3A_351] {strides = array<i32>} : memref<64x256xf32, #tpu.memory_space<vmem>>, vector<1x16xf32>,
        %get3A_353 = vector.shape_cast %get3A_352 : vector<1x16xf32> to vector<16xf32>
        %mul3A_354 = arith.mulf %get3A_353, %gather3A_149 : vector<16xf32>
        %add3A_355 = arith.constant 16 : i32
        %add3A_356 = arith.addi %scan3A_137, %add3A_355 : i32
        %get3A_357 = arith.index_cast %add3A_356 : i32 to index
        %get3A_358 = arith.constant 80 : index
        %get3A_359 = tpu.vector_load %arg10[%get3A_357, %get3A_358] {strides = array<i32>} : memref<64x256xf32, #tpu.memory_space<vmem>>, vector<1x16xf32>,
        %get3A_360 = vector.shape_cast %get3A_359 : vector<1x16xf32> to vector<16xf32>
        %mul3A_361 = arith.mulf %get3A_360, %gather3A_159 : vector<16xf32>
        %add3A_362 = arith.addf %mul3A_354, %mul3A_361 : vector<16xf32>
        %add3A_363 = arith.constant 32 : i32
        %add3A_364 = arith.addi %scan3A_137, %add3A_363 : i32
        %get3A_365 = arith.index_cast %add3A_364 : i32 to index
        %get3A_366 = arith.constant 80 : index
        %get3A_367 = tpu.vector_load %arg10[%get3A_365, %get3A_366] {strides = array<i32>} : memref<64x256xf32, #tpu.memory_space<vmem>>, vector<1x16xf32>,
        %get3A_368 = vector.shape_cast %get3A_367 : vector<1x16xf32> to vector<16xf32>
        %mul3A_369 = arith.mulf %get3A_368, %gather3A_169 : vector<16xf32>
        %add3A_370 = arith.addf %add3A_362, %mul3A_369 : vector<16xf32>
        %add3A_371 = arith.constant 48 : i32
        %add3A_372 = arith.addi %scan3A_137, %add3A_371 : i32
        %get3A_373 = arith.index_cast %add3A_372 : i32 to index
        %get3A_374 = arith.constant 80 : index
        %get3A_375 = tpu.vector_load %arg10[%get3A_373, %get3A_374] {strides = array<i32>} : memref<64x256xf32, #tpu.memory_space<vmem>>, vector<1x16xf32>,
        %get3A_376 = vector.shape_cast %get3A_375 : vector<1x16xf32> to vector<16xf32>
        %mul3A_377 = arith.mulf %get3A_376, %gather3A_179 : vector<16xf32>
        %add3A_378 = arith.addf %add3A_370, %mul3A_377 : vector<16xf32>
        %swap3A_379 = arith.index_cast %scan3A_137 : i32 to index
        %swap3A_380 = arith.constant 80 : index
        %swap3A_381 = tpu.vector_load %arg11[%swap3A_379, %swap3A_380] {strides = array<i32>} : memref<16x256xf32, #tpu.memory_space<vmem>>, vector<1x16xf32>,
        %swap3A_382 = vector.shape_cast %swap3A_381 : vector<1x16xf32> to vector<16xf32>
        %swap3A_383 = vector.shape_cast %add3A_378 : vector<16xf32> to vector<1x16xf32>
        tpu.vector_store %arg11[%swap3A_379, %swap3A_380], %swap3A_383 {strides = array<i32>} : memref<16x256xf32, #tpu.memory_space<vmem>>, vector<1x16xf32>,
        %get3A_384 = arith.index_cast %scan3A_137 : i32 to index
        %get3A_385 = arith.constant 96 : index
        %get3A_386 = tpu.vector_load %arg10[%get3A_384, %get3A_385] {strides = array<i32>} : memref<64x256xf32, #tpu.memory_space<vmem>>, vector<1x16xf32>,
        %get3A_387 = vector.shape_cast %get3A_386 : vector<1x16xf32> to vector<16xf32>
        %mul3A_388 = arith.mulf %get3A_387, %gather3A_149 : vector<16xf32>
        %add3A_389 = arith.constant 16 : i32
        %add3A_390 = arith.addi %scan3A_137, %add3A_389 : i32
        %get3A_391 = arith.index_cast %add3A_390 : i32 to index
        %get3A_392 = arith.constant 96 : index
        %get3A_393 = tpu.vector_load %arg10[%get3A_391, %get3A_392] {strides = array<i32>} : memref<64x256xf32, #tpu.memory_space<vmem>>, vector<1x16xf32>,
        %get3A_394 = vector.shape_cast %get3A_393 : vector<1x16xf32> to vector<16xf32>
        %mul3A_395 = arith.mulf %get3A_394, %gather3A_159 : vector<16xf32>
        %add3A_396 = arith.addf %mul3A_388, %mul3A_395 : vector<16xf32>
        %add3A_397 = arith.constant 32 : i32
        %add3A_398 = arith.addi %scan3A_137, %add3A_397 : i32
        %get3A_399 = arith.index_cast %add3A_398 : i32 to index
        %get3A_400 = arith.constant 96 : index
        %get3A_401 = tpu.vector_load %arg10[%get3A_399, %get3A_400] {strides = array<i32>} : memref<64x256xf32, #tpu.memory_space<vmem>>, vector<1x16xf32>,
        %get3A_402 = vector.shape_cast %get3A_401 : vector<1x16xf32> to vector<16xf32>
        %mul3A_403 = arith.mulf %get3A_402, %gather3A_169 : vector<16xf32>
        %add3A_404 = arith.addf %add3A_396, %mul3A_403 : vector<16xf32>
        %add3A_405 = arith.constant 48 : i32
        %add3A_406 = arith.addi %scan3A_137, %add3A_405 : i32
        %get3A_407 = arith.index_cast %add3A_406 : i32 to index
        %get3A_408 = arith.constant 96 : index
        %get3A_409 = tpu.vector_load %arg10[%get3A_407, %get3A_408] {strides = array<i32>} : memref<64x256xf32, #tpu.memory_space<vmem>>, vector<1x16xf32>,
        %get3A_410 = vector.shape_cast %get3A_409 : vector<1x16xf32> to vector<16xf32>
        %mul3A_411 = arith.mulf %get3A_410, %gather3A_179 : vector<16xf32>
        %add3A_412 = arith.addf %add3A_404, %mul3A_411 : vector<16xf32>
        %swap3A_413 = arith.index_cast %scan3A_137 : i32 to index
        %swap3A_414 = arith.constant 96 : index
        %swap3A_415 = tpu.vector_load %arg11[%swap3A_413, %swap3A_414] {strides = array<i32>} : memref<16x256xf32, #tpu.memory_space<vmem>>, vector<1x16xf32>,
        %swap3A_416 = vector.shape_cast %swap3A_415 : vector<1x16xf32> to vector<16xf32>
        %swap3A_417 = vector.shape_cast %add3A_412 : vector<16xf32> to vector<1x16xf32>
        tpu.vector_store %arg11[%swap3A_413, %swap3A_414], %swap3A_417 {strides = array<i32>} : memref<16x256xf32, #tpu.memory_space<vmem>>, vector<1x16xf32>,
        %get3A_418 = arith.index_cast %scan3A_137 : i32 to index
        %get3A_419 = arith.constant 112 : index
        %get3A_420 = tpu.vector_load %arg10[%get3A_418, %get3A_419] {strides = array<i32>} : memref<64x256xf32, #tpu.memory_space<vmem>>, vector<1x16xf32>,
        %get3A_421 = vector.shape_cast %get3A_420 : vector<1x16xf32> to vector<16xf32>
        %mul3A_422 = arith.mulf %get3A_421, %gather3A_149 : vector<16xf32>
        %add3A_423 = arith.constant 16 : i32
        %add3A_424 = arith.addi %scan3A_137, %add3A_423 : i32
        %get3A_425 = arith.index_cast %add3A_424 : i32 to index
        %get3A_426 = arith.constant 112 : index
        %get3A_427 = tpu.vector_load %arg10[%get3A_425, %get3A_426] {strides = array<i32>} : memref<64x256xf32, #tpu.memory_space<vmem>>, vector<1x16xf32>,
        %get3A_428 = vector.shape_cast %get3A_427 : vector<1x16xf32> to vector<16xf32>
        %mul3A_429 = arith.mulf %get3A_428, %gather3A_159 : vector<16xf32>
        %add3A_430 = arith.addf %mul3A_422, %mul3A_429 : vector<16xf32>
        %add3A_431 = arith.constant 32 : i32
        %add3A_432 = arith.addi %scan3A_137, %add3A_431 : i32
        %get3A_433 = arith.index_cast %add3A_432 : i32 to index
        %get3A_434 = arith.constant 112 : index
        %get3A_435 = tpu.vector_load %arg10[%get3A_433, %get3A_434] {strides = array<i32>} : memref<64x256xf32, #tpu.memory_space<vmem>>, vector<1x16xf32>,
        %get3A_436 = vector.shape_cast %get3A_435 : vector<1x16xf32> to vector<16xf32>
        %mul3A_437 = arith.mulf %get3A_436, %gather3A_169 : vector<16xf32>
        %add3A_438 = arith.addf %add3A_430, %mul3A_437 : vector<16xf32>
        %add3A_439 = arith.constant 48 : i32
        %add3A_440 = arith.addi %scan3A_137, %add3A_439 : i32
        %get3A_441 = arith.index_cast %add3A_440 : i32 to index
        %get3A_442 = arith.constant 112 : index
        %get3A_443 = tpu.vector_load %arg10[%get3A_441, %get3A_442] {strides = array<i32>} : memref<64x256xf32, #tpu.memory_space<vmem>>, vector<1x16xf32>,
        %get3A_444 = vector.shape_cast %get3A_443 : vector<1x16xf32> to vector<16xf32>
        %mul3A_445 = arith.mulf %get3A_444, %gather3A_179 : vector<16xf32>
        %add3A_446 = arith.addf %add3A_438, %mul3A_445 : vector<16xf32>
        %swap3A_447 = arith.index_cast %scan3A_137 : i32 to index
        %swap3A_448 = arith.constant 112 : index
        %swap3A_449 = tpu.vector_load %arg11[%swap3A_447, %swap3A_448] {strides = array<i32>} : memref<16x256xf32, #tpu.memory_space<vmem>>, vector<1x16xf32>,
        %swap3A_450 = vector.shape_cast %swap3A_449 : vector<1x16xf32> to vector<16xf32>
        %swap3A_451 = vector.shape_cast %add3A_446 : vector<16xf32> to vector<1x16xf32>
        tpu.vector_store %arg11[%swap3A_447, %swap3A_448], %swap3A_451 {strides = array<i32>} : memref<16x256xf32, #tpu.memory_space<vmem>>, vector<1x16xf32>,
        %get3A_452 = arith.index_cast %scan3A_137 : i32 to index
        %get3A_453 = arith.constant 128 : index
        %get3A_454 = tpu.vector_load %arg10[%get3A_452, %get3A_453] {strides = array<i32>} : memref<64x256xf32, #tpu.memory_space<vmem>>, vector<1x16xf32>,
        %get3A_455 = vector.shape_cast %get3A_454 : vector<1x16xf32> to vector<16xf32>
        %mul3A_456 = arith.mulf %get3A_455, %gather3A_149 : vector<16xf32>
        %add3A_457 = arith.constant 16 : i32
        %add3A_458 = arith.addi %scan3A_137, %add3A_457 : i32
        %get3A_459 = arith.index_cast %add3A_458 : i32 to index
        %get3A_460 = arith.constant 128 : index
        %get3A_461 = tpu.vector_load %arg10[%get3A_459, %get3A_460] {strides = array<i32>} : memref<64x256xf32, #tpu.memory_space<vmem>>, vector<1x16xf32>,
        %get3A_462 = vector.shape_cast %get3A_461 : vector<1x16xf32> to vector<16xf32>
        %mul3A_463 = arith.mulf %get3A_462, %gather3A_159 : vector<16xf32>
        %add3A_464 = arith.addf %mul3A_456, %mul3A_463 : vector<16xf32>
        %add3A_465 = arith.constant 32 : i32
        %add3A_466 = arith.addi %scan3A_137, %add3A_465 : i32
        %get3A_467 = arith.index_cast %add3A_466 : i32 to index
        %get3A_468 = arith.constant 128 : index
        %get3A_469 = tpu.vector_load %arg10[%get3A_467, %get3A_468] {strides = array<i32>} : memref<64x256xf32, #tpu.memory_space<vmem>>, vector<1x16xf32>,
        %get3A_470 = vector.shape_cast %get3A_469 : vector<1x16xf32> to vector<16xf32>
        %mul3A_471 = arith.mulf %get3A_470, %gather3A_169 : vector<16xf32>
        %add3A_472 = arith.addf %add3A_464, %mul3A_471 : vector<16xf32>
        %add3A_473 = arith.constant 48 : i32
        %add3A_474 = arith.addi %scan3A_137, %add3A_473 : i32
        %get3A_475 = arith.index_cast %add3A_474 : i32 to index
        %get3A_476 = arith.constant 128 : index
        %get3A_477 = tpu.vector_load %arg10[%get3A_475, %get3A_476] {strides = array<i32>} : memref<64x256xf32, #tpu.memory_space<vmem>>, vector<1x16xf32>,
        %get3A_478 = vector.shape_cast %get3A_477 : vector<1x16xf32> to vector<16xf32>
        %mul3A_479 = arith.mulf %get3A_478, %gather3A_179 : vector<16xf32>
        %add3A_480 = arith.addf %add3A_472, %mul3A_479 : vector<16xf32>
        %swap3A_481 = arith.index_cast %scan3A_137 : i32 to index
        %swap3A_482 = arith.constant 128 : index
        %swap3A_483 = tpu.vector_load %arg11[%swap3A_481, %swap3A_482] {strides = array<i32>} : memref<16x256xf32, #tpu.memory_space<vmem>>, vector<1x16xf32>,
        %swap3A_484 = vector.shape_cast %swap3A_483 : vector<1x16xf32> to vector<16xf32>
        %swap3A_485 = vector.shape_cast %add3A_480 : vector<16xf32> to vector<1x16xf32>
        tpu.vector_store %arg11[%swap3A_481, %swap3A_482], %swap3A_485 {strides = array<i32>} : memref<16x256xf32, #tpu.memory_space<vmem>>, vector<1x16xf32>,
        %get3A_486 = arith.index_cast %scan3A_137 : i32 to index
        %get3A_487 = arith.constant 144 : index
        %get3A_488 = tpu.vector_load %arg10[%get3A_486, %get3A_487] {strides = array<i32>} : memref<64x256xf32, #tpu.memory_space<vmem>>, vector<1x16xf32>,
        %get3A_489 = vector.shape_cast %get3A_488 : vector<1x16xf32> to vector<16xf32>
        %mul3A_490 = arith.mulf %get3A_489, %gather3A_149 : vector<16xf32>
        %add3A_491 = arith.constant 16 : i32
        %add3A_492 = arith.addi %scan3A_137, %add3A_491 : i32
        %get3A_493 = arith.index_cast %add3A_492 : i32 to index
        %get3A_494 = arith.constant 144 : index
        %get3A_495 = tpu.vector_load %arg10[%get3A_493, %get3A_494] {strides = array<i32>} : memref<64x256xf32, #tpu.memory_space<vmem>>, vector<1x16xf32>,
        %get3A_496 = vector.shape_cast %get3A_495 : vector<1x16xf32> to vector<16xf32>
        %mul3A_497 = arith.mulf %get3A_496, %gather3A_159 : vector<16xf32>
        %add3A_498 = arith.addf %mul3A_490, %mul3A_497 : vector<16xf32>
        %add3A_499 = arith.constant 32 : i32
        %add3A_500 = arith.addi %scan3A_137, %add3A_499 : i32
        %get3A_501 = arith.index_cast %add3A_500 : i32 to index
        %get3A_502 = arith.constant 144 : index
        %get3A_503 = tpu.vector_load %arg10[%get3A_501, %get3A_502] {strides = array<i32>} : memref<64x256xf32, #tpu.memory_space<vmem>>, vector<1x16xf32>,
        %get3A_504 = vector.shape_cast %get3A_503 : vector<1x16xf32> to vector<16xf32>
        %mul3A_505 = arith.mulf %get3A_504, %gather3A_169 : vector<16xf32>
        %add3A_506 = arith.addf %add3A_498, %mul3A_505 : vector<16xf32>
        %add3A_507 = arith.constant 48 : i32
        %add3A_508 = arith.addi %scan3A_137, %add3A_507 : i32
        %get3A_509 = arith.index_cast %add3A_508 : i32 to index
        %get3A_510 = arith.constant 144 : index
        %get3A_511 = tpu.vector_load %arg10[%get3A_509, %get3A_510] {strides = array<i32>} : memref<64x256xf32, #tpu.memory_space<vmem>>, vector<1x16xf32>,
        %get3A_512 = vector.shape_cast %get3A_511 : vector<1x16xf32> to vector<16xf32>
        %mul3A_513 = arith.mulf %get3A_512, %gather3A_179 : vector<16xf32>
        %add3A_514 = arith.addf %add3A_506, %mul3A_513 : vector<16xf32>
        %swap3A_515 = arith.index_cast %scan3A_137 : i32 to index
        %swap3A_516 = arith.constant 144 : index
        %swap3A_517 = tpu.vector_load %arg11[%swap3A_515, %swap3A_516] {strides = array<i32>} : memref<16x256xf32, #tpu.memory_space<vmem>>, vector<1x16xf32>,
        %swap3A_518 = vector.shape_cast %swap3A_517 : vector<1x16xf32> to vector<16xf32>
        %swap3A_519 = vector.shape_cast %add3A_514 : vector<16xf32> to vector<1x16xf32>
        tpu.vector_store %arg11[%swap3A_515, %swap3A_516], %swap3A_519 {strides = array<i32>} : memref<16x256xf32, #tpu.memory_space<vmem>>, vector<1x16xf32>,
        %get3A_520 = arith.index_cast %scan3A_137 : i32 to index
        %get3A_521 = arith.constant 160 : index
        %get3A_522 = tpu.vector_load %arg10[%get3A_520, %get3A_521] {strides = array<i32>} : memref<64x256xf32, #tpu.memory_space<vmem>>, vector<1x16xf32>,
        %get3A_523 = vector.shape_cast %get3A_522 : vector<1x16xf32> to vector<16xf32>
        %mul3A_524 = arith.mulf %get3A_523, %gather3A_149 : vector<16xf32>
        %add3A_525 = arith.constant 16 : i32
        %add3A_526 = arith.addi %scan3A_137, %add3A_525 : i32
        %get3A_527 = arith.index_cast %add3A_526 : i32 to index
        %get3A_528 = arith.constant 160 : index
        %get3A_529 = tpu.vector_load %arg10[%get3A_527, %get3A_528] {strides = array<i32>} : memref<64x256xf32, #tpu.memory_space<vmem>>, vector<1x16xf32>,
        %get3A_530 = vector.shape_cast %get3A_529 : vector<1x16xf32> to vector<16xf32>
        %mul3A_531 = arith.mulf %get3A_530, %gather3A_159 : vector<16xf32>
        %add3A_532 = arith.addf %mul3A_524, %mul3A_531 : vector<16xf32>
        %add3A_533 = arith.constant 32 : i32
        %add3A_534 = arith.addi %scan3A_137, %add3A_533 : i32
        %get3A_535 = arith.index_cast %add3A_534 : i32 to index
        %get3A_536 = arith.constant 160 : index
        %get3A_537 = tpu.vector_load %arg10[%get3A_535, %get3A_536] {strides = array<i32>} : memref<64x256xf32, #tpu.memory_space<vmem>>, vector<1x16xf32>,
        %get3A_538 = vector.shape_cast %get3A_537 : vector<1x16xf32> to vector<16xf32>
        %mul3A_539 = arith.mulf %get3A_538, %gather3A_169 : vector<16xf32>
        %add3A_540 = arith.addf %add3A_532, %mul3A_539 : vector<16xf32>
        %add3A_541 = arith.constant 48 : i32
        %add3A_542 = arith.addi %scan3A_137, %add3A_541 : i32
        %get3A_543 = arith.index_cast %add3A_542 : i32 to index
        %get3A_544 = arith.constant 160 : index
        %get3A_545 = tpu.vector_load %arg10[%get3A_543, %get3A_544] {strides = array<i32>} : memref<64x256xf32, #tpu.memory_space<vmem>>, vector<1x16xf32>,
        %get3A_546 = vector.shape_cast %get3A_545 : vector<1x16xf32> to vector<16xf32>
        %mul3A_547 = arith.mulf %get3A_546, %gather3A_179 : vector<16xf32>
        %add3A_548 = arith.addf %add3A_540, %mul3A_547 : vector<16xf32>
        %swap3A_549 = arith.index_cast %scan3A_137 : i32 to index
        %swap3A_550 = arith.constant 160 : index
        %swap3A_551 = tpu.vector_load %arg11[%swap3A_549, %swap3A_550] {strides = array<i32>} : memref<16x256xf32, #tpu.memory_space<vmem>>, vector<1x16xf32>,
        %swap3A_552 = vector.shape_cast %swap3A_551 : vector<1x16xf32> to vector<16xf32>
        %swap3A_553 = vector.shape_cast %add3A_548 : vector<16xf32> to vector<1x16xf32>
        tpu.vector_store %arg11[%swap3A_549, %swap3A_550], %swap3A_553 {strides = array<i32>} : memref<16x256xf32, #tpu.memory_space<vmem>>, vector<1x16xf32>,
        %get3A_554 = arith.index_cast %scan3A_137 : i32 to index
        %get3A_555 = arith.constant 176 : index
        %get3A_556 = tpu.vector_load %arg10[%get3A_554, %get3A_555] {strides = array<i32>} : memref<64x256xf32, #tpu.memory_space<vmem>>, vector<1x16xf32>,
        %get3A_557 = vector.shape_cast %get3A_556 : vector<1x16xf32> to vector<16xf32>
        %mul3A_558 = arith.mulf %get3A_557, %gather3A_149 : vector<16xf32>
        %add3A_559 = arith.constant 16 : i32
        %add3A_560 = arith.addi %scan3A_137, %add3A_559 : i32
        %get3A_561 = arith.index_cast %add3A_560 : i32 to index
        %get3A_562 = arith.constant 176 : index
        %get3A_563 = tpu.vector_load %arg10[%get3A_561, %get3A_562] {strides = array<i32>} : memref<64x256xf32, #tpu.memory_space<vmem>>, vector<1x16xf32>,
        %get3A_564 = vector.shape_cast %get3A_563 : vector<1x16xf32> to vector<16xf32>
        %mul3A_565 = arith.mulf %get3A_564, %gather3A_159 : vector<16xf32>
        %add3A_566 = arith.addf %mul3A_558, %mul3A_565 : vector<16xf32>
        %add3A_567 = arith.constant 32 : i32
        %add3A_568 = arith.addi %scan3A_137, %add3A_567 : i32
        %get3A_569 = arith.index_cast %add3A_568 : i32 to index
        %get3A_570 = arith.constant 176 : index
        %get3A_571 = tpu.vector_load %arg10[%get3A_569, %get3A_570] {strides = array<i32>} : memref<64x256xf32, #tpu.memory_space<vmem>>, vector<1x16xf32>,
        %get3A_572 = vector.shape_cast %get3A_571 : vector<1x16xf32> to vector<16xf32>
        %mul3A_573 = arith.mulf %get3A_572, %gather3A_169 : vector<16xf32>
        %add3A_574 = arith.addf %add3A_566, %mul3A_573 : vector<16xf32>
        %add3A_575 = arith.constant 48 : i32
        %add3A_576 = arith.addi %scan3A_137, %add3A_575 : i32
        %get3A_577 = arith.index_cast %add3A_576 : i32 to index
        %get3A_578 = arith.constant 176 : index
        %get3A_579 = tpu.vector_load %arg10[%get3A_577, %get3A_578] {strides = array<i32>} : memref<64x256xf32, #tpu.memory_space<vmem>>, vector<1x16xf32>,
        %get3A_580 = vector.shape_cast %get3A_579 : vector<1x16xf32> to vector<16xf32>
        %mul3A_581 = arith.mulf %get3A_580, %gather3A_179 : vector<16xf32>
        %add3A_582 = arith.addf %add3A_574, %mul3A_581 : vector<16xf32>
        %swap3A_583 = arith.index_cast %scan3A_137 : i32 to index
        %swap3A_584 = arith.constant 176 : index
        %swap3A_585 = tpu.vector_load %arg11[%swap3A_583, %swap3A_584] {strides = array<i32>} : memref<16x256xf32, #tpu.memory_space<vmem>>, vector<1x16xf32>,
        %swap3A_586 = vector.shape_cast %swap3A_585 : vector<1x16xf32> to vector<16xf32>
        %swap3A_587 = vector.shape_cast %add3A_582 : vector<16xf32> to vector<1x16xf32>
        tpu.vector_store %arg11[%swap3A_583, %swap3A_584], %swap3A_587 {strides = array<i32>} : memref<16x256xf32, #tpu.memory_space<vmem>>, vector<1x16xf32>,
        %get3A_588 = arith.index_cast %scan3A_137 : i32 to index
        %get3A_589 = arith.constant 192 : index
        %get3A_590 = tpu.vector_load %arg10[%get3A_588, %get3A_589] {strides = array<i32>} : memref<64x256xf32, #tpu.memory_space<vmem>>, vector<1x16xf32>,
        %get3A_591 = vector.shape_cast %get3A_590 : vector<1x16xf32> to vector<16xf32>
        %mul3A_592 = arith.mulf %get3A_591, %gather3A_149 : vector<16xf32>
        %add3A_593 = arith.constant 16 : i32
        %add3A_594 = arith.addi %scan3A_137, %add3A_593 : i32
        %get3A_595 = arith.index_cast %add3A_594 : i32 to index
        %get3A_596 = arith.constant 192 : index
        %get3A_597 = tpu.vector_load %arg10[%get3A_595, %get3A_596] {strides = array<i32>} : memref<64x256xf32, #tpu.memory_space<vmem>>, vector<1x16xf32>,
        %get3A_598 = vector.shape_cast %get3A_597 : vector<1x16xf32> to vector<16xf32>
        %mul3A_599 = arith.mulf %get3A_598, %gather3A_159 : vector<16xf32>
        %add3A_600 = arith.addf %mul3A_592, %mul3A_599 : vector<16xf32>
        %add3A_601 = arith.constant 32 : i32
        %add3A_602 = arith.addi %scan3A_137, %add3A_601 : i32
        %get3A_603 = arith.index_cast %add3A_602 : i32 to index
        %get3A_604 = arith.constant 192 : index
        %get3A_605 = tpu.vector_load %arg10[%get3A_603, %get3A_604] {strides = array<i32>} : memref<64x256xf32, #tpu.memory_space<vmem>>, vector<1x16xf32>,
        %get3A_606 = vector.shape_cast %get3A_605 : vector<1x16xf32> to vector<16xf32>
        %mul3A_607 = arith.mulf %get3A_606, %gather3A_169 : vector<16xf32>
        %add3A_608 = arith.addf %add3A_600, %mul3A_607 : vector<16xf32>
        %add3A_609 = arith.constant 48 : i32
        %add3A_610 = arith.addi %scan3A_137, %add3A_609 : i32
        %get3A_611 = arith.index_cast %add3A_610 : i32 to index
        %get3A_612 = arith.constant 192 : index
        %get3A_613 = tpu.vector_load %arg10[%get3A_611, %get3A_612] {strides = array<i32>} : memref<64x256xf32, #tpu.memory_space<vmem>>, vector<1x16xf32>,
        %get3A_614 = vector.shape_cast %get3A_613 : vector<1x16xf32> to vector<16xf32>
        %mul3A_615 = arith.mulf %get3A_614, %gather3A_179 : vector<16xf32>
        %add3A_616 = arith.addf %add3A_608, %mul3A_615 : vector<16xf32>
        %swap3A_617 = arith.index_cast %scan3A_137 : i32 to index
        %swap3A_618 = arith.constant 192 : index
        %swap3A_619 = tpu.vector_load %arg11[%swap3A_617, %swap3A_618] {strides = array<i32>} : memref<16x256xf32, #tpu.memory_space<vmem>>, vector<1x16xf32>,
        %swap3A_620 = vector.shape_cast %swap3A_619 : vector<1x16xf32> to vector<16xf32>
        %swap3A_621 = vector.shape_cast %add3A_616 : vector<16xf32> to vector<1x16xf32>
        tpu.vector_store %arg11[%swap3A_617, %swap3A_618], %swap3A_621 {strides = array<i32>} : memref<16x256xf32, #tpu.memory_space<vmem>>, vector<1x16xf32>,
        %get3A_622 = arith.index_cast %scan3A_137 : i32 to index
        %get3A_623 = arith.constant 208 : index
        %get3A_624 = tpu.vector_load %arg10[%get3A_622, %get3A_623] {strides = array<i32>} : memref<64x256xf32, #tpu.memory_space<vmem>>, vector<1x16xf32>,
        %get3A_625 = vector.shape_cast %get3A_624 : vector<1x16xf32> to vector<16xf32>
        %mul3A_626 = arith.mulf %get3A_625, %gather3A_149 : vector<16xf32>
        %add3A_627 = arith.constant 16 : i32
        %add3A_628 = arith.addi %scan3A_137, %add3A_627 : i32
        %get3A_629 = arith.index_cast %add3A_628 : i32 to index
        %get3A_630 = arith.constant 208 : index
        %get3A_631 = tpu.vector_load %arg10[%get3A_629, %get3A_630] {strides = array<i32>} : memref<64x256xf32, #tpu.memory_space<vmem>>, vector<1x16xf32>,
        %get3A_632 = vector.shape_cast %get3A_631 : vector<1x16xf32> to vector<16xf32>
        %mul3A_633 = arith.mulf %get3A_632, %gather3A_159 : vector<16xf32>
        %add3A_634 = arith.addf %mul3A_626, %mul3A_633 : vector<16xf32>
        %add3A_635 = arith.constant 32 : i32
        %add3A_636 = arith.addi %scan3A_137, %add3A_635 : i32
        %get3A_637 = arith.index_cast %add3A_636 : i32 to index
        %get3A_638 = arith.constant 208 : index
        %get3A_639 = tpu.vector_load %arg10[%get3A_637, %get3A_638] {strides = array<i32>} : memref<64x256xf32, #tpu.memory_space<vmem>>, vector<1x16xf32>,
        %get3A_640 = vector.shape_cast %get3A_639 : vector<1x16xf32> to vector<16xf32>
        %mul3A_641 = arith.mulf %get3A_640, %gather3A_169 : vector<16xf32>
        %add3A_642 = arith.addf %add3A_634, %mul3A_641 : vector<16xf32>
        %add3A_643 = arith.constant 48 : i32
        %add3A_644 = arith.addi %scan3A_137, %add3A_643 : i32
        %get3A_645 = arith.index_cast %add3A_644 : i32 to index
        %get3A_646 = arith.constant 208 : index
        %get3A_647 = tpu.vector_load %arg10[%get3A_645, %get3A_646] {strides = array<i32>} : memref<64x256xf32, #tpu.memory_space<vmem>>, vector<1x16xf32>,
        %get3A_648 = vector.shape_cast %get3A_647 : vector<1x16xf32> to vector<16xf32>
        %mul3A_649 = arith.mulf %get3A_648, %gather3A_179 : vector<16xf32>
        %add3A_650 = arith.addf %add3A_642, %mul3A_649 : vector<16xf32>
        %swap3A_651 = arith.index_cast %scan3A_137 : i32 to index
        %swap3A_652 = arith.constant 208 : index
        %swap3A_653 = tpu.vector_load %arg11[%swap3A_651, %swap3A_652] {strides = array<i32>} : memref<16x256xf32, #tpu.memory_space<vmem>>, vector<1x16xf32>,
        %swap3A_654 = vector.shape_cast %swap3A_653 : vector<1x16xf32> to vector<16xf32>
        %swap3A_655 = vector.shape_cast %add3A_650 : vector<16xf32> to vector<1x16xf32>
        tpu.vector_store %arg11[%swap3A_651, %swap3A_652], %swap3A_655 {strides = array<i32>} : memref<16x256xf32, #tpu.memory_space<vmem>>, vector<1x16xf32>,
        %get3A_656 = arith.index_cast %scan3A_137 : i32 to index
        %get3A_657 = arith.constant 224 : index
        %get3A_658 = tpu.vector_load %arg10[%get3A_656, %get3A_657] {strides = array<i32>} : memref<64x256xf32, #tpu.memory_space<vmem>>, vector<1x16xf32>,
        %get3A_659 = vector.shape_cast %get3A_658 : vector<1x16xf32> to vector<16xf32>
        %mul3A_660 = arith.mulf %get3A_659, %gather3A_149 : vector<16xf32>
        %add3A_661 = arith.constant 16 : i32
        %add3A_662 = arith.addi %scan3A_137, %add3A_661 : i32
        %get3A_663 = arith.index_cast %add3A_662 : i32 to index
        %get3A_664 = arith.constant 224 : index
        %get3A_665 = tpu.vector_load %arg10[%get3A_663, %get3A_664] {strides = array<i32>} : memref<64x256xf32, #tpu.memory_space<vmem>>, vector<1x16xf32>,
        %get3A_666 = vector.shape_cast %get3A_665 : vector<1x16xf32> to vector<16xf32>
        %mul3A_667 = arith.mulf %get3A_666, %gather3A_159 : vector<16xf32>
        %add3A_668 = arith.addf %mul3A_660, %mul3A_667 : vector<16xf32>
        %add3A_669 = arith.constant 32 : i32
        %add3A_670 = arith.addi %scan3A_137, %add3A_669 : i32
        %get3A_671 = arith.index_cast %add3A_670 : i32 to index
        %get3A_672 = arith.constant 224 : index
        %get3A_673 = tpu.vector_load %arg10[%get3A_671, %get3A_672] {strides = array<i32>} : memref<64x256xf32, #tpu.memory_space<vmem>>, vector<1x16xf32>,
        %get3A_674 = vector.shape_cast %get3A_673 : vector<1x16xf32> to vector<16xf32>
        %mul3A_675 = arith.mulf %get3A_674, %gather3A_169 : vector<16xf32>
        %add3A_676 = arith.addf %add3A_668, %mul3A_675 : vector<16xf32>
        %add3A_677 = arith.constant 48 : i32
        %add3A_678 = arith.addi %scan3A_137, %add3A_677 : i32
        %get3A_679 = arith.index_cast %add3A_678 : i32 to index
        %get3A_680 = arith.constant 224 : index
        %get3A_681 = tpu.vector_load %arg10[%get3A_679, %get3A_680] {strides = array<i32>} : memref<64x256xf32, #tpu.memory_space<vmem>>, vector<1x16xf32>,
        %get3A_682 = vector.shape_cast %get3A_681 : vector<1x16xf32> to vector<16xf32>
        %mul3A_683 = arith.mulf %get3A_682, %gather3A_179 : vector<16xf32>
        %add3A_684 = arith.addf %add3A_676, %mul3A_683 : vector<16xf32>
        %swap3A_685 = arith.index_cast %scan3A_137 : i32 to index
        %swap3A_686 = arith.constant 224 : index
        %swap3A_687 = tpu.vector_load %arg11[%swap3A_685, %swap3A_686] {strides = array<i32>} : memref<16x256xf32, #tpu.memory_space<vmem>>, vector<1x16xf32>,
        %swap3A_688 = vector.shape_cast %swap3A_687 : vector<1x16xf32> to vector<16xf32>
        %swap3A_689 = vector.shape_cast %add3A_684 : vector<16xf32> to vector<1x16xf32>
        tpu.vector_store %arg11[%swap3A_685, %swap3A_686], %swap3A_689 {strides = array<i32>} : memref<16x256xf32, #tpu.memory_space<vmem>>, vector<1x16xf32>,
        %get3A_690 = arith.index_cast %scan3A_137 : i32 to index
        %get3A_691 = arith.constant 240 : index
        %get3A_692 = tpu.vector_load %arg10[%get3A_690, %get3A_691] {strides = array<i32>} : memref<64x256xf32, #tpu.memory_space<vmem>>, vector<1x16xf32>,
        %get3A_693 = vector.shape_cast %get3A_692 : vector<1x16xf32> to vector<16xf32>
        %mul3A_694 = arith.mulf %get3A_693, %gather3A_149 : vector<16xf32>
        %add3A_695 = arith.constant 16 : i32
        %add3A_696 = arith.addi %scan3A_137, %add3A_695 : i32
        %get3A_697 = arith.index_cast %add3A_696 : i32 to index
        %get3A_698 = arith.constant 240 : index
        %get3A_699 = tpu.vector_load %arg10[%get3A_697, %get3A_698] {strides = array<i32>} : memref<64x256xf32, #tpu.memory_space<vmem>>, vector<1x16xf32>,
        %get3A_700 = vector.shape_cast %get3A_699 : vector<1x16xf32> to vector<16xf32>
        %mul3A_701 = arith.mulf %get3A_700, %gather3A_159 : vector<16xf32>
        %add3A_702 = arith.addf %mul3A_694, %mul3A_701 : vector<16xf32>
        %add3A_703 = arith.constant 32 : i32
        %add3A_704 = arith.addi %scan3A_137, %add3A_703 : i32
        %get3A_705 = arith.index_cast %add3A_704 : i32 to index
        %get3A_706 = arith.constant 240 : index
        %get3A_707 = tpu.vector_load %arg10[%get3A_705, %get3A_706] {strides = array<i32>} : memref<64x256xf32, #tpu.memory_space<vmem>>, vector<1x16xf32>,
        %get3A_708 = vector.shape_cast %get3A_707 : vector<1x16xf32> to vector<16xf32>
        %mul3A_709 = arith.mulf %get3A_708, %gather3A_169 : vector<16xf32>
        %add3A_710 = arith.addf %add3A_702, %mul3A_709 : vector<16xf32>
        %add3A_711 = arith.constant 48 : i32
        %add3A_712 = arith.addi %scan3A_137, %add3A_711 : i32
        %get3A_713 = arith.index_cast %add3A_712 : i32 to index
        %get3A_714 = arith.constant 240 : index
        %get3A_715 = tpu.vector_load %arg10[%get3A_713, %get3A_714] {strides = array<i32>} : memref<64x256xf32, #tpu.memory_space<vmem>>, vector<1x16xf32>,
        %get3A_716 = vector.shape_cast %get3A_715 : vector<1x16xf32> to vector<16xf32>
        %mul3A_717 = arith.mulf %get3A_716, %gather3A_179 : vector<16xf32>
        %add3A_718 = arith.addf %add3A_710, %mul3A_717 : vector<16xf32>
        %swap3A_719 = arith.index_cast %scan3A_137 : i32 to index
        %swap3A_720 = arith.constant 240 : index
        %swap3A_721 = tpu.vector_load %arg11[%swap3A_719, %swap3A_720] {strides = array<i32>} : memref<16x256xf32, #tpu.memory_space<vmem>>, vector<1x16xf32>,
        %swap3A_722 = vector.shape_cast %swap3A_721 : vector<1x16xf32> to vector<16xf32>
        %swap3A_723 = vector.shape_cast %add3A_718 : vector<16xf32> to vector<1x16xf32>
        tpu.vector_store %arg11[%swap3A_719, %swap3A_720], %swap3A_723 {strides = array<i32>} : memref<16x256xf32, #tpu.memory_space<vmem>>, vector<1x16xf32>,
        %scan3A_724 = arith.constant 0 : i32
        scf.yield %scan3A_724 : i32
      }
      %scan3A_134 = arith.constant 16 : i32
      %add3A_135 = arith.addi %mul3A_4, %mul3A_32 : i32
      "tpu.region"() ({
        %run_scoped3A = tpu.sem_alloc : memref<!tpu.dma_semaphore, #tpu.memory_space<semaphore_mem>>
        %dma_start3A_137 = arith.constant 0 : i32
        %dma_start3A_138 = tpu.memref_slice %arg6[%add3A_135, %dma_start3A_137] : memref<4096x256xf32, #tpu.memory_space<hbm>> -> memref<16x256xf32, #tpu.memory_space<hbm>>
        %dma_start3A_139 = arith.constant 0 : i32
        %dma_start3A_140 = tpu.memref_slice %arg6[%add3A_135, %dma_start3A_139] : memref<4096x256xf32, #tpu.memory_space<hbm>> -> memref<16x256xf32, #tpu.memory_space<hbm>>
        tpu.enqueue_dma source(%arg11 : memref<16x256xf32, #tpu.memory_space<vmem>>) target(%dma_start3A_140 : memref<16x256xf32, #tpu.memory_space<hbm>>) target_semaphore(%run_scoped3A : memref<!tpu.dma_semaphore, #tpu.memory_space<semaphore_mem>>)
        %dma_wait3A_141 = arith.constant 0 : i32
        %dma_wait3A_142 = tpu.memref_slice %arg6[%add3A_135, %dma_wait3A_141] : memref<4096x256xf32, #tpu.memory_space<hbm>> -> memref<16x256xf32, #tpu.memory_space<hbm>>
        %dma_wait3A_143 = arith.constant 0 : i32
        %dma_wait3A_144 = tpu.memref_slice %arg6[%add3A_135, %dma_wait3A_143] : memref<4096x256xf32, #tpu.memory_space<hbm>> -> memref<16x256xf32, #tpu.memory_space<hbm>>
        tpu.wait_dma2 semaphore(%run_scoped3A : memref<!tpu.dma_semaphore, #tpu.memory_space<semaphore_mem>>) src(%arg11 : memref<16x256xf32, #tpu.memory_space<vmem>>) dst(%dma_wait3A_144 : memref<16x256xf32, #tpu.memory_space<hbm>>)
        tpu.yield
      }) : () -> ()
      %scan3A_136 = arith.constant 0 : i32
      scf.yield %scan3A_136 : i32
    }
    %scan3A_28 = arith.constant 8 : i32
    return
  }
}

module attributes {stable_mosaic.version = 14 : i64} {
  func.func @body(%arg0: i32, %arg1: i32, %arg2: i32, %arg3: memref<1x128x1x9x4x180xf32, #tpu.memory_space<vmem>>, %arg4: memref<1x6480x128xf32, #tpu.memory_space<vmem>>) attributes {dimension_semantics = [#tpu.dimension_semantics<arbitrary>, #tpu.dimension_semantics<arbitrary>, #tpu.dimension_semantics<arbitrary>], iteration_bounds = array<i64: 2, 2, 5>, scalar_prefetch = 0 : i64, scratch_operands = 0 : i64, tpu.core_type = #tpu.core_type<tc>, window_params = [{transform_indices = @transform_0, window_bounds = array<i64: 1, 128, 1, 9, 4, 180>}, {transform_indices = @transform_1, window_bounds = array<i64: 1, 6480, 128>}]} {
    %get3A = arith.constant 0 : index
    %get3A_0 = arith.constant 0 : index
    %get3A_1 = arith.constant 0 : index
    %get3A_2 = arith.constant 0 : index
    %get3A_3 = arith.constant 0 : index
    %get3A_4 = arith.constant 0 : index
    %get3A_5 = vector.load %arg3[%get3A, %get3A_0, %get3A_1, %get3A_2, %get3A_3, %get3A_4] : memref<1x128x1x9x4x180xf32, #tpu.memory_space<vmem>>, vector<1x128x1x9x4x180xf32>
    %get3A_6 = vector.shape_cast %get3A_5 : vector<1x128x1x9x4x180xf32> to vector<128x9x4x180xf32>
    %reshape3A = vector.shape_cast %get3A_6 : vector<128x9x4x180xf32> to vector<128x6480xf32>
    %transpose3A = tpu.transpose %reshape3A, [1, 0] : vector<128x6480xf32> -> vector<6480x128xf32>
    %swap3A = arith.constant 0 : index
    %swap3A_7 = arith.constant 0 : index
    %swap3A_8 = arith.constant 0 : index
    %swap3A_9 = vector.load %arg4[%swap3A, %swap3A_7, %swap3A_8] : memref<1x6480x128xf32, #tpu.memory_space<vmem>>, vector<1x6480x128xf32>
    %swap3A_10 = vector.shape_cast %swap3A_9 : vector<1x6480x128xf32> to vector<6480x128xf32>
    %swap3A_11 = vector.shape_cast %transpose3A : vector<6480x128xf32> to vector<1x6480x128xf32>
    tpu.vector_store %arg4[%swap3A, %swap3A_7, %swap3A_8], %swap3A_11 {strides = array<i32>} : memref<1x6480x128xf32, #tpu.memory_space<vmem>>, vector<1x6480x128xf32>,
    return
  }
  func.func @transform_0(%arg0: i32, %arg1: i32, %arg2: i32) -> (i32, i32, i32, i32, i32, i32) {
    %c0_i32 = arith.constant 0 : i32
    %c0_i32_0 = arith.constant 0 : i32
    %c0_i32_1 = arith.constant 0 : i32
    %c0_i32_2 = arith.constant 0 : i32
    return %arg0, %arg1, %arg2, %c0_i32, %c0_i32_0, %c0_i32_1 : i32, i32, i32, i32, i32, i32
  }
  func.func @transform_1(%arg0: i32, %arg1: i32, %arg2: i32) -> (i32, i32, i32) {
    %mul3A = arith.constant 5 : i32
    %mul3A_0 = arith.muli %arg0, %mul3A : i32
    %add3A = arith.addi %mul3A_0, %arg2 : i32
    %c0_i32 = arith.constant 0 : i32
    %c0_i32_1 = arith.constant 0 : i32
    return %add3A, %c0_i32, %arg1 : i32, i32, i32
  }
}

module attributes {stable_mosaic.version = 14 : i64} {
  func.func @_fuse_body(%arg0: i32, %arg1: memref<4096x3xf32, #tpu.memory_space<vmem>>, %arg2: memref<1x256x256xf32, #tpu.memory_space<vmem>>, %arg3: memref<3x8xf32, #tpu.memory_space<vmem>>, %arg4: memref<8x16xf32, #tpu.memory_space<vmem>>, %arg5: memref<16x32xf32, #tpu.memory_space<vmem>>, %arg6: memref<256x128xf32, #tpu.memory_space<vmem>>, %arg7: memref<32x128xf32, #tpu.memory_space<vmem>>, %arg8: memref<1x256x128xf32, #tpu.memory_space<vmem>>) attributes {dimension_semantics = [#tpu.dimension_semantics<arbitrary>], iteration_bounds = array<i64: 16>, scalar_prefetch = 0 : i64, scratch_operands = 0 : i64, tpu.core_type = #tpu.core_type<tc>, window_params = [{transform_indices = @transform_0, window_bounds = array<i64: 4096, 3>}, {transform_indices = @transform_1, window_bounds = array<i64: 1, 256, 256>}, {pipeline_mode = #tpu.pipeline_mode<synchronous>, transform_indices = @transform_2, window_bounds = array<i64: 3, 8>}, {pipeline_mode = #tpu.pipeline_mode<synchronous>, transform_indices = @transform_3, window_bounds = array<i64: 8, 16>}, {pipeline_mode = #tpu.pipeline_mode<synchronous>, transform_indices = @transform_4, window_bounds = array<i64: 16, 32>}, {pipeline_mode = #tpu.pipeline_mode<synchronous>, transform_indices = @transform_5, window_bounds = array<i64: 256, 128>}, {pipeline_mode = #tpu.pipeline_mode<synchronous>, transform_indices = @transform_6, window_bounds = array<i64: 32, 128>}, {transform_indices = @transform_7, window_bounds = array<i64: 1, 256, 128>}]} {
    %get3A = arith.constant 0 : index
    %get3A_0 = arith.constant 0 : index
    %get3A_1 = vector.load %arg1[%get3A, %get3A_0] : memref<4096x3xf32, #tpu.memory_space<vmem>>, vector<4096x3xf32>
    %get3A_2 = arith.constant 0 : index
    %get3A_3 = arith.constant 0 : index
    %get3A_4 = vector.load %arg3[%get3A_2, %get3A_3] : memref<3x8xf32, #tpu.memory_space<vmem>>, vector<3x8xf32>
    %dot_general3A = arith.constant dense<0.000000e+00> : vector<4096x8xf32>
    %dot_general3A_5 = tpu.matmul %get3A_1, %get3A_4, %dot_general3A {dimension_numbers = #tpu.dot_dimension_numbers<[1], [0], [0], [1], [0, 0, 1, 1], [], []>, transpose_lhs_hint = false} : vector<4096x3xf32>, vector<3x8xf32>, vector<4096x8xf32> -> vector<4096x8xf32>
    %max3A = arith.constant 0.000000e+00 : f32
    %max3A_6 = vector.broadcast %max3A : f32 to vector<4096x8xf32>
    %max3A_7 = arith.maximumf %dot_general3A_5, %max3A_6 : vector<4096x8xf32>
    %get3A_8 = arith.constant 0 : index
    %get3A_9 = arith.constant 0 : index
    %get3A_10 = vector.load %arg4[%get3A_8, %get3A_9] : memref<8x16xf32, #tpu.memory_space<vmem>>, vector<8x16xf32>
    %dot_general3A_11 = arith.constant dense<0.000000e+00> : vector<4096x16xf32>
    %dot_general3A_12 = tpu.matmul %max3A_7, %get3A_10, %dot_general3A_11 {dimension_numbers = #tpu.dot_dimension_numbers<[1], [0], [0], [1], [0, 0, 1, 1], [], []>, transpose_lhs_hint = false} : vector<4096x8xf32>, vector<8x16xf32>, vector<4096x16xf32> -> vector<4096x16xf32>
    %max3A_13 = arith.constant 0.000000e+00 : f32
    %max3A_14 = vector.broadcast %max3A_13 : f32 to vector<4096x16xf32>
    %max3A_15 = arith.maximumf %dot_general3A_12, %max3A_14 : vector<4096x16xf32>
    %get3A_16 = arith.constant 0 : index
    %get3A_17 = arith.constant 0 : index
    %get3A_18 = vector.load %arg5[%get3A_16, %get3A_17] : memref<16x32xf32, #tpu.memory_space<vmem>>, vector<16x32xf32>
    %dot_general3A_19 = arith.constant dense<0.000000e+00> : vector<4096x32xf32>
    %dot_general3A_20 = tpu.matmul %max3A_15, %get3A_18, %dot_general3A_19 {dimension_numbers = #tpu.dot_dimension_numbers<[1], [0], [0], [1], [0, 0, 1, 1], [], []>, transpose_lhs_hint = false} : vector<4096x16xf32>, vector<16x32xf32>, vector<4096x32xf32> -> vector<4096x32xf32>
    %max3A_21 = arith.constant 0.000000e+00 : f32
    %max3A_22 = vector.broadcast %max3A_21 : f32 to vector<4096x32xf32>
    %max3A_23 = arith.maximumf %dot_general3A_20, %max3A_22 : vector<4096x32xf32>
    %mul3A = arith.mulf %get3A_1, %get3A_1 : vector<4096x3xf32>
    %reduce_sum3A = arith.constant dense<0.000000e+00> : vector<4096xf32>
    %reduce_sum3A_24 = vector.multi_reduction <add>, %mul3A, %reduce_sum3A [1] : vector<4096x3xf32> to vector<4096xf32>
    %broadcast_in_dim3A = vector.shape_cast %reduce_sum3A_24 : vector<4096xf32> to vector<4096x1xf32>
    %le3A = arith.constant 4.000000e+00 : f32
    %le3A_25 = vector.broadcast %le3A : f32 to vector<4096x1xf32>
    %le3A_26 = arith.cmpf ole, %broadcast_in_dim3A, %le3A_25 : vector<4096x1xf32>
    %jit3A = arith.constant 0.000000e+00 : f32
    %broadcast_in_dim3A_27 = vector.shape_cast %le3A_26 : vector<4096x1xi1> to vector<4096x1xi1>
    %broadcast_in_dim3A_28 = vector.broadcast %broadcast_in_dim3A_27 : vector<4096x1xi1> to vector<4096x32xi1>
    %broadcast_in_dim3A_29 = vector.broadcast %jit3A : f32 to vector<4096x32xf32>
    %select_n3A = arith.select %broadcast_in_dim3A_28, %max3A_23, %broadcast_in_dim3A_29 : vector<4096x32xi1>, vector<4096x32xf32>
    %reshape3A = vector.shape_cast %select_n3A : vector<4096x32xf32> to vector<256x16x32xf32>
    %reduce_max3A = arith.constant dense<0xFF800000> : vector<256x32xf32>
    %reduce_max3A_30 = vector.multi_reduction <maximumf>, %reshape3A, %reduce_max3A [1] : vector<256x16x32xf32> to vector<256x32xf32>
    %get3A_31 = arith.constant 0 : index
    %get3A_32 = arith.constant 0 : index
    %get3A_33 = arith.constant 0 : index
    %get3A_34 = vector.load %arg2[%get3A_31, %get3A_32, %get3A_33] : memref<1x256x256xf32, #tpu.memory_space<vmem>>, vector<1x256x256xf32>
    %get3A_35 = vector.shape_cast %get3A_34 : vector<1x256x256xf32> to vector<256x256xf32>
    %get3A_36 = arith.constant 0 : index
    %get3A_37 = arith.constant 0 : index
    %get3A_38 = vector.load %arg6[%get3A_36, %get3A_37] : memref<256x128xf32, #tpu.memory_space<vmem>>, vector<256x128xf32>
    %dot_general3A_39 = arith.constant dense<0.000000e+00> : vector<256x128xf32>
    %dot_general3A_40 = tpu.matmul %get3A_35, %get3A_38, %dot_general3A_39 {dimension_numbers = #tpu.dot_dimension_numbers<[1], [0], [0], [1], [0, 0, 1, 1], [], []>, transpose_lhs_hint = false} : vector<256x256xf32>, vector<256x128xf32>, vector<256x128xf32> -> vector<256x128xf32>
    %get3A_41 = arith.constant 0 : index
    %get3A_42 = arith.constant 0 : index
    %get3A_43 = vector.load %arg7[%get3A_41, %get3A_42] : memref<32x128xf32, #tpu.memory_space<vmem>>, vector<32x128xf32>
    %dot_general3A_44 = arith.constant dense<0.000000e+00> : vector<256x128xf32>
    %dot_general3A_45 = tpu.matmul %reduce_max3A_30, %get3A_43, %dot_general3A_44 {dimension_numbers = #tpu.dot_dimension_numbers<[1], [0], [0], [1], [0, 0, 1, 1], [], []>, transpose_lhs_hint = false} : vector<256x32xf32>, vector<32x128xf32>, vector<256x128xf32> -> vector<256x128xf32>
    %add3A = arith.addf %dot_general3A_40, %dot_general3A_45 : vector<256x128xf32>
    %max3A_46 = arith.constant 0.000000e+00 : f32
    %max3A_47 = vector.broadcast %max3A_46 : f32 to vector<256x128xf32>
    %max3A_48 = arith.maximumf %add3A, %max3A_47 : vector<256x128xf32>
    %swap3A = arith.constant 0 : index
    %swap3A_49 = arith.constant 0 : index
    %swap3A_50 = arith.constant 0 : index
    %swap3A_51 = vector.load %arg8[%swap3A, %swap3A_49, %swap3A_50] : memref<1x256x128xf32, #tpu.memory_space<vmem>>, vector<1x256x128xf32>
    %swap3A_52 = vector.shape_cast %swap3A_51 : vector<1x256x128xf32> to vector<256x128xf32>
    %swap3A_53 = vector.shape_cast %max3A_48 : vector<256x128xf32> to vector<1x256x128xf32>
    tpu.vector_store %arg8[%swap3A, %swap3A_49, %swap3A_50], %swap3A_53 {strides = array<i32>} : memref<1x256x128xf32, #tpu.memory_space<vmem>>, vector<1x256x128xf32>,
    return
  }
  func.func @transform_0(%arg0: i32) -> (i32, i32) {
    %c0_i32 = arith.constant 0 : i32
    %c0_i32_0 = arith.constant 0 : i32
    return %arg0, %c0_i32 : i32, i32
  }
  func.func @transform_1(%arg0: i32) -> (i32, i32, i32) {
    %jit3A = arith.constant 8 : i32
    %div3A = arith.divsi %arg0, %jit3A : i32
    %sign3A = arith.constant 0 : i32
    %sign3A_0 = arith.cmpi sgt, %arg0, %sign3A : i32
    %sign3A_1 = arith.extui %sign3A_0 : i1 to i32
    %sign3A_2 = arith.constant 0 : i32
    %sign3A_3 = arith.cmpi slt, %arg0, %sign3A_2 : i32
    %sign3A_4 = arith.extui %sign3A_3 : i1 to i32
    %sign3A_5 = arith.subi %sign3A_1, %sign3A_4 : i32
    %sign3A_6 = arith.constant 0 : i32
    %sign3A_7 = arith.cmpi sgt, %jit3A, %sign3A_6 : i32
    %sign3A_8 = arith.extui %sign3A_7 : i1 to i32
    %sign3A_9 = arith.constant 0 : i32
    %sign3A_10 = arith.cmpi slt, %jit3A, %sign3A_9 : i32
    %sign3A_11 = arith.extui %sign3A_10 : i1 to i32
    %sign3A_12 = arith.subi %sign3A_8, %sign3A_11 : i32
    %ne3A = arith.cmpi ne, %sign3A_5, %sign3A_12 : i32
    %rem3A = arith.remsi %arg0, %jit3A : i32
    %ne3A_13 = arith.constant 0 : i32
    %ne3A_14 = arith.cmpi ne, %rem3A, %ne3A_13 : i32
    %and3A = arith.andi %ne3A, %ne3A_14 : i1
    %sub3A = arith.constant 1 : i32
    %sub3A_15 = arith.subi %div3A, %sub3A : i32
    %select_n3A = arith.select %and3A, %sub3A_15, %div3A : i32
    %jit3A_16 = arith.constant 8 : i32
    %eq3A = arith.constant 0 : i32
    %eq3A_17 = arith.cmpi eq, %jit3A_16, %eq3A : i32
    %jit3A_18 = arith.constant 1 : i32
    %select_n3A_19 = arith.select %eq3A_17, %jit3A_18, %jit3A_16 : i32
    %rem3A_20 = arith.remsi %arg0, %select_n3A_19 : i32
    %ne3A_21 = arith.constant 0 : i32
    %ne3A_22 = arith.cmpi ne, %rem3A_20, %ne3A_21 : i32
    %lt3A = arith.constant 0 : i32
    %lt3A_23 = arith.cmpi slt, %rem3A_20, %lt3A : i32
    %lt3A_24 = arith.constant 0 : i32
    %lt3A_25 = arith.cmpi slt, %select_n3A_19, %lt3A_24 : i32
    %ne3A_26 = arith.xori %lt3A_23, %lt3A_25 : i1
    %and3A_27 = arith.andi %ne3A_26, %ne3A_22 : i1
    %add3A = arith.addi %rem3A_20, %select_n3A_19 : i32
    %select_n3A_28 = arith.select %and3A_27, %add3A, %rem3A_20 : i32
    %c0_i32 = arith.constant 0 : i32
    %c0_i32_29 = arith.constant 0 : i32
    return %select_n3A, %select_n3A_28, %c0_i32 : i32, i32, i32
  }
  func.func @transform_2(%arg0: i32) -> (i32, i32) {
    %c0_i32 = arith.constant 0 : i32
    %c0_i32_0 = arith.constant 0 : i32
    %c0_i32_1 = arith.constant 0 : i32
    return %c0_i32, %c0_i32_0 : i32, i32
  }
  func.func @transform_3(%arg0: i32) -> (i32, i32) {
    %c0_i32 = arith.constant 0 : i32
    %c0_i32_0 = arith.constant 0 : i32
    %c0_i32_1 = arith.constant 0 : i32
    return %c0_i32, %c0_i32_0 : i32, i32
  }
  func.func @transform_4(%arg0: i32) -> (i32, i32) {
    %c0_i32 = arith.constant 0 : i32
    %c0_i32_0 = arith.constant 0 : i32
    %c0_i32_1 = arith.constant 0 : i32
    return %c0_i32, %c0_i32_0 : i32, i32
  }
  func.func @transform_5(%arg0: i32) -> (i32, i32) {
    %c0_i32 = arith.constant 0 : i32
    %c0_i32_0 = arith.constant 0 : i32
    %c0_i32_1 = arith.constant 0 : i32
    return %c0_i32, %c0_i32_0 : i32, i32
  }
  func.func @transform_6(%arg0: i32) -> (i32, i32) {
    %c0_i32 = arith.constant 0 : i32
    %c0_i32_0 = arith.constant 0 : i32
    %c0_i32_1 = arith.constant 0 : i32
    return %c0_i32, %c0_i32_0 : i32, i32
  }
  func.func @transform_7(%arg0: i32) -> (i32, i32, i32) {
    %jit3A = arith.constant 8 : i32
    %div3A = arith.divsi %arg0, %jit3A : i32
    %sign3A = arith.constant 0 : i32
    %sign3A_0 = arith.cmpi sgt, %arg0, %sign3A : i32
    %sign3A_1 = arith.extui %sign3A_0 : i1 to i32
    %sign3A_2 = arith.constant 0 : i32
    %sign3A_3 = arith.cmpi slt, %arg0, %sign3A_2 : i32
    %sign3A_4 = arith.extui %sign3A_3 : i1 to i32
    %sign3A_5 = arith.subi %sign3A_1, %sign3A_4 : i32
    %sign3A_6 = arith.constant 0 : i32
    %sign3A_7 = arith.cmpi sgt, %jit3A, %sign3A_6 : i32
    %sign3A_8 = arith.extui %sign3A_7 : i1 to i32
    %sign3A_9 = arith.constant 0 : i32
    %sign3A_10 = arith.cmpi slt, %jit3A, %sign3A_9 : i32
    %sign3A_11 = arith.extui %sign3A_10 : i1 to i32
    %sign3A_12 = arith.subi %sign3A_8, %sign3A_11 : i32
    %ne3A = arith.cmpi ne, %sign3A_5, %sign3A_12 : i32
    %rem3A = arith.remsi %arg0, %jit3A : i32
    %ne3A_13 = arith.constant 0 : i32
    %ne3A_14 = arith.cmpi ne, %rem3A, %ne3A_13 : i32
    %and3A = arith.andi %ne3A, %ne3A_14 : i1
    %sub3A = arith.constant 1 : i32
    %sub3A_15 = arith.subi %div3A, %sub3A : i32
    %select_n3A = arith.select %and3A, %sub3A_15, %div3A : i32
    %jit3A_16 = arith.constant 8 : i32
    %eq3A = arith.constant 0 : i32
    %eq3A_17 = arith.cmpi eq, %jit3A_16, %eq3A : i32
    %jit3A_18 = arith.constant 1 : i32
    %select_n3A_19 = arith.select %eq3A_17, %jit3A_18, %jit3A_16 : i32
    %rem3A_20 = arith.remsi %arg0, %select_n3A_19 : i32
    %ne3A_21 = arith.constant 0 : i32
    %ne3A_22 = arith.cmpi ne, %rem3A_20, %ne3A_21 : i32
    %lt3A = arith.constant 0 : i32
    %lt3A_23 = arith.cmpi slt, %rem3A_20, %lt3A : i32
    %lt3A_24 = arith.constant 0 : i32
    %lt3A_25 = arith.cmpi slt, %select_n3A_19, %lt3A_24 : i32
    %ne3A_26 = arith.xori %lt3A_23, %lt3A_25 : i1
    %and3A_27 = arith.andi %ne3A_26, %ne3A_22 : i1
    %add3A = arith.addi %rem3A_20, %select_n3A_19 : i32
    %select_n3A_28 = arith.select %and3A_27, %add3A, %rem3A_20 : i32
    %c0_i32 = arith.constant 0 : i32
    %c0_i32_29 = arith.constant 0 : i32
    return %select_n3A, %select_n3A_28, %c0_i32 : i32, i32, i32
  }
}

</mosaic_0001>

<sc_bundles>
// kernel: gather_offload_async_start
scs
__scs_entry_jumppad:
0x0: {  	(pc) =	sbr.rel $0x88, $3  }
0x1: {  	(tag) =	ssettag $0x0;
	lr =	simm.s32 $0x1  }
0x2: {  	[smem:$0x3F9A] =	sst lr;
	_ =	strace $0xD0000000  }
0x3: {  	_ = 	snop  }
0x4: {  	_ = 	snop  }
0x5: {  	_ = 	snop  }
0x6: {  	_ = 	snop  }
0x7: {  	_ = 	snop  }
__scs_overlays_trampoline_lowered:
0x8: {  	[smem:$0x3FA9] =	sst s0  }
0x9: {  	[smem:$0x3FAA] =	sst s1  }
0xa: {  	[smem:$0x3FAB] =	sst s2  }
0xb: {  	[smem:$0x3FAC] =	sst s3  }
0xc: {  	[smem:$0x3FAD] =	sst s4  }
0xd: {  	[smem:$0x3FAE] =	sst s5  }
0xe: {  	[smem:$0x3FAF] =	sst s6  }
0xf: {  	[smem:$0x3FB0] =	sst s7  }
0x10: {  	[smem:$0x3FB1] =	sst s8  }
0x11: {  	[smem:$0x3FB2] =	sst s9;
	s0 =	simm.s32 @!p0 $0x0  }
0x12: {  	s1 =	sld [smem:$0x3F98];
	s0 =	simm.s32 @p0 $0x1  }
0x13: {  	[smem:$0x3FB3] =	sst s0;
	s0 =	simm.s32 @!p1 $0x0  }
0x14: {  	s2 =	sld [smem:$0x3F97];
	s0 =	simm.s32 @p1 $0x1  }
0x15: {  	[smem:$0x3FB4] =	sst s0;
	s0 =	simm.s32 @!p2 $0x0  }
0x16: {  	s3 =	sld [smem:$0x3FDB];
	s0 =	simm.s32 @p2 $0x1  }
0x17: {  	s4 =	simm.s32 $0x1BF5;
	[smem:$0x3FB6] =	sst s0  }
0x18: {  	s0 =	sld [smem:$0x3F99];
	_ =	swait.ge [sflag:s4], $0x0  }
0x19: {  	s7 =	sld [smem:$0x3F9A]  }
0x1a: {  	s8 =	sadd.s32 $0xFFFFE003, lr  }
0x1b: {  	s9 =	sadd.s32 $0xFFFFFEF7, lr;
	s5 =	simm.s32 $0xFFFFFFFF;
	p2 =	slt.u32 s8, $0xFFFFF086  }
0x1c: {  	p1 =	slt.u32 s9, $0xF7A;
	s5 =	simm.s32 @!p2 $0x0  }
0x1d: {  	s5 =	simm.s32 @p1 $0x1;
	p0 =	seq.s32 s7, s2  }
0x1e: {  	s7 =	smul.u32 @!p0 $0xF7A, s2;
	p2 =	seq.s32 @!p0 s5, $0x0  }
0x1f: {  	s9 =	smul.u32 $0xF7A, s1;
	s8 =	simm.s32 @!p0 $0x1BF5;
	p2 =	por !p2, p0  }
0x20: {  	[sflag:s8] =	ssyncset.s32 @!p0 $0xFFFFF086;
	s6 =	sadd.s32 @!p0 s3, s7;
	s7 =	simm.s32 @!p0 $0x108  }
0x21: {  	s3 =	sadd.s32 s3, s9;
	s6 =	sadd.s32 @!p0 $0x88, s6;
	s7 =	simm.s32 @p2 $0x1082  }
0x22: {  	[simem:s7], [sflag:s8] =	dma.local @!p0 [hbm:s6], $0xF7A  }
0x23: {  	s9 =	sor.u32 $0xD0000000, s2;
	s6 =	simm.s32 $0x108;
	_ =	swait.ge @!p0 [sflag:s8], $0x0  }
0x24: {  	s3 =	sadd.s32 $0x88, s3;
	s6 =	simm.s32 @!p1 $0x1082;
	[sflag:s4] =	ssyncset.s32 $0xFFFFF086  }
0x25: {  	[simem:s6], [sflag:s4] =	dma.local [hbm:s3], $0xF7A  }
0x26: {  	[smem:$0x3F9A] =	sst s1;
	(tag) =	ssettag s2;
	_ =	strace s9  }
0x27: {  	s1 =	sld [smem:$0x3FAA]  }
0x28: {  	s2 =	sld [smem:$0x3FAB]  }
0x29: {  	s4 =	sld [smem:$0x3FAD]  }
0x2a: {  	p0 =	seq.s32 s5, $0x0;
	s5 =	sld [smem:$0x3FAE]  }
0x2b: {  	s6 =	sld [smem:$0x3FAF]  }
0x2c: {  	s7 =	sld [smem:$0x3FB0]  }
0x2d: {  	s3 =	simm.s32 $0x108;
	s8 =	sld [smem:$0x3FB1]  }
0x2e: {  	s3 =	simm.s32 @!p0 $0x1082;
	s9 =	sld [smem:$0x3FB2]  }
0x2f: {  	lr =	sadd.s32 s0, s3;
	s0 =	sld [smem:$0x3FA9]  }
0x30: {  	s3 =	sld [smem:$0x3FAC]  }
0x31: {  	[smem:$0x3FB5] =	sst s10  }
0x32: {  	s10 =	sld [smem:$0x3FB3];
	_ =	sdelay $0x3  }
0x33: {  	p0 =	seq.s32 s10, $0x1;
	s10 =	sld [smem:$0x3FB5];
	_ =	sdelay $0x3  }
0x34: {  	[smem:$0x3FB5] =	sst s10  }
0x35: {  	s10 =	sld [smem:$0x3FB4];
	_ =	sdelay $0x3  }
0x36: {  	p1 =	seq.s32 s10, $0x1;
	s10 =	sld [smem:$0x3FB5];
	_ =	sdelay $0x3  }
0x37: {  	[smem:$0x3FB5] =	sst s10  }
0x38: {  	s10 =	sld [smem:$0x3FB6]  }
0x39: {  	_ = 	snop;
	(pc) =	sbr.ind lr, $3  }
0x3a: {  	_ = 	snop  }
0x3b: {  	_ = 	snop  }
0x3c: {  	p2 =	seq.s32 s10, $0x1;
	s10 =	sld [smem:$0x3FB5]  }
0x3d: {  	_ =	shalt  }
0x3e: {  	_ =	shalt  }
0x3f: {  	_ =	shalt  }
0x40: {  	_ =	shalt  }
0x41: {  	_ =	shalt  }
0x42: {  	_ =	shalt  }
0x43: {  	_ =	shalt  }
0x44: {  	_ =	shalt  }
0x45: {  	_ =	shalt  }
0x46: {  	_ =	shalt  }
0x47: {  	_ =	shalt  }
0x48: {  	_ =	shalt  }
0x49: {  	_ =	shalt  }
0x4a: {  	_ =	shalt  }
0x4b: {  	_ =	shalt  }
0x4c: {  	_ =	shalt  }
0x4d: {  	_ =	shalt  }
0x4e: {  	_ =	shalt  }
0x4f: {  	_ =	shalt  }
0x50: {  	_ =	shalt  }
0x51: {  	_ =	shalt  }
0x52: {  	_ =	shalt  }
0x53: {  	_ =	shalt  }
0x54: {  	_ =	shalt  }
0x55: {  	_ =	shalt  }
0x56: {  	_ =	shalt  }
0x57: {  	_ =	shalt  }
0x58: {  	_ =	shalt  }
0x59: {  	_ =	shalt  }
0x5a: {  	_ =	shalt  }
0x5b: {  	_ =	shalt  }
0x5c: {  	_ =	shalt  }
0x5d: {  	_ =	shalt  }
0x5e: {  	_ =	shalt  }
0x5f: {  	_ =	shalt  }
0x60: {  	_ =	shalt  }
0x61: {  	_ =	shalt  }
0x62: {  	_ =	shalt  }
0x63: {  	_ =	shalt  }
0x64: {  	_ =	shalt  }
0x65: {  	_ =	shalt  }
0x66: {  	_ =	shalt  }
0x67: {  	_ =	shalt  }
0x68: {  	_ =	shalt  }
0x69: {  	_ =	shalt  }
0x6a: {  	_ =	shalt  }
0x6b: {  	_ =	shalt  }
0x6c: {  	_ =	shalt  }
0x6d: {  	_ =	shalt  }
0x6e: {  	_ =	shalt  }
0x6f: {  	_ =	shalt  }
0x70: {  	_ =	shalt  }
0x71: {  	_ =	shalt  }
0x72: {  	_ =	shalt  }
0x73: {  	_ =	shalt  }
0x74: {  	_ =	shalt  }
0x75: {  	_ =	shalt  }
0x76: {  	_ =	shalt  }
0x77: {  	_ =	shalt  }
0x78: {  	_ =	shalt  }
0x79: {  	_ =	shalt  }
0x7a: {  	_ =	shalt  }
0x7b: {  	_ =	shalt  }
0x7c: {  	_ =	shalt  }
0x7d: {  	_ =	shalt  }
0x7e: {  	_ =	shalt  }
0x7f: {  	_ =	shalt  }
0x80: {  	_ =	shalt  }
0x81: {  	_ =	shalt  }
0x82: {  	_ =	shalt  }
0x83: {  	_ =	shalt  }
0x84: {  	_ =	shalt  }
0x85: {  	_ =	shalt  }
0x86: {  	_ =	shalt  }
0x87: {  	_ =	shalt  }
.Lfunc_end0:
.L_simem_size_0:
called_computation_lowered:
.L_overlay_start_0:
0x88: {  	s2 =	sld [smem:$0x3FD9]  }
0x89: {  	s3 =	sld [smem:$0x3FFE];
	_ =	sdelay $0x1  }
0x8a: {  	s1 =	srdreg.scid  }
0x8b: {  	s0 =	sand.u32 $0x1, s1  }
0x8c: {  	s17 =	sshll.u32 s0, $0xA;
	s2 =	sadd.s32 s3, s2  }
0x8d: {  	s2 =	sadd.s32 s2, s17  }
0x8e: {  	[smem:$0x3FC1] =	sst s2  }
0x8f: {  	_ = 	snop  }
0x90: {  	s2 =	sld [smem:$0x3FD0];
	(tm) =	ssettm $0x1  }
0x91: {  	s18 =	sld [smem:$0x3FFB];
	_ =	sdelay $0x3  }
0x92: {  	_ =	strace s18  }
0x93: {  	s3 =	sld [smem:$0x3FFC];
	_ =	sdelay $0x3  }
0x94: {  	_ =	strace s3  }
0x95: {  	s3 =	sld [smem:$0x3FFD];
	_ =	sdelay $0x3  }
0x96: {  	_ =	strace s3  }
0x97: {  	_ =	strace $0x8FFFFFFF  }
0x98: {  	s19 =	sld [smem:$0x3FDB];
	_ =	sdelay $0x1  }
0x99: {  	s4 =	simm.s32 $_scs_section_size  }
0x9a: {  	s5 =	simm.s32 $_size__tile_overlayer_lowered;
	s6 =	simm.s32 $_tile_overlayer_lowered  }
0x9b: {  	s22 =	simm.s32 $0x1BFF;
	s21 =	sshll.u32 s6, $0x1;
	s3 =	sadd.s32 s4, s19  }
0x9c: {  	s7 =	simm.s32 $0x0;
	s20 =	sshll.u32 s5, $0x1;
	s5 =	sadd.s32 s21, s3  }
0x9d: {  	[timem:s7], [sflag:s22] =	dma.local [hbm:s5], s20  }
0x9e: {  	_ =	swait.ge [sflag:s22], s20  }
0x9f: {  	s4 =	ssub.s32 $0x0, s20;
	[sflag:s22] =	ssyncset.done $0x0  }
0xa0: {  	[sflag:s22] =	ssyncadd.s32 s4;
	_ =	sdelay $0x1  }
0xa1: {  	s23 =	simm.s32 $0x1B8B  }
0xa2: {  	_ =	swait.ge [sflag:s23], $0x1  }
0xa3: {  	[sflag:s23] =	ssyncset.done $0x0  }
0xa4: {  	s25 =	simm.s32 $0x1B8E;
	s24 =	sld [smem:$0x3FFE];
	[sflag:s23] =	ssyncadd.s32 $0xFFFFFFFF  }
0xa5: {  	s26 =	simm.s32 $execute0_lowered;
	[smem:$0x3FD2] =	sst s25  }
0xa6: {  	s5 =	sshll.u32 s26, $0x1;
	_ =	strace $0x80000046;
	[dreg:$0x1] =	wrdreg $0xFFFFFFFF  }
0xa7: {  	s28 =	simm.s32 $_size_execute0_lowered;
	s3 =	sadd.s32 s3, s5;
	[dreg:$0x0] =	wrdreg $0x0  }
0xa8: {  	s5 =	sshll.u32 s28, $0x1;
	[dreg:$0x2] =	wrdreg s3  }
0xa9: {  	[dreg:$0x3] =	wrdreg s5  }
0xaa: {  	[dreg:$0x4] =	wrdreg $0xC0  }
0xab: {  	_ =	task [dreg:s7], $0x5FFFF  }
0xac: {  	[dreg:$0x1] =	wrdreg $0xFFFFFFFF  }
0xad: {  	[dreg:$0x0] =	wrdreg $0x60  }
0xae: {  	[dreg:$0x2] =	wrdreg s2  }
0xaf: {  	[dreg:$0x3] =	wrdreg s24  }
0xb0: {  	[dreg:$0x4] =	wrdreg $0x9  }
0xb1: {  	_ =	task.clear_ibuf [dreg:s7], $0x5FFFF;
	_ =	strace $0x90000046  }
0xb2: {  	s29 =	simm.s32 $0x9;
	_ =	strace $0x80000048  }
0xb3: {  	_ =	swait.ge [sflag:s29], $0x1  }
0xb4: {  	[sflag:s29] =	ssyncadd.s32 $0xFFFFFFFF  }
0xb5: {  	_ =	strace $0x90000048  }
0xb6: {  	_ =	sfence  }
0xb7: {  	s30 =	sld [smem:$0x0];
	_ =	sdelay $0x2  }
0xb8: {  	s31 =	sshll.u32 s1, $0xD;
	s1 =	sshrl.u32 s1, $0x2  }
0xb9: {  	s3 =	sand.u32 $0x4000, s31;
	s1 =	sadd.s32 s1, s30  }
0xba: {  	s0 =	sor.u32 s3, s0;
	s1 =	sshll.u32 s1, $0x11  }
0xbb: {  	s0 =	sor.u32 s1, s0  }
0xbc: {  	s0 =	sadd.s32 $0x8F2B, s0  }
0xbd: {  	[sflag:s0] =	ssyncadd.remote.s32 $0x1  }
0xbe: {  	_ =	sfence.sel $0xFFFF  }
0xbf: {  	[dreg:$0x0] =	wrdreg $0xFFFFFFFF;
	(pc) =	sbr.abs _section_cstart, $3  }
0xc0: {  	[dreg:$0x1] =	wrdreg $0xFFFFFFFF  }
0xc1: {  	_ =	task.clear_ibuf [dreg:s7], $0x2FFFF;
	_ =	strace $0x9FFFFFFF  }
0xc2: {  	(tm) =	ssettm $0x7FFFFFFF  }
0xc3: {  	_ =	shalt  }
tec
execute0_lowered:
.L_overlay_start_1:
0x0: {  	(tag) =	ssettag $0x1  }
0x1: {  	s2 =	rddreg [dreg:$0x0]  }
0x2: {  	s7 =	rddreg [dreg:$0x1]  }
0x3: {  	s0 =	rddreg [dreg:$0x2]  }
0x4: {  	s1 =	srdreg.scid;
	_ =	strace $0x80000047;
	s4 =	simm.s32 $0x1  }
0x5: {  	s9 =	simm.s32 $0x3;
	s12 =	simm.s32 $0x0;
	s5 =	sshll.u32 s1, $0x4  }
.Ltmp0:
0x6: {  	s1 =	stileid.u32;
	s5 =	sand.u32 $0x10, s5;
	(pc) =	sbr.rel .LBB2_1-.Ltmp0, $4  }
0x7: {  	s10 =	simm.s32 $0x0;
	s3 =	sadd.s32 $0x1200, s7;
	s6 =	sor.u32 s1, s5  }
0x8: {  	[sflag:s4] =	ssyncpa.u1 $0x0;
	s5 =	simm.s32 $0x2;
	s6 =	sshll.u32 s6, $0x7  }
0x9: {  	s7 =	sadd.s32 $0x1400, s7;
	[sflag:s5] =	ssyncpa.u1 $0x0;
	s8 =	sadd.s32 $0x80, s6  }
0xa: {  	vm0 =	vmmov $0xff;
	vm1 =	vcmask $0x3F20;
	[sflag:s9] =	ssyncpa.u1 $0x0;
	s9 =	simm.s32 $0x80;
	s11 =	smov.u32 s6  }
.LBB2_9:
0xb: {  	p0 =	seq.s32 s10, $0x2  }
.Ltmp1:
0xc: {  	_ = 	snop;
	(pc) =	sbr.rel @p0 .LBB2_11-.Ltmp1, $1  }
0xd: {  	_ =	sdelay $0x3  }
.LBB2_10:
0xe: {  	s12 =	sadd.s32 $0x80, s11  }
0xf: {  	s13 =	smov.u32 s6;
	p0 =	slt.s32 s12, s8  }
0x10: {  	s13 =	smov.u32 @p0 s12  }
0x11: {  	s10 =	sadd.s32 $0x1, s10;
	s12 =	smov.u32 s11;
	s11 =	smov.u32 s13  }
.LBB2_1:
0x12: {  	p0 =	sne.s32 s10, $0x0  }
.Ltmp2:
0x13: {  	_ = 	snop;
	(pc) =	sbr.rel @!p0 .LBB2_2-.Ltmp2, $1  }
0x14: {  	_ =	sdelay $0x3  }
0x15: {  	s13 =	sand.u32 $0x1, s10  }
0x16: {  	p0 =	seq.s32 s13, $0x0  }
.Ltmp3:
0x17: {  	_ = 	snop;
	(pc) =	sbr.rel @p0 .LBB2_9-.Ltmp3, $1  }
0x18: {  	_ =	sdelay $0x3  }
0x19: {  	_ =	swait.ge [sflag:s5], $0x80  }
0x1a: {  	[sflag:s5] =	ssyncset.done $0x0  }
0x1b: {  	s13 =	simm.s32 $0x0;
	[sflag:s5] =	ssyncadd.s32 $0xFFFFFF80  }
0x1c: {  	v0 =	vld.msk [tilespmem:s13+$0x80 ss:$0x1], $0xffff;
	_ =	sdelay $0x4  }
0x1d: {  	v1 =	vshll.u32 v0, $0x6  }
0x1e: {  	vm2 =	veq.s32 v0, $0x80000000;
	v0 =	vshll.u32 v0, $0x12;
	v1 =	vand.u32 $0x3FF80, v1  }
0x1f: {  	v0 =	vand.u32 $0x40000, v0;
	v1 =	vsel vm2, $0xFFFFFF80, v1  }
0x20: {  	v0 =	vsel vm2, $0xFFFC0000, v0;
	v2 =	vand.u32 $0xFFFFFC00, v1  }
0x21: {  	v1 =	vand.u32 $0x380, v1;
	v0 =	vadd.s32 v0, v2  }
0x22: {  	v0 =	vor.u32 v1, v0  }
0x23: {  	v0 =	vshrl.u32 v0, $0x3;
	_ =	sdelay $0x3  }
0x24: {  	s13 =	simm.s32 $0x4100  }
0x25: {  	[tilespmem:s13], [sflag:$0x1] =	stream.indirect_vreg.gather [hbm:s2], $0x80, v0, vm0, $0x38;
	[tilespmem:$0x8100] =	vst v63  }
0x26: {  	s14 =	simm.s32 $0x4500;
	s31 =	simm.s32 $0x10  }
0x27: {  	[tilespmem:s14], [sflag:$0x1] =	stream.indirect_vreg.gather [hbm:s2], $0x80, v0, vm1, $0x38;
	[tilespmem:$0x8100] =	vst v63  }
0x28: {  	s14 =	simm.s32 $0x80;
	v0 =	vld.msk [tilespmem:s31+$0x80 ss:$0x1], $0xffff  }
.LBB2_5:
0x29: {  	p0 =	sne.s32 s14, $0x1C0;
	_ =	sdelay $0x4  }
0x2a: {  	v1 =	vshll.u32 v0, $0x6  }
0x2b: {  	vm2 =	veq.s32 v0, $0x80000000;
	v0 =	vshll.u32 v0, $0x12;
	v1 =	vand.u32 $0x3FF80, v1  }
0x2c: {  	v0 =	vand.u32 $0x40000, v0;
	v1 =	vsel vm2, $0xFFFFFF80, v1  }
0x2d: {  	v0 =	vsel vm2, $0xFFFC0000, v0;
	v2 =	vand.u32 $0xFFFFFC00, v1  }
0x2e: {  	v1 =	vand.u32 $0x380, v1;
	v0 =	vadd.s32 v0, v2  }
0x2f: {  	v0 =	vor.u32 v1, v0  }
0x30: {  	v0 =	vshrl.u32 v0, $0x3;
	_ =	sdelay $0x3  }
.Ltmp4:
0x31: {  	s13 =	sadd.s32 $0x800, s13;
	(pc) =	sbr.rel @p0 .LBB2_5-.Ltmp4, $4  }
0x32: {  	[tilespmem:s13], [sflag:$0x1] =	stream.indirect_vreg.gather [hbm:s2], $0x80, v0, vm0, $0x38;
	[tilespmem:$0x8100] =	vst v63  }
0x33: {  	s15 =	sshra.s32 s14, $0x2;
	s16 =	sadd.s32 $0x400, s13  }
0x34: {  	[tilespmem:s16], [sflag:$0x1] =	stream.indirect_vreg.gather [hbm:s2], $0x80, v0, vm1, $0x38;
	[tilespmem:$0x8100] =	vst v63  }
0x35: {  	s14 =	sadd.s32 $0x40, s14;
	v0 =	vld.msk [tilespmem:s15+$0x80 ss:$0x1], $0xffff  }
0x36: {  	_ =	sdelay $0x3  }
0x37: {  	v1 =	vshll.u32 v0, $0x6  }
0x38: {  	vm2 =	veq.s32 v0, $0x80000000;
	v63 =	vshll.u32 v0, $0x12;
	v1 =	vand.u32 $0x3FF80, v1  }
0x39: {  	v0 =	vand.u32 $0x40000, v63;
	v1 =	vsel vm2, $0xFFFFFF80, v1  }
0x3a: {  	v0 =	vsel vm2, $0xFFFC0000, v0;
	v2 =	vand.u32 $0xFFFFFC00, v1  }
0x3b: {  	v1 =	vand.u32 $0x380, v1;
	v0 =	vadd.s32 v0, v2  }
0x3c: {  	v0 =	vor.u32 v1, v0  }
0x3d: {  	v0 =	vshrl.u32 v0, $0x3;
	_ =	sdelay $0x3  }
0x3e: {  	s13 =	sadd.s32 $0x800, s13  }
0x3f: {  	[tilespmem:s13], [sflag:$0x1] =	stream.indirect_vreg.gather [hbm:s2], $0x80, v0, vm0, $0x38;
	[tilespmem:$0x8100] =	vst v63  }
0x40: {  	s13 =	sadd.s32 $0x400, s13  }
0x41: {  	[tilespmem:s13], [sflag:$0x1] =	stream.indirect_vreg.gather [hbm:s2], $0x80, v0, vm1, $0x38;
	[tilespmem:$0x8100] =	vst v63  }
0x42: {  	s12 =	sshll.u32 s12, $0x4;
	s14 =	simm.s32 $0x80;
	_ =	swait.ge [sflag:s4], $0x4000  }
0x43: {  	s15 =	simm.s32 $0x4500;
	s12 =	sadd.s32 s12, s7;
	[sflag:s4] =	ssyncset.done $0x0  }
0x44: {  	s16 =	sadd.s32 $0x0, s12;
	s13 =	simm.s32 $0x4100;
	[sflag:s4] =	ssyncadd.s32 $0xFFFFC000  }
.LBB2_7:
0x45: {  	[hbm:s16] =	stream.linear.scatter [tilespmem:s13], [sflag:$0x3], $0x400, $0x38;
	[tilespmem:$0x8100] =	vst v63  }
0x46: {  	s16 =	smov.u32 s14;
	s13 =	smov.u32 s15;
	p0 =	sne.s32 s14, $0x780  }
.Ltmp5:
0x47: {  	s14 =	sadd.s32 $0x80, s14;
	(pc) =	sbr.rel @p0 .LBB2_7-.Ltmp5, $2  }
0x48: {  	_ =	sdelay $0x2  }
0x49: {  	s15 =	sadd.s32 $0x400, s15;
	s16 =	sadd.s32 s16, s12  }
.Ltmp6:
0x4a: {  	(pc) =	sbr.rel .LBB2_9-.Ltmp6, $2  }
0x4b: {  	_ =	sdelay $0x2  }
0x4c: {  	[hbm:s16] =	stream.linear.scatter [tilespmem:s13], [sflag:$0x3], $0x400, $0x38;
	[tilespmem:$0x8100] =	vst v63  }
.LBB2_2:
.Ltmp7:
0x4d: {  	(pc) =	sbr.rel .LBB2_10-.Ltmp7, $4  }
0x4e: {  	_ = 	snop  }
0x4f: {  	s12 =	sshrl.u32 s11, $0x3  }
0x50: {  	s13 =	sand.u32 $0x7, s11;
	s12 =	sadd.s32 s3, s12  }
0x51: {  	[tilespmem:s9], [sflag:$0x2] =	stream.linear.gather [hbm4b:s12+s13], $0x80, $0x38;
	[tilespmem:$0x8100] =	vst v63  }
.LBB2_11:
0x52: {  	s2 =	simm.s32 $0x3  }
0x53: {  	_ =	swait.ge [sflag:s2], $0x4000  }
0x54: {  	[sflag:s2] =	ssyncset.done $0x0  }
0x55: {  	[sflag:s2] =	ssyncadd.s32 $0xFFFFC000  }
0x56: {  	_ =	sfence.sel $0x180000  }
0x57: {  	s3 =	simm.s32 $0x2;
	[bflag:$0x0] =	sbarrier.arrive $0xFFFF  }
0x58: {  	[sflag:s3] =	ssyncpa.u1 $0x1  }
0x59: {  	s31 =	simm.s32 $0x1;
	[sflag:s2] =	ssyncpa.u1 $0x1  }
0x5a: {  	[sflag:s31] =	ssyncpa.u1 $0x1  }
0x5b: {  	p0 =	sne.s32 s1, $0x0;
	_ =	strace $0x90000047  }
0x5c: {  	s0 =	sadd.s32 @!p0 $0x100000, s0;
	[bflag:$0x2] =	sbarrier.arrive $0xFFFF  }
0x5d: {  	[sflag:s0] =	ssyncadd.tile.s32 @!p0 $0x1;
	_ =	shalt  }
.Lfunc_end2:
_tile_overlayer_lowered:
.L_overlay_start_2:
0x5e: {  	(tag) =	ssettag $0x2  }
0x5f: {  	s0 =	rddreg [dreg:$0x0];
	s2 =	stileid.u32  }
0x60: {  	s1 =	rddreg [dreg:$0x1];
	p0 =	sne.s32 s2, $0x0  }
0x61: {  	s3 =	rddreg [dreg:$0x2];
	[bflag:$0x3] =	sbarrier.arrive $0xFFFF;
	s2 =	simm.s32 @!p0 $0x1C01  }
0x62: {  	[timem:s3], [sflag:s2] =	dma.local @!p0 [hbm:s0], s1  }
0x63: {  	s0 =	simm.s32 @!p0 $0x1  }
0x64: {  	_ =	swait.ge @!p0 [sflag:s0], s1  }
0x65: {  	s1 =	ssub.s32 @!p0 $0x0, s1;
	[sflag:s0] =	ssyncset.done @!p0 $0x0  }
0x66: {  	[sflag:s0] =	ssyncadd.s32 @!p0 s1  }
0x67: {  	[bflag:$0x3] =	sbarrier.arrive $0xFFFF  }
0x68: {  	_ =	shalt  }

// kernel: kernel.6.cloned.1.call-start
scs
__scs_entry_jumppad:
0x0: {  	(pc) =	sbr.rel $0x88, $3  }
0x1: {  	(tag) =	ssettag $0x0;
	lr =	simm.s32 $0x1  }
0x2: {  	[smem:$0x3F9A] =	sst lr;
	_ =	strace $0xD0000000  }
0x3: {  	_ = 	snop  }
0x4: {  	_ = 	snop  }
0x5: {  	_ = 	snop  }
0x6: {  	_ = 	snop  }
0x7: {  	_ = 	snop  }
__scs_overlays_trampoline_lowered:
0x8: {  	[smem:$0x3FA9] =	sst s0  }
0x9: {  	[smem:$0x3FAA] =	sst s1  }
0xa: {  	[smem:$0x3FAB] =	sst s2  }
0xb: {  	[smem:$0x3FAC] =	sst s3  }
0xc: {  	[smem:$0x3FAD] =	sst s4  }
0xd: {  	[smem:$0x3FAE] =	sst s5  }
0xe: {  	[smem:$0x3FAF] =	sst s6  }
0xf: {  	[smem:$0x3FB0] =	sst s7  }
0x10: {  	[smem:$0x3FB1] =	sst s8  }
0x11: {  	[smem:$0x3FB2] =	sst s9;
	s0 =	simm.s32 @!p0 $0x0  }
0x12: {  	s1 =	sld [smem:$0x3F98];
	s0 =	simm.s32 @p0 $0x1  }
0x13: {  	[smem:$0x3FB3] =	sst s0;
	s0 =	simm.s32 @!p1 $0x0  }
0x14: {  	s2 =	sld [smem:$0x3F97];
	s0 =	simm.s32 @p1 $0x1  }
0x15: {  	[smem:$0x3FB4] =	sst s0;
	s0 =	simm.s32 @!p2 $0x0  }
0x16: {  	s3 =	sld [smem:$0x3FDB];
	s0 =	simm.s32 @p2 $0x1  }
0x17: {  	s4 =	simm.s32 $0x1BF5;
	[smem:$0x3FB6] =	sst s0  }
0x18: {  	s0 =	sld [smem:$0x3F99];
	_ =	swait.ge [sflag:s4], $0x0  }
0x19: {  	s7 =	sld [smem:$0x3F9A]  }
0x1a: {  	s8 =	sadd.s32 $0xFFFFE003, lr  }
0x1b: {  	s9 =	sadd.s32 $0xFFFFFEF7, lr;
	s5 =	simm.s32 $0xFFFFFFFF;
	p2 =	slt.u32 s8, $0xFFFFF086  }
0x1c: {  	p1 =	slt.u32 s9, $0xF7A;
	s5 =	simm.s32 @!p2 $0x0  }
0x1d: {  	s5 =	simm.s32 @p1 $0x1;
	p0 =	seq.s32 s7, s2  }
0x1e: {  	s7 =	smul.u32 @!p0 $0xF7A, s2;
	p2 =	seq.s32 @!p0 s5, $0x0  }
0x1f: {  	s9 =	smul.u32 $0xF7A, s1;
	s8 =	simm.s32 @!p0 $0x1BF5;
	p2 =	por !p2, p0  }
0x20: {  	[sflag:s8] =	ssyncset.s32 @!p0 $0xFFFFF086;
	s6 =	sadd.s32 @!p0 s3, s7;
	s7 =	simm.s32 @!p0 $0x108  }
0x21: {  	s3 =	sadd.s32 s3, s9;
	s6 =	sadd.s32 @!p0 $0x88, s6;
	s7 =	simm.s32 @p2 $0x1082  }
0x22: {  	[simem:s7], [sflag:s8] =	dma.local @!p0 [hbm:s6], $0xF7A  }
0x23: {  	s9 =	sor.u32 $0xD0000000, s2;
	s6 =	simm.s32 $0x108;
	_ =	swait.ge @!p0 [sflag:s8], $0x0  }
0x24: {  	s3 =	sadd.s32 $0x88, s3;
	s6 =	simm.s32 @!p1 $0x1082;
	[sflag:s4] =	ssyncset.s32 $0xFFFFF086  }
0x25: {  	[simem:s6], [sflag:s4] =	dma.local [hbm:s3], $0xF7A  }
0x26: {  	[smem:$0x3F9A] =	sst s1;
	(tag) =	ssettag s2;
	_ =	strace s9  }
0x27: {  	s1 =	sld [smem:$0x3FAA]  }
0x28: {  	s2 =	sld [smem:$0x3FAB]  }
0x29: {  	s4 =	sld [smem:$0x3FAD]  }
0x2a: {  	p0 =	seq.s32 s5, $0x0;
	s5 =	sld [smem:$0x3FAE]  }
0x2b: {  	s6 =	sld [smem:$0x3FAF]  }
0x2c: {  	s7 =	sld [smem:$0x3FB0]  }
0x2d: {  	s3 =	simm.s32 $0x108;
	s8 =	sld [smem:$0x3FB1]  }
0x2e: {  	s3 =	simm.s32 @!p0 $0x1082;
	s9 =	sld [smem:$0x3FB2]  }
0x2f: {  	lr =	sadd.s32 s0, s3;
	s0 =	sld [smem:$0x3FA9]  }
0x30: {  	s3 =	sld [smem:$0x3FAC]  }
0x31: {  	[smem:$0x3FB5] =	sst s10  }
0x32: {  	s10 =	sld [smem:$0x3FB3];
	_ =	sdelay $0x3  }
0x33: {  	p0 =	seq.s32 s10, $0x1;
	s10 =	sld [smem:$0x3FB5];
	_ =	sdelay $0x3  }
0x34: {  	[smem:$0x3FB5] =	sst s10  }
0x35: {  	s10 =	sld [smem:$0x3FB4];
	_ =	sdelay $0x3  }
0x36: {  	p1 =	seq.s32 s10, $0x1;
	s10 =	sld [smem:$0x3FB5];
	_ =	sdelay $0x3  }
0x37: {  	[smem:$0x3FB5] =	sst s10  }
0x38: {  	s10 =	sld [smem:$0x3FB6]  }
0x39: {  	_ = 	snop;
	(pc) =	sbr.ind lr, $3  }
0x3a: {  	_ = 	snop  }
0x3b: {  	_ = 	snop  }
0x3c: {  	p2 =	seq.s32 s10, $0x1;
	s10 =	sld [smem:$0x3FB5]  }
0x3d: {  	_ =	shalt  }
0x3e: {  	_ =	shalt  }
0x3f: {  	_ =	shalt  }
0x40: {  	_ =	shalt  }
0x41: {  	_ =	shalt  }
0x42: {  	_ =	shalt  }
0x43: {  	_ =	shalt  }
0x44: {  	_ =	shalt  }
0x45: {  	_ =	shalt  }
0x46: {  	_ =	shalt  }
0x47: {  	_ =	shalt  }
0x48: {  	_ =	shalt  }
0x49: {  	_ =	shalt  }
0x4a: {  	_ =	shalt  }
0x4b: {  	_ =	shalt  }
0x4c: {  	_ =	shalt  }
0x4d: {  	_ =	shalt  }
0x4e: {  	_ =	shalt  }
0x4f: {  	_ =	shalt  }
0x50: {  	_ =	shalt  }
0x51: {  	_ =	shalt  }
0x52: {  	_ =	shalt  }
0x53: {  	_ =	shalt  }
0x54: {  	_ =	shalt  }
0x55: {  	_ =	shalt  }
0x56: {  	_ =	shalt  }
0x57: {  	_ =	shalt  }
0x58: {  	_ =	shalt  }
0x59: {  	_ =	shalt  }
0x5a: {  	_ =	shalt  }
0x5b: {  	_ =	shalt  }
0x5c: {  	_ =	shalt  }
0x5d: {  	_ =	shalt  }
0x5e: {  	_ =	shalt  }
0x5f: {  	_ =	shalt  }
0x60: {  	_ =	shalt  }
0x61: {  	_ =	shalt  }
0x62: {  	_ =	shalt  }
0x63: {  	_ =	shalt  }
0x64: {  	_ =	shalt  }
0x65: {  	_ =	shalt  }
0x66: {  	_ =	shalt  }
0x67: {  	_ =	shalt  }
0x68: {  	_ =	shalt  }
0x69: {  	_ =	shalt  }
0x6a: {  	_ =	shalt  }
0x6b: {  	_ =	shalt  }
0x6c: {  	_ =	shalt  }
0x6d: {  	_ =	shalt  }
0x6e: {  	_ =	shalt  }
0x6f: {  	_ =	shalt  }
0x70: {  	_ =	shalt  }
0x71: {  	_ =	shalt  }
0x72: {  	_ =	shalt  }
0x73: {  	_ =	shalt  }
0x74: {  	_ =	shalt  }
0x75: {  	_ =	shalt  }
0x76: {  	_ =	shalt  }
0x77: {  	_ =	shalt  }
0x78: {  	_ =	shalt  }
0x79: {  	_ =	shalt  }
0x7a: {  	_ =	shalt  }
0x7b: {  	_ =	shalt  }
0x7c: {  	_ =	shalt  }
0x7d: {  	_ =	shalt  }
0x7e: {  	_ =	shalt  }
0x7f: {  	_ =	shalt  }
0x80: {  	_ =	shalt  }
0x81: {  	_ =	shalt  }
0x82: {  	_ =	shalt  }
0x83: {  	_ =	shalt  }
0x84: {  	_ =	shalt  }
0x85: {  	_ =	shalt  }
0x86: {  	_ =	shalt  }
0x87: {  	_ =	shalt  }
.Lfunc_end0:
.L_simem_size_0:
called_computation.1_lowered:
.L_overlay_start_0:
0x88: {  	s2 =	sld [smem:$0x3FD9]  }
0x89: {  	s3 =	sld [smem:$0x3FFE];
	_ =	sdelay $0x1  }
0x8a: {  	s1 =	srdreg.scid  }
0x8b: {  	s0 =	sand.u32 $0x1, s1  }
0x8c: {  	s17 =	sshll.u32 s0, $0xA;
	s2 =	sadd.s32 s3, s2  }
0x8d: {  	s2 =	sadd.s32 s2, s17  }
0x8e: {  	[smem:$0x3FC1] =	sst s2  }
0x8f: {  	_ = 	snop  }
0x90: {  	(tm) =	ssettm $0x1  }
0x91: {  	s18 =	sld [smem:$0x3FFB];
	_ =	sdelay $0x3  }
0x92: {  	_ =	strace s18  }
0x93: {  	s2 =	sld [smem:$0x3FFC];
	_ =	sdelay $0x3  }
0x94: {  	_ =	strace s2  }
0x95: {  	s2 =	sld [smem:$0x3FFD];
	_ =	sdelay $0x3  }
0x96: {  	_ =	strace s2  }
0x97: {  	_ =	strace $0x8FFFFFFF  }
0x98: {  	s19 =	sld [smem:$0x3FDB];
	_ =	sdelay $0x1  }
0x99: {  	s20 =	simm.s32 $_scs_section_size  }
0x9a: {  	s4 =	simm.s32 $_size__tile_overlayer_lowered;
	s5 =	simm.s32 $_tile_overlayer_lowered  }
0x9b: {  	s6 =	simm.s32 $0x1BFF;
	s21 =	sshll.u32 s5, $0x1;
	s3 =	sadd.s32 s20, s19  }
0x9c: {  	s22 =	simm.s32 $0x0;
	s4 =	sshll.u32 s4, $0x1;
	s5 =	sadd.s32 s21, s3  }
0x9d: {  	[timem:s22], [sflag:s6] =	dma.local [hbm:s5], s4  }
0x9e: {  	_ =	swait.ge [sflag:s6], s4  }
0x9f: {  	s4 =	ssub.s32 $0x0, s4;
	[sflag:s6] =	ssyncset.done $0x0  }
0xa0: {  	[sflag:s6] =	ssyncadd.s32 s4;
	_ =	sdelay $0x1  }
0xa1: {  	s23 =	simm.s32 $0x1B8B  }
0xa2: {  	_ =	swait.ge [sflag:s23], $0x1  }
0xa3: {  	[sflag:s23] =	ssyncset.done $0x0  }
0xa4: {  	[sflag:s23] =	ssyncadd.s32 $0xFFFFFFFF  }
0xa5: {  	s4 =	sld [smem:$0x0]  }
0xa6: {  	s5 =	sand.u32 $0xFFFFFFFE, s1  }
0xa7: {  	p0 =	sne.s32 s1, s5  }
0xa8: {  	s5 =	sshll.u32 @p0 s5, $0xE  }
0xa9: {  	s5 =	sadd.s32 @p0 $0x11B8D, s5;
	s6 =	sshll.u32 @p0 s4, $0x11  }
0xaa: {  	s5 =	sor.u32 @p0 s6, s5  }
0xab: {  	[sflag:s5] =	ssyncadd.remote.s32 @p0 $0x1;
	_ =	sdelay $0x1  }
0xac: {  	s5 =	simm.s32 @p0 $0x1B8D  }
0xad: {  	_ =	swait.eq @p0 [sflag:s5], $0x1  }
0xae: {  	[sflag:s5] =	ssyncadd.s32 @p0 $0xFFFFFFFF  }
0xaf: {  	s6 =	sshll.u32 @!p0 s1, $0xE  }
0xb0: {  	s6 =	sor.u32 @!p0 $0x4000, s6;
	s5 =	simm.s32 @!p0 $0x1B8D  }
0xb1: {  	s4 =	sshll.u32 @!p0 s4, $0x11;
	s6 =	sadd.s32 @!p0 $0x11B8D, s6;
	_ =	swait.eq @!p0 [sflag:s5], $0x1  }
0xb2: {  	s4 =	sor.u32 @!p0 s4, s6;
	[sflag:s5] =	ssyncadd.s32 @!p0 $0xFFFFFFFF  }
0xb3: {  	s25 =	simm.s32 $0x1B8E;
	s24 =	sld [smem:$0x3FFE];
	[sflag:s4] =	ssyncadd.remote.s32 @!p0 $0x1  }
0xb4: {  	s26 =	simm.s32 $execute0_lowered;
	[smem:$0x3FD2] =	sst s25  }
0xb5: {  	s5 =	sshll.u32 s26, $0x1;
	_ =	strace $0x8000004C;
	[dreg:$0x1] =	wrdreg $0xFFFFFFFF  }
0xb6: {  	s28 =	simm.s32 $_size_execute0_lowered;
	s3 =	sadd.s32 s3, s5;
	[dreg:$0x0] =	wrdreg $0x0  }
0xb7: {  	s5 =	sshll.u32 s28, $0x1;
	[dreg:$0x2] =	wrdreg s3  }
0xb8: {  	[dreg:$0x3] =	wrdreg s5  }
0xb9: {  	[dreg:$0x4] =	wrdreg $0xC0  }
0xba: {  	_ =	task [dreg:s22], $0x5FFFF  }
0xbb: {  	[dreg:$0x1] =	wrdreg $0xFFFFFFFF  }
0xbc: {  	[dreg:$0x0] =	wrdreg $0x60  }
0xbd: {  	[dreg:$0x2] =	wrdreg s24  }
0xbe: {  	[dreg:$0x3] =	wrdreg $0x9  }
0xbf: {  	_ =	task.clear_ibuf [dreg:s22], $0x4FFFF;
	_ =	strace $0x9000004C  }
0xc0: {  	s29 =	simm.s32 $0x9;
	_ =	strace $0x8000004E  }
0xc1: {  	_ =	swait.ge [sflag:s29], $0x1  }
0xc2: {  	[sflag:s29] =	ssyncadd.s32 $0xFFFFFFFF  }
0xc3: {  	_ =	strace $0x9000004E  }
0xc4: {  	_ =	sfence  }
0xc5: {  	s30 =	sld [smem:$0x0];
	_ =	sdelay $0x2  }
0xc6: {  	s31 =	sshll.u32 s1, $0xD;
	s1 =	sshrl.u32 s1, $0x2  }
0xc7: {  	s4 =	sand.u32 $0x4000, s31;
	s1 =	sadd.s32 s1, s30  }
0xc8: {  	s0 =	sor.u32 s4, s0;
	s1 =	sshll.u32 s1, $0x11  }
0xc9: {  	s0 =	sor.u32 s1, s0  }
0xca: {  	s0 =	sadd.s32 $0x8F2B, s0  }
0xcb: {  	[sflag:s0] =	ssyncadd.remote.s32 $0x1  }
0xcc: {  	_ =	sfence.sel $0xFFFF  }
0xcd: {  	[dreg:$0x0] =	wrdreg $0xFFFFFFFF;
	(pc) =	sbr.abs _section_cstart, $3  }
0xce: {  	[dreg:$0x1] =	wrdreg $0xFFFFFFFF  }
0xcf: {  	_ =	task.clear_ibuf [dreg:s22], $0x2FFFF;
	_ =	strace $0x9FFFFFFF  }
0xd0: {  	(tm) =	ssettm $0x7FFFFFFF  }
0xd1: {  	_ =	shalt  }
tec
execute0_lowered:
.L_overlay_start_1:
0x0: {  	(tag) =	ssettag $0x1  }
0x1: {  	s0 =	rddreg [dreg:$0x0];
	s1 =	srdreg.scid;
	s2 =	simm.s32 $0x0  }
0x2: {  	s9 =	stileid.u32;
	s11 =	simm.s32 $0x2;
	s13 =	simm.s32 $0x180  }
0x3: {  	s14 =	simm.s32 $0x980;
	s15 =	simm.s32 $0x1180;
	s16 =	simm.s32 $0x1980  }
0x4: {  	s17 =	simm.s32 $0x2180;
	s18 =	simm.s32 $0x2980;
	s19 =	simm.s32 $0x3180  }
0x5: {  	s20 =	simm.s32 $0x3980;
	s21 =	simm.s32 $0x1;
	s22 =	simm.s32 $0x4180  }
0x6: {  	s23 =	simm.s32 $0x0;
	s1 =	sand.u32 $0x1, s1;
	[smem:$0x7FF] =	sst s2  }
0x7: {  	s3 =	sshll.u32 s9, $0x8;
	s29 =	sadd.s32 $0x1800, s0;
	s6 =	sadd.s32 $0x32C00, s0  }
0x8: {  	s31 =	sshrl.u32 s9, $0x3;
	s4 =	sshll.u32 s1, $0x7;
	s1 =	ssub.s32 $0x2, s1  }
0x9: {  	_ =	strace $0x8000004D;
	s3 =	sor.u32 s4, s3;
	s7 =	sshrl.u32 s1, $0x1  }
0xa: {  	v3 =	vlaneseq.u32;
	s5 =	sshrl.u32 s3, $0x3;
	s30 =	ssub.s32 s1, s7;
	s1 =	smul.u32 $0x7E90, s31  }
0xb: {  	vm0 =	vmmov $0xffff;
	v1 =	vand.u32 $0x7, v3;
	v2 =	vshrl.u32 v3, $0x3;
	[dreg:$0x2] =	wrdreg s29;
	s4 =	sadd.s32 $0x302C00, s0;
	s8 =	sadd.s32 s5, s0  }
0xc: {  	v3 =	vor.u32 $0x8, v3;
	v2 =	vmul.u32 $0x8, v2;
	s9 =	smax.u32 s30, $0x1;
	s7 =	sadd.s32 $0x1200, s8;
	s8 =	sadd.s32 $0x1400, s8;
	v0 =	vmov s1  }
.LBB2_1:
0xd: {  	s0 =	rddreg [dreg:$0x2];
	s1 =	simm.s32 $0x5180  }
0xe: {  	[tilespmem:s1], [sflag:$0x2] =	stream.linear.gather [hbm4b:s0+s2], $0x1, $0x38;
	[tilespmem:$0x5200] =	vst v63  }
0xf: {  	_ =	swait.ge [sflag:s11], $0x1  }
0x10: {  	[sflag:s11] =	ssyncset.done $0x0  }
0x11: {  	[sflag:s11] =	ssyncadd.s32 $0xFFFFFFFF  }
0x12: {  	v4 =	vld.msk [tilespmem:$0x5180 ss:$0x0], $0xffff;
	[tilespmem:s2], [sflag:$0x2] =	stream.linear.gather [hbm4b:s7+s2], $0x80, $0x38  }
0x13: {  	_ =	swait.ge [sflag:s11], $0x80  }
0x14: {  	[sflag:s11] =	ssyncset.done $0x0  }
0x15: {  	s31 =	simm.s32 $0x80;
	[sflag:s11] =	ssyncadd.s32 $0xFFFFFF80  }
0x16: {  	[tilespmem:s31], [sflag:$0x2] =	stream.linear.gather [hbm4b:s8+s2], $0x80, $0x38;
	[tilespmem:$0x5200] =	vst v63  }
0x17: {  	_ =	swait.ge [sflag:s11], $0x80  }
0x18: {  	(erf) = vrcp.f32 v4;
	_ =	sdelay $0x7  }
0x19: {  	[sflag:s11] =	ssyncset.done $0x0  }
0x1a: {  	s24 =	simm.s32 $0x0;
	[sflag:s11] =	ssyncadd.s32 $0xFFFFFF80;
	v4 =	vpop (erf)  }
.LBB2_2:
0x1b: {  	s25 =	sshll.u32 s24, $0x4  }
0x1c: {  	v5 =	vld [tilespmem:s25+$0x80];
	_ =	sdelay $0x4  }
0x1d: {  	v6 =	vld [tilespmem:s25+$0x0];
	v5 =	vadd.f32 $4.000000000e+01, v5;
	_ =	sdelay $0x1  }
0x1e: {  	v5 =	vmul.f32 v5, v4;
	_ =	sdelay $0x1  }
0x1f: {  	v7 =	vtrunc.f32 v5  }
0x20: {  	v6 =	vmul.f32 v6, v4;
	v7 =	vcvt.f32.s32 v7;
	_ =	sdelay $0x1  }
0x21: {  	v8 =	vtrunc.f32 v6;
	vm1 =	vgt.s32 v7, $0x0  }
0x22: {  	v8 =	vcvt.f32.s32 v8;
	v7 =	vnsel vm1, $0x0, v7  }
0x23: {  	v9 =	vmin.u32 v7, $0xB3  }
0x24: {  	vm1 =	vgt.s32 v8, $0x0;
	v10 =	vmul.u32 $0xB4, v9  }
0x25: {  	v8 =	vnsel vm1, $0x0, v8  }
0x26: {  	v11 =	vmin.u32 v8, $0xB3;
	v10 =	vadd.s32 v0, v10  }
0x27: {  	v12 =	vadd.s32 v11, v10  }
0x28: {  	v13 =	vshll.u32 v12, $0x1  }
0x29: {  	v7 =	vmin.u32 v7, $0xB2;
	v14 =	vand.u32 $0x7, v12;
	v13 =	vand.u32 $0x7FFFFFF0, v13  }
0x2a: {  	v7 =	vadd.s32 $0x1, v7;
	v13 =	vor.u32 v14, v13  }
0x2b: {  	v14 =	vmul.u32 $0xB4, v7;
	v15 =	vperm.xlane v13, v1  }
0x2c: {  	v8 =	vmin.u32 v8, $0xB2  }
0x2d: {  	v13 =	vperm.xlane v13, v3;
	v14 =	vadd.s32 v0, v14;
	v15 =	vadd.s32 v2, v15  }
0x2e: {  	v8 =	vadd.s32 $0x1, v8;
	[tilespmem:$0x100] =	vst v12;
	v12 =	vadd.s32 v11, v14  }
0x2f: {  	v10 =	vadd.s32 v8, v10;
	[tilespmem:$0x110] =	vst v12;
	v12 =	vadd.s32 v2, v13  }
0x30: {  	[tilespmem:$0x120] =	vst v10;
	v10 =	vadd.s32 v8, v14  }
0x31: {  	s0 =	simm.s32 $0x0;
	[tilespmem:$0x130] =	vst v10  }
0x32: {  	[tilespmem:s13], [sflag:$0x1] =	stream.indirect_vreg.gather [hbm4b:s4+s0], $0x80, v15, vm0, $0xb8;
	[tilespmem:$0x5200] =	vst v63  }
0x33: {  	_ = 	snop  }
0x34: {  	[tilespmem:s14], [sflag:$0x1] =	stream.indirect_vreg.gather [hbm4b:s4+s0], $0x80, v12, vm0, $0xb8;
	[tilespmem:$0x5200] =	vst v63  }
0x35: {  	v10 =	vld [tilespmem:$0x110];
	_ =	sdelay $0x4  }
0x36: {  	v12 =	vshll.u32 v10, $0x1  }
0x37: {  	v10 =	vand.u32 $0x7, v10;
	v12 =	vand.u32 $0xFFFFFFF0, v12  }
0x38: {  	v10 =	vor.u32 v10, v12  }
0x39: {  	v12 =	vperm.xlane v10, v1;
	_ =	sdelay $0x1  }
0x3a: {  	v10 =	vperm.xlane v10, v3;
	v12 =	vadd.s32 v2, v12;
	_ =	sdelay $0x1  }
0x3b: {  	v10 =	vadd.s32 v2, v10;
	_ =	sdelay $0x2  }
0x3c: {  	[tilespmem:s15], [sflag:$0x1] =	stream.indirect_vreg.gather [hbm4b:s4+s0], $0x80, v12, vm0, $0xb8;
	[tilespmem:$0x5200] =	vst v63  }
0x3d: {  	_ = 	snop  }
0x3e: {  	[tilespmem:s16], [sflag:$0x1] =	stream.indirect_vreg.gather [hbm4b:s4+s0], $0x80, v10, vm0, $0xb8;
	[tilespmem:$0x5200] =	vst v63  }
0x3f: {  	v10 =	vld [tilespmem:$0x120];
	_ =	sdelay $0x4  }
0x40: {  	v12 =	vshll.u32 v10, $0x1  }
0x41: {  	v10 =	vand.u32 $0x7, v10;
	v12 =	vand.u32 $0xFFFFFFF0, v12  }
0x42: {  	v10 =	vor.u32 v10, v12  }
0x43: {  	v12 =	vperm.xlane v10, v1;
	_ =	sdelay $0x1  }
0x44: {  	v10 =	vperm.xlane v10, v3;
	v12 =	vadd.s32 v2, v12;
	_ =	sdelay $0x1  }
0x45: {  	v10 =	vadd.s32 v2, v10;
	_ =	sdelay $0x2  }
0x46: {  	[tilespmem:s17], [sflag:$0x1] =	stream.indirect_vreg.gather [hbm4b:s4+s0], $0x80, v12, vm0, $0xb8;
	[tilespmem:$0x5200] =	vst v63  }
0x47: {  	_ = 	snop  }
0x48: {  	[tilespmem:s18], [sflag:$0x1] =	stream.indirect_vreg.gather [hbm4b:s4+s0], $0x80, v10, vm0, $0xb8;
	[tilespmem:$0x5200] =	vst v63  }
0x49: {  	v10 =	vld [tilespmem:$0x130];
	_ =	sdelay $0x4  }
0x4a: {  	v12 =	vshll.u32 v10, $0x1  }
0x4b: {  	v10 =	vand.u32 $0x7, v10;
	v12 =	vand.u32 $0xFFFFFFF0, v12  }
0x4c: {  	v10 =	vor.u32 v10, v12  }
0x4d: {  	v12 =	vperm.xlane v10, v1;
	_ =	sdelay $0x1  }
0x4e: {  	v10 =	vperm.xlane v10, v3;
	v12 =	vadd.s32 v2, v12;
	_ =	sdelay $0x1  }
0x4f: {  	v10 =	vadd.s32 v2, v10;
	_ =	sdelay $0x2  }
0x50: {  	[tilespmem:s19], [sflag:$0x1] =	stream.indirect_vreg.gather [hbm4b:s4+s0], $0x80, v12, vm0, $0xb8;
	[tilespmem:$0x5200] =	vst v63  }
0x51: {  	_ = 	snop  }
0x52: {  	[tilespmem:s20], [sflag:$0x1] =	stream.indirect_vreg.gather [hbm4b:s4+s0], $0x80, v10, vm0, $0xb8;
	[tilespmem:$0x5200] =	vst v63  }
0x53: {  	_ =	swait.ge [sflag:s21], $0x4000  }
0x54: {  	s1 =	sand.u32 $0x800, s0;
	s10 =	sand.u32 $0x380, s0;
	[sflag:s21] =	ssyncset.done $0x0  }
0x55: {  	s26 =	sor.u32 s10, s1;
	[sflag:s21] =	ssyncadd.s32 $0xFFFFC000  }
0x56: {  	v13 =	vld [tilespmem:s26+$0x1190]  }
0x57: {  	v14 =	vld [tilespmem:s26+$0x31C0]  }
0x58: {  	v15 =	vld [tilespmem:s26+$0x21A0]  }
0x59: {  	v17 =	vld [tilespmem:s26+$0x21E0]  }
0x5a: {  	v18 =	vld [tilespmem:s26+$0x1A0]  }
0x5b: {  	v19 =	vld [tilespmem:s26+$0x11A0]  }
0x5c: {  	v20 =	vld [tilespmem:s26+$0x190]  }
0x5d: {  	v9 =	vcvt.s32.f32 v9;
	v21 =	vld [tilespmem:s26+$0x11B0]  }
0x5e: {  	v7 =	vcvt.s32.f32 v7;
	v8 =	vcvt.s32.f32 v8;
	v22 =	vld [tilespmem:s26+$0x21F0]  }
0x5f: {  	v25 =	vsub.f32 v5, v9;
	v9 =	vmov s0;
	v23 =	vld [tilespmem:s26+$0x21B0]  }
0x60: {  	v5 =	vsub.f32 v7, v5;
	v8 =	vsub.f32 v8, v6;
	v10 =	vcvt.s32.f32 v11;
	v24 =	vld [tilespmem:s26+$0x1B0]  }
0x61: {  	v7 =	vand.u32 $0xF, v9;
	v26 =	vld [tilespmem:s26+$0x11E0]  }
0x62: {  	v9 =	vmul.f32 v5, v8;
	v12 =	vmul.f32 v25, v8;
	v8 =	vsub.f32 v6, v10;
	v27 =	vld [tilespmem:s26+$0x1D0]  }
0x63: {  	v28 =	vbroadcast v7, $0x0;
	v29 =	vld [tilespmem:s26+$0x11F0]  }
0x64: {  	v30 =	vld [tilespmem:s26+$0x1F0];
	v10 =	vmul.f32 v5, v8  }
0x65: {  	v7 =	vperm.xlane v9, v28;
	v6 =	vperm.xlane v12, v28;
	v33 =	vld [tilespmem:s26+$0x11C0]  }
0x66: {  	v34 =	vld [tilespmem:s26+$0x21C0];
	v11 =	vmul.f32 v25, v8;
	v5 =	vperm.xlane v10, v28  }
0x67: {  	v31 =	vld [tilespmem:s26+$0x11D0];
	v19 =	vmul.f32 v19, v6;
	v18 =	vmul.f32 v18, v7  }
0x68: {  	v57 =	vld [tilespmem:s26+$0x180];
	v21 =	vmul.f32 v21, v6;
	v15 =	vmul.f32 v15, v5  }
0x69: {  	v8 =	vld [tilespmem:s26+$0x1E0];
	v24 =	vmul.f32 v24, v7;
	v25 =	vmul.f32 v29, v6  }
0x6a: {  	v32 =	vld [tilespmem:s26+$0x1C0];
	v13 =	vmul.f32 v13, v6;
	v56 =	vmul.f32 v33, v6  }
0x6b: {  	v35 =	vld [tilespmem:s26+$0x1180];
	v27 =	vmul.f32 v27, v7;
	v58 =	vmul.f32 v34, v5  }
0x6c: {  	v29 =	vld [tilespmem:s26+$0x31E0];
	v17 =	vmul.f32 v17, v5;
	v21 =	vadd.f32 v21, v24;
	v24 =	vmul.f32 v30, v7  }
0x6d: {  	v60 =	vmul.f32 v57, v7;
	v18 =	vadd.f32 v19, v18;
	v30 =	vmul.f32 v31, v6;
	v31 =	vld [tilespmem:s26+$0x21D0]  }
0x6e: {  	v59 =	vld [tilespmem:s26+$0x31D0];
	v24 =	vadd.f32 v25, v24;
	v25 =	vmul.f32 v26, v6;
	v26 =	vmul.f32 v8, v7  }
0x6f: {  	v16 =	vld [tilespmem:s26+$0x3180];
	v15 =	vadd.f32 v15, v18;
	v18 =	vmul.f32 v20, v7;
	v8 =	vperm.xlane v11, v28  }
0x70: {  	v22 =	vmul.f32 v22, v5;
	v23 =	vmul.f32 v23, v5;
	v25 =	vadd.f32 v25, v26;
	v26 =	vld [tilespmem:s26+$0x2180]  }
0x71: {  	v28 =	vld [tilespmem:s26+$0x31A0];
	v13 =	vadd.f32 v13, v18;
	v18 =	vmul.f32 v32, v7;
	v29 =	vmul.f32 v29, v8  }
0x72: {  	v20 =	vld [tilespmem:s26+$0x2190];
	v27 =	vadd.f32 v30, v27;
	v30 =	vmul.f32 v31, v5;
	v31 =	vmul.f32 v35, v6  }
0x73: {  	v61 =	vmul.f32 v59, v8;
	v18 =	vadd.f32 v56, v18;
	v17 =	vadd.f32 v17, v25;
	v25 =	vld [tilespmem:s26+$0x31F0]  }
0x74: {  	v19 =	vld [tilespmem:s26+$0x3190];
	v14 =	vmul.f32 v14, v8;
	v27 =	vadd.f32 v30, v27;
	v31 =	vadd.f32 v31, v60  }
0x75: {  	v30 =	vld [tilespmem:s26+$0x31B0];
	v18 =	vadd.f32 v58, v18;
	v17 =	vadd.f32 v29, v17;
	v26 =	vmul.f32 v26, v5  }
0x76: {  	v16 =	vmul.f32 v16, v8;
	v28 =	vmul.f32 v28, v8;
	v27 =	vadd.f32 v61, v27  }
0x77: {  	v14 =	vadd.f32 v14, v18;
	v18 =	vmul.f32 v20, v5;
	[tilespmem:s26+$0x41E0] =	vst v17;
	v17 =	vadd.f32 v26, v31  }
0x78: {  	v15 =	vadd.f32 v28, v15;
	v20 =	vadd.f32 v22, v24;
	[tilespmem:s26+$0x41D0] =	vst v27;
	v22 =	vmul.f32 v25, v8  }
0x79: {  	v19 =	vmul.f32 v19, v8;
	v13 =	vadd.f32 v18, v13;
	[tilespmem:s26+$0x41C0] =	vst v14;
	v14 =	vadd.f32 v16, v17  }
0x7a: {  	[tilespmem:s26+$0x41A0] =	vst v15;
	v15 =	vmul.f32 v30, v8;
	v16 =	vadd.f32 v23, v21;
	v17 =	vadd.f32 v22, v20  }
0x7b: {  	v13 =	vadd.f32 v19, v13;
	[tilespmem:s26+$0x4180] =	vst v14  }
0x7c: {  	s0 =	sand.u32 $0xFFFFF800, s0;
	v14 =	vadd.f32 v15, v16;
	[tilespmem:s26+$0x41F0] =	vst v17  }
0x7d: {  	s12 =	sadd.s32 $0x0, s0;
	[tilespmem:s26+$0x4190] =	vst v13  }
0x7e: {  	s1 =	sor.u32 $0x1400, s12;
	v29 =	vld [tilespmem:s26+$0x580];
	[tilespmem:s26+$0x41B0] =	vst v14  }
0x7f: {  	v13 =	vld [tilespmem:s1+$0x180]  }
0x80: {  	s0 =	sor.u32 $0x2400, s12  }
0x81: {  	v14 =	vld [tilespmem:s0+$0x180]  }
0x82: {  	s31 =	sor.u32 $0x3400, s12  }
0x83: {  	v15 =	vld [tilespmem:s31+$0x180]  }
0x84: {  	v16 =	vmul.f32 v29, v7;
	v13 =	vmul.f32 v13, v6;
	_ =	sdelay $0x1  }
0x85: {  	v14 =	vmul.f32 v14, v5;
	v13 =	vadd.f32 v13, v16;
	_ =	sdelay $0x1  }
0x86: {  	v13 =	vadd.f32 v14, v13;
	v14 =	vmul.f32 v15, v8;
	_ =	sdelay $0x1  }
0x87: {  	v13 =	vadd.f32 v14, v13;
	_ =	sdelay $0x1  }
0x88: {  	v62 =	vld [tilespmem:s26+$0x590];
	[tilespmem:s26+$0x4580] =	vst v13  }
0x89: {  	v13 =	vld [tilespmem:s1+$0x190];
	_ =	sdelay $0x1  }
0x8a: {  	v14 =	vld [tilespmem:s0+$0x190];
	_ =	sdelay $0x1  }
0x8b: {  	v15 =	vld [tilespmem:s31+$0x190]  }
0x8c: {  	v16 =	vmul.f32 v62, v7;
	v13 =	vmul.f32 v13, v6;
	_ =	sdelay $0x1  }
0x8d: {  	v14 =	vmul.f32 v14, v5;
	v13 =	vadd.f32 v13, v16;
	_ =	sdelay $0x1  }
0x8e: {  	v13 =	vadd.f32 v14, v13;
	v14 =	vmul.f32 v15, v8;
	_ =	sdelay $0x1  }
0x8f: {  	v63 =	vld [tilespmem:s26+$0x5A0];
	v13 =	vadd.f32 v14, v13  }
0x90: {  	v28 =	vld [tilespmem:s26+$0x5B0]  }
0x91: {  	v20 =	vld [tilespmem:s26+$0x5C0];
	[tilespmem:s26+$0x4590] =	vst v13  }
0x92: {  	v13 =	vld [tilespmem:s1+$0x1A0]  }
0x93: {  	s29 =	simm.s32 $0x80;
	s30 =	simm.s32 $0x100;
	v14 =	vld [tilespmem:s26+$0x5D0]  }
0x94: {  	s5 =	sand.u32 $0x800, s30;
	s12 =	sand.u32 $0x380, s29;
	v16 =	vld [tilespmem:s0+$0x1A0]  }
0x95: {  	s28 =	sor.u32 s12, s5;
	v17 =	vld [tilespmem:s31+$0x1A0]  }
0x96: {  	v21 =	vld [tilespmem:s28+$0x1190]  }
0x97: {  	v18 =	vmul.f32 v63, v7;
	v15 =	vld [tilespmem:s28+$0x31C0];
	v13 =	vmul.f32 v13, v6  }
0x98: {  	v23 =	vld [tilespmem:s28+$0x21A0]  }
0x99: {  	v22 =	vld [tilespmem:s28+$0x3180];
	v13 =	vadd.f32 v13, v18;
	v18 =	vmul.f32 v16, v5  }
0x9a: {  	s12 =	simm.s32 $0x1;
	v26 =	vld [tilespmem:s28+$0x1A0]  }
0x9b: {  	v19 =	vmov s12;
	v24 =	vld [tilespmem:s28+$0x190];
	v17 =	vmul.f32 v17, v8;
	v13 =	vadd.f32 v18, v13  }
0x9c: {  	v19 =	vand.u32 $0xF, v19;
	v18 =	vld [tilespmem:s28+$0x11A0]  }
0x9d: {  	v27 =	vld [tilespmem:s28+$0x11B0];
	v13 =	vadd.f32 v17, v13;
	v17 =	vbroadcast v19, $0x0  }
0x9e: {  	v25 =	vld [tilespmem:s28+$0x21F0]  }
0x9f: {  	v16 =	vld [tilespmem:s28+$0x21E0];
	[tilespmem:s26+$0x45A0] =	vst v13;
	v13 =	vperm.xlane v12, v17  }
0xa0: {  	s10 =	simm.s32 $0x2;
	v29 =	vld [tilespmem:s1+$0x1B0]  }
.LBB2_3:
0xa1: {  	p0 =	sne.s32 s10, $0xF;
	v30 =	vmul.f32 v18, v13;
	v31 =	vld [tilespmem:s0+$0x1B0];
	s12 =	smov.u32 s10;
	s10 =	sadd.s32 $0x1, s10  }
0xa2: {  	v32 =	vld [tilespmem:s31+$0x1B0]  }
0xa3: {  	v19 =	vperm.xlane v9, v17;
	v28 =	vmul.f32 v28, v7;
	v33 =	vld [tilespmem:s28+$0x21B0]  }
0xa4: {  	v18 =	vperm.xlane v10, v17;
	v17 =	vperm.xlane v11, v17;
	v34 =	vld [tilespmem:s28+$0x1B0]  }
0xa5: {  	v26 =	vmul.f32 v26, v19;
	v35 =	vld [tilespmem:s28+$0x11E0];
	v29 =	vmul.f32 v29, v6  }
0xa6: {  	v27 =	vmul.f32 v27, v13;
	v36 =	vld [tilespmem:s28+$0x1D0];
	v31 =	vmul.f32 v31, v5  }
0xa7: {  	v22 =	vmul.f32 v22, v17;
	v26 =	vadd.f32 v30, v26;
	v30 =	vld [tilespmem:s28+$0x11F0];
	v28 =	vadd.f32 v29, v28  }
0xa8: {  	v23 =	vmul.f32 v23, v18;
	v25 =	vmul.f32 v25, v18;
	v29 =	vld [tilespmem:s28+$0x1F0]  }
0xa9: {  	v34 =	vmul.f32 v34, v19;
	v37 =	vld [tilespmem:s28+$0x11D0];
	v28 =	vadd.f32 v31, v28;
	v31 =	vmul.f32 v32, v8  }
0xaa: {  	v26 =	vadd.f32 v23, v26;
	v23 =	vld [tilespmem:s28+$0x1C0]  }
0xab: {  	v32 =	vmul.f32 v33, v18;
	v27 =	vadd.f32 v27, v34;
	v33 =	vld [tilespmem:s28+$0x11C0];
	v28 =	vadd.f32 v31, v28  }
0xac: {  	v31 =	vld [tilespmem:s28+$0x21C0];
	v30 =	vmul.f32 v30, v13  }
0xad: {  	v24 =	vmul.f32 v24, v19;
	v34 =	vmul.f32 v21, v13;
	v21 =	vadd.f32 v32, v27;
	v27 =	vld [tilespmem:s28+$0x1E0];
	[tilespmem:s26+$0x45B0] =	vst v28  }
0xae: {  	v28 =	vmul.f32 v29, v19;
	v29 =	vld [tilespmem:s1+$0x1C0]  }
0xaf: {  	v24 =	vadd.f32 v34, v24;
	v32 =	vld [tilespmem:s0+$0x1C0]  }
0xb0: {  	v34 =	vmul.f32 v37, v13;
	v28 =	vadd.f32 v30, v28;
	v30 =	vld [tilespmem:s31+$0x1C0]  }
0xb1: {  	v38 =	vmul.f32 v20, v7;
	v36 =	vmul.f32 v36, v19;
	v37 =	vld [tilespmem:s28+$0x3190]  }
0xb2: {  	v16 =	vmul.f32 v16, v18;
	v23 =	vmul.f32 v23, v19;
	v20 =	vadd.f32 v25, v28;
	v39 =	vld [tilespmem:s28+$0x31E0]  }
0xb3: {  	v28 =	vmul.f32 v33, v13;
	v33 =	vadd.f32 v34, v36;
	v34 =	vmul.f32 v35, v13;
	v25 =	vld [tilespmem:s28+$0x2190]  }
0xb4: {  	v27 =	vmul.f32 v27, v19;
	v35 =	vld [tilespmem:s28+$0x180];
	v32 =	vmul.f32 v32, v5  }
0xb5: {  	v23 =	vadd.f32 v28, v23;
	v28 =	vmul.f32 v31, v18;
	v29 =	vmul.f32 v29, v6;
	v36 =	vld [tilespmem:s28+$0x1180]  }
0xb6: {  	v27 =	vadd.f32 v34, v27;
	v30 =	vmul.f32 v30, v8;
	v31 =	vld [tilespmem:s28+$0x2180];
	v37 =	vmul.f32 v37, v17  }
0xb7: {  	v15 =	vmul.f32 v15, v17;
	v23 =	vadd.f32 v28, v23;
	v29 =	vadd.f32 v29, v38;
	v28 =	vld [tilespmem:s28+$0x21D0]  }
0xb8: {  	v27 =	vadd.f32 v16, v27;
	v34 =	vld [tilespmem:s28+$0x31F0]  }
0xb9: {  	v38 =	vadd.f32 v15, v23;
	v15 =	vadd.f32 v32, v29;
	v16 =	vld [tilespmem:s28+$0x31D0]  }
0xba: {  	v29 =	vmul.f32 v36, v13;
	v32 =	vld [tilespmem:s28+$0x31A0]  }
0xbb: {  	v30 =	vadd.f32 v30, v15;
	v36 =	vld [tilespmem:s28+$0x31B0]  }
0xbc: {  	v28 =	vmul.f32 v28, v18;
	v23 =	vld [tilespmem:s28+$0x580]  }
0xbd: {  	v15 =	vld [tilespmem:s28+$0x590];
	[tilespmem:s26+$0x45C0] =	vst v30  }
0xbe: {  	v28 =	vadd.f32 v28, v33;
	v16 =	vmul.f32 v16, v17;
	v30 =	vld [tilespmem:s1+$0x1D0]  }
0xbf: {  	v32 =	vmul.f32 v32, v17;
	v33 =	vld [tilespmem:s0+$0x1D0]  }
0xc0: {  	v28 =	vadd.f32 v16, v28;
	v40 =	vld [tilespmem:s31+$0x1D0]  }
0xc1: {  	v26 =	vadd.f32 v32, v26;
	v16 =	vld [tilespmem:s28+$0x5A0];
	_ =	sdelay $0x1  }
0xc2: {  	v14 =	vmul.f32 v14, v7;
	v30 =	vmul.f32 v30, v6;
	_ =	sdelay $0x1  }
0xc3: {  	v14 =	vadd.f32 v30, v14;
	v30 =	vmul.f32 v33, v5  }
0xc4: {  	v16 =	vmul.f32 v16, v19  }
0xc5: {  	v14 =	vadd.f32 v30, v14;
	v30 =	vmul.f32 v40, v8;
	_ =	sdelay $0x1  }
0xc6: {  	v32 =	vmul.f32 v39, v17;
	v14 =	vadd.f32 v30, v14;
	_ =	sdelay $0x1  }
0xc7: {  	v27 =	vadd.f32 v32, v27;
	[tilespmem:s26+$0x45D0] =	vst v14;
	v14 =	vld [tilespmem:s26+$0x5E0]  }
0xc8: {  	v30 =	vld [tilespmem:s1+$0x1E0]  }
0xc9: {  	v32 =	vld [tilespmem:s0+$0x1E0]  }
0xca: {  	v33 =	vld [tilespmem:s31+$0x1E0]  }
0xcb: {  	v25 =	vmul.f32 v25, v18;
	_ =	sdelay $0x1  }
0xcc: {  	v24 =	vadd.f32 v25, v24;
	v14 =	vmul.f32 v14, v7;
	v25 =	vmul.f32 v30, v6;
	_ =	sdelay $0x1  }
0xcd: {  	v24 =	vadd.f32 v37, v24;
	v14 =	vadd.f32 v25, v14;
	v25 =	vmul.f32 v32, v5;
	_ =	sdelay $0x1  }
0xce: {  	v14 =	vadd.f32 v25, v14;
	v25 =	vmul.f32 v33, v8;
	_ =	sdelay $0x1  }
0xcf: {  	v14 =	vadd.f32 v25, v14;
	_ =	sdelay $0x1  }
0xd0: {  	[tilespmem:s26+$0x45E0] =	vst v14;
	v14 =	vld [tilespmem:s26+$0x5F0]  }
0xd1: {  	v25 =	vld [tilespmem:s1+$0x1F0]  }
0xd2: {  	v30 =	vmul.f32 v35, v19;
	v32 =	vld [tilespmem:s0+$0x1F0]  }
0xd3: {  	v33 =	vld [tilespmem:s31+$0x1F0]  }
0xd4: {  	v29 =	vadd.f32 v29, v30;
	v30 =	vmul.f32 v31, v18;
	[tilespmem:s28+$0x41E0] =	vst v27  }
0xd5: {  	[tilespmem:s28+$0x41D0] =	vst v28  }
0xd6: {  	v27 =	vadd.f32 v30, v29;
	v14 =	vmul.f32 v14, v7;
	[tilespmem:s28+$0x41C0] =	vst v38;
	v25 =	vmul.f32 v25, v6  }
0xd7: {  	v28 =	vmul.f32 v34, v17;
	v7 =	vmov v19;
	v6 =	vmov v13  }
0xd8: {  	v13 =	vadd.f32 v22, v27;
	v19 =	vmul.f32 v32, v5;
	[tilespmem:s28+$0x41A0] =	vst v26;
	v14 =	vadd.f32 v25, v14  }
0xd9: {  	v22 =	vmul.f32 v36, v17;
	v20 =	vadd.f32 v28, v20;
	v5 =	vmov v18  }
0xda: {  	[tilespmem:s28+$0x4180] =	vst v13;
	v13 =	vadd.f32 v19, v14;
	v14 =	vmul.f32 v33, v8;
	v8 =	vmov v17  }
0xdb: {  	v17 =	vadd.f32 v22, v21;
	[tilespmem:s28+$0x41F0] =	vst v20  }
0xdc: {  	s0 =	sand.u32 $0xFFFFF800, s30;
	[tilespmem:s28+$0x4190] =	vst v24;
	v13 =	vadd.f32 v14, v13  }
0xdd: {  	s31 =	sadd.s32 s0, s29;
	[tilespmem:s28+$0x41B0] =	vst v17  }
0xde: {  	s1 =	sor.u32 $0x1400, s31;
	[tilespmem:s26+$0x45F0] =	vst v13;
	s26 =	smov.u32 s28  }
0xdf: {  	v13 =	vld [tilespmem:s1+$0x180]  }
0xe0: {  	s0 =	sor.u32 $0x2400, s31  }
0xe1: {  	v14 =	vld [tilespmem:s0+$0x180]  }
0xe2: {  	s31 =	sor.u32 $0x3400, s31  }
0xe3: {  	v17 =	vld [tilespmem:s31+$0x180]  }
0xe4: {  	v18 =	vmul.f32 v23, v7;
	v13 =	vmul.f32 v13, v6;
	_ =	sdelay $0x1  }
0xe5: {  	v13 =	vadd.f32 v13, v18;
	v14 =	vmul.f32 v14, v5;
	_ =	sdelay $0x1  }
0xe6: {  	v13 =	vadd.f32 v14, v13;
	v14 =	vmul.f32 v17, v8;
	_ =	sdelay $0x1  }
0xe7: {  	v13 =	vadd.f32 v14, v13;
	_ =	sdelay $0x1  }
0xe8: {  	[tilespmem:s26+$0x4580] =	vst v13  }
0xe9: {  	v13 =	vld [tilespmem:s1+$0x190]  }
0xea: {  	v14 =	vld [tilespmem:s0+$0x190]  }
0xeb: {  	v17 =	vld [tilespmem:s31+$0x190];
	_ =	sdelay $0x2  }
0xec: {  	v15 =	vmul.f32 v15, v7;
	v13 =	vmul.f32 v13, v6;
	_ =	sdelay $0x1  }
0xed: {  	v14 =	vmul.f32 v14, v5;
	v13 =	vadd.f32 v13, v15;
	_ =	sdelay $0x1  }
0xee: {  	v13 =	vadd.f32 v14, v13;
	v14 =	vmul.f32 v17, v8;
	_ =	sdelay $0x1  }
0xef: {  	v13 =	vadd.f32 v14, v13  }
0xf0: {  	v14 =	vld [tilespmem:s26+$0x5D0]  }
0xf1: {  	[tilespmem:s26+$0x4590] =	vst v13;
	v20 =	vld [tilespmem:s26+$0x5C0]  }
0xf2: {  	v13 =	vld [tilespmem:s1+$0x1A0]  }
0xf3: {  	s30 =	sadd.s32 $0x100, s30;
	s29 =	sadd.s32 $0x80, s29;
	v17 =	vld [tilespmem:s0+$0x1A0]  }
0xf4: {  	s5 =	sand.u32 $0x380, s29;
	s28 =	sand.u32 $0x800, s30;
	v18 =	vld [tilespmem:s31+$0x1A0]  }
0xf5: {  	s28 =	sor.u32 s5, s28;
	v28 =	vld [tilespmem:s26+$0x5B0]  }
0xf6: {  	v21 =	vld [tilespmem:s28+$0x1190]  }
0xf7: {  	v15 =	vld [tilespmem:s28+$0x31C0];
	v13 =	vmul.f32 v13, v6  }
0xf8: {  	v23 =	vld [tilespmem:s28+$0x21A0]  }
0xf9: {  	v17 =	vmul.f32 v17, v5;
	v22 =	vld [tilespmem:s28+$0x3180];
	v13 =	vadd.f32 v13, v16  }
0xfa: {  	v16 =	vld [tilespmem:s28+$0x21E0]  }
0xfb: {  	v19 =	vmov s12;
	v25 =	vmul.f32 v18, v8;
	v26 =	vld [tilespmem:s28+$0x1A0];
	v13 =	vadd.f32 v17, v13  }
.Ltmp0:
0xfc: {  	v17 =	vand.u32 $0xF, v19;
	v18 =	vld [tilespmem:s28+$0x11A0];
	(pc) =	sbr.rel @p0 .LBB2_3-.Ltmp0, $4  }
0xfd: {  	v17 =	vbroadcast v17, $0x0;
	v24 =	vld [tilespmem:s28+$0x190];
	v19 =	vadd.f32 v25, v13  }
0xfe: {  	v27 =	vld [tilespmem:s28+$0x11B0]  }
0xff: {  	v13 =	vperm.xlane v12, v17;
	v25 =	vld [tilespmem:s28+$0x21F0];
	[tilespmem:s26+$0x45A0] =	vst v19  }
0x100: {  	v29 =	vld [tilespmem:s1+$0x1B0]  }
0x101: {  	v12 =	vld [tilespmem:s0+$0x1B0]  }
0x102: {  	v19 =	vld [tilespmem:s31+$0x1B0]  }
0x103: {  	v30 =	vld [tilespmem:s28+$0x21B0]  }
0x104: {  	v31 =	vld [tilespmem:s28+$0x1B0]  }
0x105: {  	v32 =	vld [tilespmem:s28+$0x11E0];
	v28 =	vmul.f32 v28, v7;
	v29 =	vmul.f32 v29, v6  }
0x106: {  	v33 =	vld [tilespmem:s28+$0x1D0]  }
0x107: {  	v34 =	vld [tilespmem:s28+$0x11F0];
	v12 =	vmul.f32 v12, v5;
	v28 =	vadd.f32 v29, v28  }
0x108: {  	v62 =	vld [tilespmem:s28+$0x1F0]  }
0x109: {  	v35 =	vld [tilespmem:s28+$0x11D0];
	v19 =	vmul.f32 v19, v8;
	v12 =	vadd.f32 v12, v28  }
0x10a: {  	v63 =	vld [tilespmem:s28+$0x1C0]  }
0x10b: {  	v36 =	vld [tilespmem:s28+$0x11C0];
	v12 =	vadd.f32 v19, v12  }
0x10c: {  	v37 =	vld [tilespmem:s28+$0x1E0]  }
0x10d: {  	v19 =	vld [tilespmem:s28+$0x21C0];
	[tilespmem:s26+$0x45B0] =	vst v12  }
0x10e: {  	v12 =	vld [tilespmem:s1+$0x1C0]  }
0x10f: {  	v38 =	vld [tilespmem:s0+$0x1C0]  }
0x110: {  	v39 =	vld [tilespmem:s31+$0x1C0]  }
0x111: {  	v40 =	vld [tilespmem:s28+$0x3190]  }
0x112: {  	v41 =	vld [tilespmem:s28+$0x31E0]  }
0x113: {  	v42 =	vld [tilespmem:s28+$0x2190]  }
0x114: {  	v43 =	vld [tilespmem:s28+$0x180]  }
0x115: {  	v20 =	vmul.f32 v20, v7;
	v44 =	vld [tilespmem:s28+$0x1180];
	v12 =	vmul.f32 v12, v6  }
0x116: {  	v45 =	vld [tilespmem:s28+$0x2180]  }
0x117: {  	v46 =	vld [tilespmem:s28+$0x21D0];
	v38 =	vmul.f32 v38, v5;
	v12 =	vadd.f32 v12, v20  }
0x118: {  	v47 =	vld [tilespmem:s28+$0x31D0]  }
0x119: {  	v48 =	vld [tilespmem:s28+$0x31B0];
	v39 =	vmul.f32 v39, v8;
	v12 =	vadd.f32 v38, v12  }
0x11a: {  	v49 =	vld [tilespmem:s28+$0x590]  }
0x11b: {  	v20 =	vld [tilespmem:s28+$0x31F0];
	v12 =	vadd.f32 v39, v12  }
0x11c: {  	v38 =	vld [tilespmem:s28+$0x31A0]  }
0x11d: {  	v39 =	vld [tilespmem:s28+$0x580];
	[tilespmem:s26+$0x45C0] =	vst v12  }
0x11e: {  	v12 =	vld [tilespmem:s1+$0x1D0];
	_ =	sdelay $0x1  }
0x11f: {  	v50 =	vld [tilespmem:s0+$0x1D0];
	_ =	sdelay $0x1  }
0x120: {  	v51 =	vld [tilespmem:s31+$0x1D0]  }
0x121: {  	v14 =	vmul.f32 v14, v7;
	v12 =	vmul.f32 v12, v6;
	_ =	sdelay $0x1  }
0x122: {  	v50 =	vmul.f32 v50, v5;
	v12 =	vadd.f32 v12, v14;
	_ =	sdelay $0x1  }
0x123: {  	v52 =	vmul.f32 v51, v8;
	v12 =	vadd.f32 v50, v12;
	_ =	sdelay $0x1  }
0x124: {  	v12 =	vadd.f32 v52, v12  }
0x125: {  	v9 =	vperm.xlane v9, v17;
	v53 =	vld [tilespmem:s26+$0x5E0];
	v18 =	vmul.f32 v18, v13  }
0x126: {  	v10 =	vperm.xlane v10, v17;
	v11 =	vperm.xlane v11, v17;
	v14 =	vld [tilespmem:s28+$0x5A0];
	[tilespmem:s26+$0x45D0] =	vst v12  }
0x127: {  	v21 =	vmul.f32 v21, v13;
	v26 =	vmul.f32 v26, v9;
	v54 =	vld [tilespmem:s1+$0x1E0]  }
0x128: {  	v55 =	vmul.f32 v27, v13;
	v23 =	vmul.f32 v23, v10  }
0x129: {  	v24 =	vmul.f32 v24, v9;
	v16 =	vmul.f32 v16, v10;
	v56 =	vld [tilespmem:s0+$0x1E0]  }
0x12a: {  	v22 =	vmul.f32 v22, v11;
	v57 =	vmul.f32 v31, v9  }
0x12b: {  	v60 =	vmul.f32 v34, v13;
	v63 =	vmul.f32 v63, v9;
	v58 =	vld [tilespmem:s31+$0x1E0]  }
0x12c: {  	v18 =	vadd.f32 v18, v26;
	v12 =	vmul.f32 v53, v7;
	v59 =	vmul.f32 v54, v6  }
0x12d: {  	v21 =	vadd.f32 v21, v24;
	v34 =	vmul.f32 v36, v13;
	v36 =	vmul.f32 v25, v10  }
0x12e: {  	v18 =	vadd.f32 v23, v18;
	v61 =	vmul.f32 v56, v5;
	v12 =	vadd.f32 v59, v12  }
0x12f: {  	v29 =	vmul.f32 v62, v9;
	v17 =	vadd.f32 v55, v57;
	v26 =	vadd.f32 v34, v63  }
0x130: {  	v55 =	vmul.f32 v15, v11;
	v50 =	vmul.f32 v58, v8;
	v12 =	vadd.f32 v61, v12  }
0x131: {  	v63 =	vmul.f32 v30, v10;
	v62 =	vadd.f32 v60, v29;
	v19 =	vmul.f32 v19, v10  }
0x132: {  	v51 =	vmul.f32 v32, v13;
	v52 =	vmul.f32 v37, v9;
	v12 =	vadd.f32 v50, v12  }
0x133: {  	v23 =	vadd.f32 v36, v62;
	v53 =	vmul.f32 v35, v13;
	v54 =	vmul.f32 v33, v9  }
0x134: {  	v62 =	vmul.f32 v43, v9;
	v43 =	vmul.f32 v42, v10;
	v27 =	vadd.f32 v51, v52;
	v58 =	vld [tilespmem:s26+$0x5F0];
	[tilespmem:s26+$0x45E0] =	vst v12  }
0x135: {  	v19 =	vadd.f32 v19, v26;
	v57 =	vmul.f32 v46, v10;
	v56 =	vadd.f32 v53, v54;
	v60 =	vld [tilespmem:s1+$0x1F0]  }
0x136: {  	v21 =	vadd.f32 v43, v21;
	v16 =	vadd.f32 v16, v27;
	v59 =	vmul.f32 v41, v11  }
0x137: {  	v35 =	vmul.f32 v47, v11;
	v41 =	vmul.f32 v38, v11;
	v15 =	vadd.f32 v57, v56;
	v36 =	vld [tilespmem:s0+$0x1F0]  }
0x138: {  	v37 =	vmul.f32 v40, v11;
	v61 =	vmul.f32 v44, v13;
	v16 =	vadd.f32 v59, v16  }
0x139: {  	v40 =	vmul.f32 v45, v10;
	v18 =	vadd.f32 v41, v18;
	v15 =	vadd.f32 v35, v15;
	v44 =	vld [tilespmem:s31+$0x1F0]  }
0x13a: {  	v7 =	vmul.f32 v58, v7;
	v24 =	vadd.f32 v61, v62;
	[tilespmem:s28+$0x41E0] =	vst v16;
	v6 =	vmul.f32 v60, v6  }
0x13b: {  	v46 =	vmul.f32 v20, v11;
	v51 =	vadd.f32 v37, v21;
	v12 =	vadd.f32 v55, v19;
	[tilespmem:s28+$0x41D0] =	vst v15  }
0x13c: {  	v45 =	vadd.f32 v40, v24;
	[tilespmem:s28+$0x41A0] =	vst v18;
	v5 =	vmul.f32 v36, v5;
	v6 =	vadd.f32 v6, v7  }
0x13d: {  	v50 =	vmul.f32 v48, v11;
	v15 =	vadd.f32 v46, v23;
	[tilespmem:s28+$0x4190] =	vst v51;
	v7 =	vadd.f32 v63, v17  }
0x13e: {  	[tilespmem:s28+$0x41C0] =	vst v12;
	v47 =	vadd.f32 v22, v45;
	v5 =	vadd.f32 v5, v6;
	v6 =	vmul.f32 v44, v8  }
0x13f: {  	[tilespmem:s28+$0x41F0] =	vst v15;
	v7 =	vadd.f32 v50, v7  }
0x140: {  	s12 =	sand.u32 $0xFFFFF800, s30;
	[tilespmem:s28+$0x4180] =	vst v47;
	v5 =	vadd.f32 v6, v5  }
0x141: {  	s5 =	sadd.s32 s12, s29;
	[tilespmem:s28+$0x41B0] =	vst v7  }
0x142: {  	s0 =	sor.u32 $0x1400, s5;
	[tilespmem:s26+$0x45F0] =	vst v5  }
0x143: {  	v5 =	vld [tilespmem:s0+$0x180]  }
0x144: {  	s30 =	sor.u32 $0x2400, s5  }
0x145: {  	v6 =	vld [tilespmem:s30+$0x180]  }
0x146: {  	s10 =	sor.u32 $0x3400, s5  }
0x147: {  	v7 =	vld [tilespmem:s10+$0x180]  }
0x148: {  	v52 =	vmul.f32 v39, v9;
	v5 =	vmul.f32 v5, v13;
	_ =	sdelay $0x1  }
0x149: {  	v6 =	vmul.f32 v6, v10;
	v5 =	vadd.f32 v5, v52;
	_ =	sdelay $0x1  }
0x14a: {  	v5 =	vadd.f32 v6, v5;
	v6 =	vmul.f32 v7, v11;
	_ =	sdelay $0x1  }
0x14b: {  	v5 =	vadd.f32 v6, v5;
	_ =	sdelay $0x1  }
0x14c: {  	[tilespmem:s28+$0x4580] =	vst v5  }
0x14d: {  	v5 =	vld [tilespmem:s0+$0x190];
	_ =	sdelay $0x1  }
0x14e: {  	v6 =	vld [tilespmem:s30+$0x190];
	_ =	sdelay $0x1  }
0x14f: {  	v7 =	vld [tilespmem:s10+$0x190]  }
0x150: {  	v53 =	vmul.f32 v49, v9;
	v5 =	vmul.f32 v5, v13;
	_ =	sdelay $0x1  }
0x151: {  	v6 =	vmul.f32 v6, v10;
	v5 =	vadd.f32 v5, v53;
	_ =	sdelay $0x1  }
0x152: {  	v5 =	vadd.f32 v6, v5;
	v6 =	vmul.f32 v7, v11;
	_ =	sdelay $0x1  }
0x153: {  	v5 =	vadd.f32 v6, v5;
	_ =	sdelay $0x1  }
0x154: {  	[tilespmem:s28+$0x4590] =	vst v5  }
0x155: {  	v5 =	vld [tilespmem:s0+$0x1A0];
	_ =	sdelay $0x1  }
0x156: {  	v7 =	vld [tilespmem:s30+$0x1A0];
	_ =	sdelay $0x1  }
0x157: {  	v54 =	vld [tilespmem:s10+$0x1A0]  }
0x158: {  	v55 =	vmul.f32 v14, v9;
	v5 =	vmul.f32 v5, v13;
	_ =	sdelay $0x1  }
0x159: {  	v7 =	vmul.f32 v7, v10;
	v5 =	vadd.f32 v5, v55;
	_ =	sdelay $0x1  }
0x15a: {  	v5 =	vadd.f32 v7, v5;
	v7 =	vmul.f32 v54, v11;
	_ =	sdelay $0x1  }
0x15b: {  	v5 =	vadd.f32 v7, v5;
	_ =	sdelay $0x1  }
0x15c: {  	v7 =	vld [tilespmem:s28+$0x5B0];
	[tilespmem:s28+$0x45A0] =	vst v5  }
0x15d: {  	v5 =	vld [tilespmem:s0+$0x1B0];
	_ =	sdelay $0x1  }
0x15e: {  	v57 =	vld [tilespmem:s30+$0x1B0];
	_ =	sdelay $0x1  }
0x15f: {  	v58 =	vld [tilespmem:s10+$0x1B0]  }
0x160: {  	v7 =	vmul.f32 v7, v9;
	v5 =	vmul.f32 v5, v13;
	_ =	sdelay $0x1  }
0x161: {  	v12 =	vmul.f32 v57, v10;
	v5 =	vadd.f32 v5, v7;
	_ =	sdelay $0x1  }
0x162: {  	v7 =	vmul.f32 v58, v11;
	v5 =	vadd.f32 v12, v5;
	_ =	sdelay $0x1  }
0x163: {  	v5 =	vadd.f32 v7, v5;
	_ =	sdelay $0x1  }
0x164: {  	v56 =	vld [tilespmem:s28+$0x5C0];
	[tilespmem:s28+$0x45B0] =	vst v5  }
0x165: {  	v5 =	vld [tilespmem:s0+$0x1C0];
	_ =	sdelay $0x1  }
0x166: {  	v7 =	vld [tilespmem:s30+$0x1C0];
	_ =	sdelay $0x1  }
0x167: {  	v59 =	vld [tilespmem:s10+$0x1C0]  }
0x168: {  	v8 =	vmul.f32 v56, v9;
	v5 =	vmul.f32 v5, v13;
	_ =	sdelay $0x1  }
0x169: {  	v7 =	vmul.f32 v7, v10;
	v5 =	vadd.f32 v5, v8;
	_ =	sdelay $0x1  }
0x16a: {  	v60 =	vmul.f32 v59, v11;
	v5 =	vadd.f32 v7, v5;
	_ =	sdelay $0x1  }
0x16b: {  	v5 =	vadd.f32 v60, v5;
	_ =	sdelay $0x1  }
0x16c: {  	v6 =	vld [tilespmem:s28+$0x5D0];
	[tilespmem:s28+$0x45C0] =	vst v5  }
0x16d: {  	v5 =	vld [tilespmem:s0+$0x1D0];
	_ =	sdelay $0x1  }
0x16e: {  	v7 =	vld [tilespmem:s30+$0x1D0];
	_ =	sdelay $0x1  }
0x16f: {  	v61 =	vld [tilespmem:s10+$0x1D0]  }
0x170: {  	v6 =	vmul.f32 v6, v9;
	v5 =	vmul.f32 v5, v13;
	_ =	sdelay $0x1  }
0x171: {  	v5 =	vadd.f32 v5, v6;
	v6 =	vmul.f32 v7, v10;
	_ =	sdelay $0x1  }
0x172: {  	v5 =	vadd.f32 v6, v5;
	v6 =	vmul.f32 v61, v11;
	_ =	sdelay $0x1  }
0x173: {  	v5 =	vadd.f32 v6, v5;
	_ =	sdelay $0x1  }
0x174: {  	[tilespmem:s28+$0x45D0] =	vst v5;
	v5 =	vld [tilespmem:s28+$0x5E0]  }
0x175: {  	v6 =	vld [tilespmem:s0+$0x1E0];
	_ =	sdelay $0x1  }
0x176: {  	v7 =	vld [tilespmem:s30+$0x1E0];
	_ =	sdelay $0x1  }
0x177: {  	v62 =	vld [tilespmem:s10+$0x1E0]  }
0x178: {  	v5 =	vmul.f32 v5, v9;
	v6 =	vmul.f32 v6, v13;
	_ =	sdelay $0x1  }
0x179: {  	v5 =	vadd.f32 v6, v5;
	v6 =	vmul.f32 v7, v10;
	_ =	sdelay $0x1  }
0x17a: {  	v5 =	vadd.f32 v6, v5;
	v6 =	vmul.f32 v62, v11;
	_ =	sdelay $0x1  }
0x17b: {  	v5 =	vadd.f32 v6, v5;
	_ =	sdelay $0x1  }
0x17c: {  	[tilespmem:s28+$0x45E0] =	vst v5;
	v5 =	vld [tilespmem:s28+$0x5F0]  }
0x17d: {  	v6 =	vld [tilespmem:s0+$0x1F0];
	_ =	sdelay $0x1  }
0x17e: {  	v7 =	vld [tilespmem:s30+$0x1F0];
	_ =	sdelay $0x1  }
0x17f: {  	v63 =	vld [tilespmem:s10+$0x1F0]  }
0x180: {  	v5 =	vmul.f32 v5, v9;
	v6 =	vmul.f32 v6, v13;
	_ =	sdelay $0x1  }
0x181: {  	v5 =	vadd.f32 v6, v5;
	v6 =	vmul.f32 v7, v10;
	_ =	sdelay $0x1  }
0x182: {  	v5 =	vadd.f32 v6, v5;
	v6 =	vmul.f32 v63, v11;
	_ =	sdelay $0x1  }
0x183: {  	s24 =	sadd.s32 $0x1, s24;
	s31 =	sadd.s32 s3, s25;
	v5 =	vadd.f32 v6, v5  }
0x184: {  	p0 =	sne.s32 s24, $0x8;
	s0 =	sshll.u32 s31, $0x5  }
.Ltmp1:
0x185: {  	s0 =	sadd.s32 s6, s0;
	[tilespmem:s28+$0x45F0] =	vst v5;
	(pc) =	sbr.rel @p0 .LBB2_2-.Ltmp1, $4  }
0x186: {  	[hbm4b:s0+s2] =	stream.linear.scatter [tilespmem:s22], [sflag:$0x2], $0x1000, $0x38;
	[tilespmem:$0x5200] =	vst v63  }
0x187: {  	_ =	swait.ge [sflag:s11], $0x1000  }
0x188: {  	[sflag:s11] =	ssyncset.done $0x0  }
0x189: {  	[sflag:s11] =	ssyncadd.s32 $0xFFFFF000  }
0x18a: {  	s23 =	sadd.s32 $0x1, s23  }
0x18b: {  	p0 =	sne.s32 s23, s9  }
.Ltmp2:
0x18c: {  	_ = 	snop;
	(pc) =	sbr.rel @p0 .LBB2_1-.Ltmp2, $1  }
0x18d: {  	_ =	sdelay $0x3  }
0x18e: {  	_ =	sfence.sel $0x180000  }
0x18f: {  	[bflag:$0x0] =	sbarrier.arrive $0xFFFF  }
0x190: {  	_ =	strace $0x9000004D  }
0x191: {  	s0 =	stileid.u32;
	[bflag:$0x2] =	sbarrier.arrive $0xFFFF  }
0x192: {  	p0 =	sne.s32 s0, $0x0;
	s0 =	rddreg [dreg:$0x1]  }
0x193: {  	s0 =	sadd.s32 @!p0 $0x100000, s0  }
0x194: {  	[sflag:s0] =	ssyncadd.tile.s32 @!p0 $0x1;
	_ =	shalt  }
.Lfunc_end2:
_tile_overlayer_lowered:
.L_overlay_start_2:
0x195: {  	(tag) =	ssettag $0x2  }
0x196: {  	s0 =	rddreg [dreg:$0x0];
	s2 =	stileid.u32  }
0x197: {  	s1 =	rddreg [dreg:$0x1];
	p0 =	sne.s32 s2, $0x0  }
0x198: {  	s3 =	rddreg [dreg:$0x2];
	[bflag:$0x3] =	sbarrier.arrive $0xFFFF;
	s2 =	simm.s32 @!p0 $0x1C02  }
0x199: {  	[timem:s3], [sflag:s2] =	dma.local @!p0 [hbm:s0], s1  }
0x19a: {  	s0 =	simm.s32 @!p0 $0x2  }
0x19b: {  	_ =	swait.ge @!p0 [sflag:s0], s1  }
0x19c: {  	s1 =	ssub.s32 @!p0 $0x0, s1;
	[sflag:s0] =	ssyncset.done @!p0 $0x0  }
0x19d: {  	[sflag:s0] =	ssyncadd.s32 @!p0 s1  }
0x19e: {  	[bflag:$0x3] =	sbarrier.arrive $0xFFFF  }
0x19f: {  	_ =	shalt  }

// kernel: kernel.9.cloned.1.call-start
scs
__scs_entry_jumppad:
0x0: {  	(pc) =	sbr.rel $0x88, $3  }
0x1: {  	(tag) =	ssettag $0x0;
	lr =	simm.s32 $0x1  }
0x2: {  	[smem:$0x3F9A] =	sst lr;
	_ =	strace $0xD0000000  }
0x3: {  	_ = 	snop  }
0x4: {  	_ = 	snop  }
0x5: {  	_ = 	snop  }
0x6: {  	_ = 	snop  }
0x7: {  	_ = 	snop  }
__scs_overlays_trampoline_lowered:
0x8: {  	[smem:$0x3FA9] =	sst s0  }
0x9: {  	[smem:$0x3FAA] =	sst s1  }
0xa: {  	[smem:$0x3FAB] =	sst s2  }
0xb: {  	[smem:$0x3FAC] =	sst s3  }
0xc: {  	[smem:$0x3FAD] =	sst s4  }
0xd: {  	[smem:$0x3FAE] =	sst s5  }
0xe: {  	[smem:$0x3FAF] =	sst s6  }
0xf: {  	[smem:$0x3FB0] =	sst s7  }
0x10: {  	[smem:$0x3FB1] =	sst s8  }
0x11: {  	[smem:$0x3FB2] =	sst s9;
	s0 =	simm.s32 @!p0 $0x0  }
0x12: {  	s1 =	sld [smem:$0x3F98];
	s0 =	simm.s32 @p0 $0x1  }
0x13: {  	[smem:$0x3FB3] =	sst s0;
	s0 =	simm.s32 @!p1 $0x0  }
0x14: {  	s2 =	sld [smem:$0x3F97];
	s0 =	simm.s32 @p1 $0x1  }
0x15: {  	[smem:$0x3FB4] =	sst s0;
	s0 =	simm.s32 @!p2 $0x0  }
0x16: {  	s3 =	sld [smem:$0x3FDB];
	s0 =	simm.s32 @p2 $0x1  }
0x17: {  	s4 =	simm.s32 $0x1BF5;
	[smem:$0x3FB6] =	sst s0  }
0x18: {  	s0 =	sld [smem:$0x3F99];
	_ =	swait.ge [sflag:s4], $0x0  }
0x19: {  	s7 =	sld [smem:$0x3F9A]  }
0x1a: {  	s8 =	sadd.s32 $0xFFFFE003, lr  }
0x1b: {  	s9 =	sadd.s32 $0xFFFFFEF7, lr;
	s5 =	simm.s32 $0xFFFFFFFF;
	p2 =	slt.u32 s8, $0xFFFFF086  }
0x1c: {  	p1 =	slt.u32 s9, $0xF7A;
	s5 =	simm.s32 @!p2 $0x0  }
0x1d: {  	s5 =	simm.s32 @p1 $0x1;
	p0 =	seq.s32 s7, s2  }
0x1e: {  	s7 =	smul.u32 @!p0 $0xF7A, s2;
	p2 =	seq.s32 @!p0 s5, $0x0  }
0x1f: {  	s9 =	smul.u32 $0xF7A, s1;
	s8 =	simm.s32 @!p0 $0x1BF5;
	p2 =	por !p2, p0  }
0x20: {  	[sflag:s8] =	ssyncset.s32 @!p0 $0xFFFFF086;
	s6 =	sadd.s32 @!p0 s3, s7;
	s7 =	simm.s32 @!p0 $0x108  }
0x21: {  	s3 =	sadd.s32 s3, s9;
	s6 =	sadd.s32 @!p0 $0x88, s6;
	s7 =	simm.s32 @p2 $0x1082  }
0x22: {  	[simem:s7], [sflag:s8] =	dma.local @!p0 [hbm:s6], $0xF7A  }
0x23: {  	s9 =	sor.u32 $0xD0000000, s2;
	s6 =	simm.s32 $0x108;
	_ =	swait.ge @!p0 [sflag:s8], $0x0  }
0x24: {  	s3 =	sadd.s32 $0x88, s3;
	s6 =	simm.s32 @!p1 $0x1082;
	[sflag:s4] =	ssyncset.s32 $0xFFFFF086  }
0x25: {  	[simem:s6], [sflag:s4] =	dma.local [hbm:s3], $0xF7A  }
0x26: {  	[smem:$0x3F9A] =	sst s1;
	(tag) =	ssettag s2;
	_ =	strace s9  }
0x27: {  	s1 =	sld [smem:$0x3FAA]  }
0x28: {  	s2 =	sld [smem:$0x3FAB]  }
0x29: {  	s4 =	sld [smem:$0x3FAD]  }
0x2a: {  	p0 =	seq.s32 s5, $0x0;
	s5 =	sld [smem:$0x3FAE]  }
0x2b: {  	s6 =	sld [smem:$0x3FAF]  }
0x2c: {  	s7 =	sld [smem:$0x3FB0]  }
0x2d: {  	s3 =	simm.s32 $0x108;
	s8 =	sld [smem:$0x3FB1]  }
0x2e: {  	s3 =	simm.s32 @!p0 $0x1082;
	s9 =	sld [smem:$0x3FB2]  }
0x2f: {  	lr =	sadd.s32 s0, s3;
	s0 =	sld [smem:$0x3FA9]  }
0x30: {  	s3 =	sld [smem:$0x3FAC]  }
0x31: {  	[smem:$0x3FB5] =	sst s10  }
0x32: {  	s10 =	sld [smem:$0x3FB3];
	_ =	sdelay $0x3  }
0x33: {  	p0 =	seq.s32 s10, $0x1;
	s10 =	sld [smem:$0x3FB5];
	_ =	sdelay $0x3  }
0x34: {  	[smem:$0x3FB5] =	sst s10  }
0x35: {  	s10 =	sld [smem:$0x3FB4];
	_ =	sdelay $0x3  }
0x36: {  	p1 =	seq.s32 s10, $0x1;
	s10 =	sld [smem:$0x3FB5];
	_ =	sdelay $0x3  }
0x37: {  	[smem:$0x3FB5] =	sst s10  }
0x38: {  	s10 =	sld [smem:$0x3FB6]  }
0x39: {  	_ = 	snop;
	(pc) =	sbr.ind lr, $3  }
0x3a: {  	_ = 	snop  }
0x3b: {  	_ = 	snop  }
0x3c: {  	p2 =	seq.s32 s10, $0x1;
	s10 =	sld [smem:$0x3FB5]  }
0x3d: {  	_ =	shalt  }
0x3e: {  	_ =	shalt  }
0x3f: {  	_ =	shalt  }
0x40: {  	_ =	shalt  }
0x41: {  	_ =	shalt  }
0x42: {  	_ =	shalt  }
0x43: {  	_ =	shalt  }
0x44: {  	_ =	shalt  }
0x45: {  	_ =	shalt  }
0x46: {  	_ =	shalt  }
0x47: {  	_ =	shalt  }
0x48: {  	_ =	shalt  }
0x49: {  	_ =	shalt  }
0x4a: {  	_ =	shalt  }
0x4b: {  	_ =	shalt  }
0x4c: {  	_ =	shalt  }
0x4d: {  	_ =	shalt  }
0x4e: {  	_ =	shalt  }
0x4f: {  	_ =	shalt  }
0x50: {  	_ =	shalt  }
0x51: {  	_ =	shalt  }
0x52: {  	_ =	shalt  }
0x53: {  	_ =	shalt  }
0x54: {  	_ =	shalt  }
0x55: {  	_ =	shalt  }
0x56: {  	_ =	shalt  }
0x57: {  	_ =	shalt  }
0x58: {  	_ =	shalt  }
0x59: {  	_ =	shalt  }
0x5a: {  	_ =	shalt  }
0x5b: {  	_ =	shalt  }
0x5c: {  	_ =	shalt  }
0x5d: {  	_ =	shalt  }
0x5e: {  	_ =	shalt  }
0x5f: {  	_ =	shalt  }
0x60: {  	_ =	shalt  }
0x61: {  	_ =	shalt  }
0x62: {  	_ =	shalt  }
0x63: {  	_ =	shalt  }
0x64: {  	_ =	shalt  }
0x65: {  	_ =	shalt  }
0x66: {  	_ =	shalt  }
0x67: {  	_ =	shalt  }
0x68: {  	_ =	shalt  }
0x69: {  	_ =	shalt  }
0x6a: {  	_ =	shalt  }
0x6b: {  	_ =	shalt  }
0x6c: {  	_ =	shalt  }
0x6d: {  	_ =	shalt  }
0x6e: {  	_ =	shalt  }
0x6f: {  	_ =	shalt  }
0x70: {  	_ =	shalt  }
0x71: {  	_ =	shalt  }
0x72: {  	_ =	shalt  }
0x73: {  	_ =	shalt  }
0x74: {  	_ =	shalt  }
0x75: {  	_ =	shalt  }
0x76: {  	_ =	shalt  }
0x77: {  	_ =	shalt  }
0x78: {  	_ =	shalt  }
0x79: {  	_ =	shalt  }
0x7a: {  	_ =	shalt  }
0x7b: {  	_ =	shalt  }
0x7c: {  	_ =	shalt  }
0x7d: {  	_ =	shalt  }
0x7e: {  	_ =	shalt  }
0x7f: {  	_ =	shalt  }
0x80: {  	_ =	shalt  }
0x81: {  	_ =	shalt  }
0x82: {  	_ =	shalt  }
0x83: {  	_ =	shalt  }
0x84: {  	_ =	shalt  }
0x85: {  	_ =	shalt  }
0x86: {  	_ =	shalt  }
0x87: {  	_ =	shalt  }
.Lfunc_end0:
.L_simem_size_0:
called_computation.2_lowered:
.L_overlay_start_0:
0x88: {  	s2 =	sld [smem:$0x3FD9]  }
0x89: {  	s3 =	sld [smem:$0x3FFE];
	_ =	sdelay $0x1  }
0x8a: {  	s1 =	srdreg.scid  }
0x8b: {  	s0 =	sand.u32 $0x1, s1  }
0x8c: {  	s17 =	sshll.u32 s0, $0xA;
	s2 =	sadd.s32 s3, s2  }
0x8d: {  	s2 =	sadd.s32 s2, s17  }
0x8e: {  	[smem:$0x3FC1] =	sst s2  }
0x8f: {  	_ = 	snop  }
0x90: {  	s2 =	sld [smem:$0x3FD0];
	(tm) =	ssettm $0x1  }
0x91: {  	s18 =	sld [smem:$0x3FFB];
	_ =	sdelay $0x3  }
0x92: {  	_ =	strace s18  }
0x93: {  	s3 =	sld [smem:$0x3FFC];
	_ =	sdelay $0x3  }
0x94: {  	_ =	strace s3  }
0x95: {  	s3 =	sld [smem:$0x3FFD];
	_ =	sdelay $0x3  }
0x96: {  	_ =	strace s3  }
0x97: {  	_ =	strace $0x8FFFFFFF  }
0x98: {  	s19 =	sld [smem:$0x3FDB];
	_ =	sdelay $0x1  }
0x99: {  	s4 =	simm.s32 $_scs_section_size  }
0x9a: {  	s5 =	simm.s32 $_size__tile_overlayer_lowered;
	s6 =	simm.s32 $_tile_overlayer_lowered  }
0x9b: {  	s22 =	simm.s32 $0x1BFF;
	s21 =	sshll.u32 s6, $0x1;
	s3 =	sadd.s32 s4, s19  }
0x9c: {  	s7 =	simm.s32 $0x0;
	s20 =	sshll.u32 s5, $0x1;
	s5 =	sadd.s32 s21, s3  }
0x9d: {  	[timem:s7], [sflag:s22] =	dma.local [hbm:s5], s20  }
0x9e: {  	_ =	swait.ge [sflag:s22], s20  }
0x9f: {  	s4 =	ssub.s32 $0x0, s20;
	[sflag:s22] =	ssyncset.done $0x0  }
0xa0: {  	[sflag:s22] =	ssyncadd.s32 s4;
	_ =	sdelay $0x1  }
0xa1: {  	s23 =	simm.s32 $0x1B8B  }
0xa2: {  	_ =	swait.ge [sflag:s23], $0x1  }
0xa3: {  	[sflag:s23] =	ssyncset.done $0x0  }
0xa4: {  	s25 =	simm.s32 $0x1B8E;
	s24 =	sld [smem:$0x3FFE];
	[sflag:s23] =	ssyncadd.s32 $0xFFFFFFFF  }
0xa5: {  	s26 =	simm.s32 $execute0_lowered;
	[smem:$0x3FD2] =	sst s25  }
0xa6: {  	s5 =	sshll.u32 s26, $0x1;
	_ =	strace $0x80000049;
	[dreg:$0x1] =	wrdreg $0xFFFFFFFF  }
0xa7: {  	s28 =	simm.s32 $_size_execute0_lowered;
	s3 =	sadd.s32 s3, s5;
	[dreg:$0x0] =	wrdreg $0x0  }
0xa8: {  	s5 =	sshll.u32 s28, $0x1;
	[dreg:$0x2] =	wrdreg s3  }
0xa9: {  	[dreg:$0x3] =	wrdreg s5  }
0xaa: {  	[dreg:$0x4] =	wrdreg $0xC0  }
0xab: {  	_ =	task [dreg:s7], $0x5FFFF  }
0xac: {  	[dreg:$0x1] =	wrdreg $0xFFFFFFFF  }
0xad: {  	[dreg:$0x0] =	wrdreg $0x60  }
0xae: {  	[dreg:$0x2] =	wrdreg s24  }
0xaf: {  	[dreg:$0x3] =	wrdreg s2  }
0xb0: {  	[dreg:$0x4] =	wrdreg $0xA  }
0xb1: {  	_ =	task.clear_ibuf [dreg:s7], $0x5FFFF;
	_ =	strace $0x90000049  }
0xb2: {  	s29 =	simm.s32 $0xA;
	_ =	strace $0x8000004B  }
0xb3: {  	_ =	swait.ge [sflag:s29], $0x1  }
0xb4: {  	[sflag:s29] =	ssyncadd.s32 $0xFFFFFFFF  }
0xb5: {  	_ =	strace $0x9000004B  }
0xb6: {  	_ =	sfence  }
0xb7: {  	s30 =	sld [smem:$0x0];
	_ =	sdelay $0x2  }
0xb8: {  	s31 =	sshll.u32 s1, $0xD;
	s1 =	sshrl.u32 s1, $0x2  }
0xb9: {  	s3 =	sand.u32 $0x4000, s31;
	s1 =	sadd.s32 s1, s30  }
0xba: {  	s0 =	sor.u32 s3, s0;
	s1 =	sshll.u32 s1, $0x11  }
0xbb: {  	s0 =	sor.u32 s1, s0  }
0xbc: {  	s0 =	sadd.s32 $0x8F2B, s0  }
0xbd: {  	[sflag:s0] =	ssyncadd.remote.s32 $0x1  }
0xbe: {  	_ =	sfence.sel $0xFFFF  }
0xbf: {  	[dreg:$0x0] =	wrdreg $0xFFFFFFFF;
	(pc) =	sbr.abs _section_cstart, $3  }
0xc0: {  	[dreg:$0x1] =	wrdreg $0xFFFFFFFF  }
0xc1: {  	_ =	task.clear_ibuf [dreg:s7], $0x2FFFF;
	_ =	strace $0x9FFFFFFF  }
0xc2: {  	(tm) =	ssettm $0x7FFFFFFF  }
0xc3: {  	_ =	shalt  }
tec
execute0_lowered:
.L_overlay_start_1:
0x0: {  	(tag) =	ssettag $0x1  }
0x1: {  	s0 =	rddreg [dreg:$0x0]  }
0x2: {  	s1 =	rddreg [dreg:$0x1]  }
0x3: {  	s2 =	simm.s32 $0x0;
	s5 =	stileid.u32;
	s3 =	srdreg.scid  }
0x4: {  	s13 =	simm.s32 $0x1;
	s15 =	simm.s32 $0xE280;
	s16 =	simm.s32 $0xE300  }
0x5: {  	s17 =	simm.s32 $0x2000;
	s18 =	simm.s32 $0x4000;
	s19 =	simm.s32 $0xE380  }
0x6: {  	s20 =	simm.s32 $0x12380;
	s21 =	simm.s32 $0x16380;
	s22 =	simm.s32 $0x0  }
0x7: {  	[smem:$0x7FF] =	sst s2;
	s4 =	sshll.u32 s5, $0x7;
	s3 =	sand.u32 $0x1, s3  }
0x8: {  	s5 =	sshll.u32 s5, $0x8;
	s4 =	sand.u32 $0x400, s4;
	s6 =	sshll.u32 s3, $0x7  }
0x9: {  	_ =	strace $0x8000004A;
	s3 =	ssub.s32 $0x2, s3;
	s30 =	sor.u32 s6, s5  }
0xa: {  	s7 =	sadd.s32 s4, s0;
	s31 =	sshrl.u32 s3, $0x1;
	s5 =	sshrl.u32 s30, $0x3  }
.Ltmp0:
0xb: {  	s9 =	sshll.u32 s30, $0x4;
	s12 =	ssub.s32 s3, s31;
	(pc) =	sbr.rel .LBB2_1-.Ltmp0, $4  }
0xc: {  	v0 =	vlaneseq.u32;
	s3 =	sadd.s32 $0x11400, s7;
	s4 =	sadd.s32 $0x11C00, s7;
	s8 =	sadd.s32 s5, s0  }
0xd: {  	v3 =	vmul.u32 $0xFFFFFFFF, v0;
	s0 =	sadd.s32 s9, s0;
	s5 =	sadd.s32 $0x12400, s7;
	s9 =	sadd.s32 s1, s9  }
0xe: {  	v1 =	vimm.f32 $1.000000000e+09;
	s12 =	smax.u32 s12, $0x1;
	s6 =	sadd.s32 $0x1200, s8;
	s7 =	sadd.s32 $0x1400, s8  }
0xf: {  	v2 =	vimm.s32 $0x0;
	v3 =	vadd.s32 $0xF, v3;
	s8 =	sadd.s32 $0x1600, s8;
	s10 =	sadd.s32 $0x12C00, s0;
	s11 =	sadd.s32 $0x22C00, s0  }
.LBB2_17:
0x10: {  	[hbm4b:s9+s2] =	stream.linear.scatter [tilespmem:s19], [sflag:$0x1], $0x4000, $0x38;
	[tilespmem:$0x1A380] =	vst v63  }
0x11: {  	_ =	swait.ge [sflag:s13], $0x4000  }
0x12: {  	[sflag:s13] =	ssyncset.done $0x0  }
0x13: {  	[sflag:s13] =	ssyncadd.s32 $0xFFFFC000  }
0x14: {  	[hbm4b:s10+s2] =	stream.linear.scatter [tilespmem:s20], [sflag:$0x1], $0x4000, $0x38;
	[tilespmem:$0x1A380] =	vst v63  }
0x15: {  	s22 =	sadd.s32 $0x1, s22;
	_ =	swait.ge [sflag:s13], $0x4000  }
0x16: {  	p0 =	sne.s32 s22, s12;
	[sflag:s13] =	ssyncset.done $0x0  }
.Ltmp1:
0x17: {  	[sflag:s13] =	ssyncadd.s32 $0xFFFFC000;
	(pc) =	sbr.rel @!p0 .LBB2_18-.Ltmp1, $4  }
0x18: {  	[hbm4b:s11+s2] =	stream.linear.scatter [tilespmem:s21], [sflag:$0x1], $0x4000, $0x38;
	[tilespmem:$0x1A380] =	vst v63  }
0x19: {  	_ =	swait.ge [sflag:s13], $0x4000  }
0x1a: {  	[sflag:s13] =	ssyncset.done $0x0  }
0x1b: {  	[sflag:s13] =	ssyncadd.s32 $0xFFFFC000  }
.LBB2_1:
0x1c: {  	[tilespmem:s2], [sflag:$0x1] =	stream.linear.gather [hbm4b:s3+s2], $0x2000, $0x38;
	[tilespmem:$0x1A380] =	vst v63  }
0x1d: {  	_ =	swait.ge [sflag:s13], $0x2000  }
0x1e: {  	[sflag:s13] =	ssyncset.done $0x0  }
0x1f: {  	[sflag:s13] =	ssyncadd.s32 $0xFFFFE000  }
0x20: {  	[tilespmem:s17], [sflag:$0x1] =	stream.linear.gather [hbm4b:s4+s2], $0x2000, $0x38;
	[tilespmem:$0x1A380] =	vst v63  }
0x21: {  	_ =	swait.ge [sflag:s13], $0x2000  }
0x22: {  	[sflag:s13] =	ssyncset.done $0x0  }
0x23: {  	[sflag:s13] =	ssyncadd.s32 $0xFFFFE000  }
0x24: {  	[tilespmem:s18], [sflag:$0x1] =	stream.linear.gather [hbm4b:s5+s2], $0x2000, $0x38;
	[tilespmem:$0x1A380] =	vst v63  }
0x25: {  	_ =	swait.ge [sflag:s13], $0x2000  }
0x26: {  	[sflag:s13] =	ssyncset.done $0x0  }
0x27: {  	s0 =	simm.s32 $0xE200;
	[sflag:s13] =	ssyncadd.s32 $0xFFFFE000  }
0x28: {  	[tilespmem:s0], [sflag:$0x1] =	stream.linear.gather [hbm4b:s6+s2], $0x80, $0x38;
	[tilespmem:$0x1A380] =	vst v63  }
0x29: {  	_ =	swait.ge [sflag:s13], $0x80  }
0x2a: {  	[sflag:s13] =	ssyncset.done $0x0  }
0x2b: {  	[sflag:s13] =	ssyncadd.s32 $0xFFFFFF80  }
0x2c: {  	[tilespmem:s15], [sflag:$0x1] =	stream.linear.gather [hbm4b:s7+s2], $0x80, $0x38;
	[tilespmem:$0x1A380] =	vst v63  }
0x2d: {  	_ =	swait.ge [sflag:s13], $0x80  }
0x2e: {  	[sflag:s13] =	ssyncset.done $0x0  }
0x2f: {  	[sflag:s13] =	ssyncadd.s32 $0xFFFFFF80  }
0x30: {  	[tilespmem:s16], [sflag:$0x1] =	stream.linear.gather [hbm4b:s8+s2], $0x80, $0x38;
	[tilespmem:$0x1A380] =	vst v63  }
0x31: {  	_ =	swait.ge [sflag:s13], $0x80  }
0x32: {  	[sflag:s13] =	ssyncset.done $0x0  }
0x33: {  	[sflag:s13] =	ssyncadd.s32 $0xFFFFFF80  }
0x34: {  	v4 =	vld [tilespmem:$0xE200]  }
0x35: {  	v5 =	vld [tilespmem:$0xE210]  }
0x36: {  	v6 =	vld [tilespmem:$0xE220]  }
0x37: {  	v7 =	vld [tilespmem:$0xE230]  }
0x38: {  	v8 =	vld [tilespmem:$0xE240]  }
0x39: {  	v10 =	vld [tilespmem:$0xE250];
	v9 =	vmin.f32 v4, $1.000000020e+30  }
0x3a: {  	v11 =	vld [tilespmem:$0xE260];
	v4 =	vmax.f32 v4, $-1.000000020e+30;
	v9 =	vmin.f32 v9, v5  }
0x3b: {  	v63 =	vld [tilespmem:$0xE270];
	v4 =	vmax.f32 v4, v5;
	v5 =	vmin.f32 v9, v6  }
0x3c: {  	v4 =	vmax.f32 v4, v6;
	v5 =	vmin.f32 v5, v7  }
0x3d: {  	v4 =	vmax.f32 v4, v7;
	v5 =	vmin.f32 v5, v8  }
0x3e: {  	v4 =	vmax.f32 v4, v8;
	v5 =	vmin.f32 v5, v10  }
0x3f: {  	v4 =	vmax.f32 v4, v10;
	v5 =	vmin.f32 v5, v11  }
0x40: {  	v4 =	vmax.f32 v4, v11;
	v5 =	vmin.f32 v5, v63  }
0x41: {  	v4 =	vmax.f32 v4, v63;
	(xrf0) =	vmin.scan.msk.f32 $0xffff, v5  }
0x42: {  	(xrf0) =	vmax.scan.msk.f32 $0xffff, v4;
	_ =	sdelay $0x4  }
0x43: {  	v4, _, _ =	vpop (xrf0)  }
0x44: {  	(v2sf) =	vpush v4, $0xF;
	v4, _, _ =	vpop (xrf0)  }
0x45: {  	(v2sf) =	vpush v4, $0xF;
	_ =	sdelay $0xd  }
0x46: {  	v6 =	vld [tilespmem:s2+$0x0];
	s31 =	spop (v2sf)  }
0x47: {  	s0 =	sadd.f32 $-2.000000000e+00, s31;
	s1 =	spop (v2sf)  }
0x48: {  	s1 =	sadd.f32 $2.000000000e+00, s1;
	_ =	sdelay $0x1  }
0x49: {  	v4 =	vmov s0;
	v5 =	vmov s1  }
0x4a: {  	vm0 =	vge.f32 v6, v4;
	vm1 =	vle.f32 v6, v5  }
0x4b: {  	vm0 =	vmand vm0, vm1  }
0x4c: {  	v7 =	vmpcnt.ones.xlane vm0;
	_ =	sdelay $0x1  }
0x4d: {  	v7 =	vxor.u32 $0x80000000, v7  }
0x4e: {  	(xrf0) =	vmax.scan.msk.u32 $0xffff, v7  }
0x4f: {  	[tilespmem:s2+$0x6000] =	vst.msk vm0, v6  }
0x50: {  	v6 =	vld [tilespmem:s17+$0x0];
	_ =	sdelay $0x3  }
0x51: {  	v7, _, _ =	vpop (xrf0)  }
0x52: {  	[tilespmem:s2+$0x8080] =	vst.msk vm0, v6;
	(v2sf) =	vpush v7, $0xF  }
0x53: {  	v6 =	vld [tilespmem:s18+$0x0];
	_ =	sdelay $0x4  }
0x54: {  	[tilespmem:s2+$0xA100] =	vst.msk vm0, v6;
	v6 =	vor.u32 s2, v0  }
0x55: {  	s23 =	simm.s32 $0x10;
	s14 =	simm.s32 $0x20;
	s24 =	simm.s32 $0x2000;
	[tilespmem:s2+$0xC180] =	vst.msk vm0, v6  }
0x56: {  	s25 =	simm.s32 $0x10;
	s0 =	simm.s32 $0x4000;
	s1 =	simm.s32 $0x0;
	v6 =	vld [tilespmem:s23+$0x0]  }
.LBB2_2:
0x57: {  	p0 =	sne.s32 s14, $0x1FF0;
	_ =	sdelay $0x3  }
0x58: {  	vm0 =	vge.f32 v6, v4;
	vm1 =	vle.f32 v6, v5  }
0x59: {  	vm0 =	vmand vm0, vm1  }
0x5a: {  	v7 =	vmpcnt.ones.xlane vm0;
	s26 =	spop (v2sf)  }
0x5b: {  	s1 =	sadd.s32 s26, s1  }
0x5c: {  	v7 =	vxor.u32 $0x80000000, v7;
	s1 =	sadd.s32 $0x80000000, s1  }
0x5d: {  	s24 =	sadd.s32 $0x10, s24;
	[tilespmem:s1+$0x6000] =	vst.msk vm0, v6;
	(xrf0) =	vmax.scan.msk.u32 $0xffff, v7  }
0x5e: {  	v6 =	vld [tilespmem:s24+$0x0];
	_ =	sdelay $0x4  }
0x5f: {  	s0 =	sadd.s32 $0x10, s0;
	[tilespmem:s1+$0x8080] =	vst.msk vm0, v6;
	v6, _, _ =	vpop (xrf0)  }
0x60: {  	v7 =	vld [tilespmem:s0+$0x0];
	(v2sf) =	vpush v6, $0xF;
	_ =	sdelay $0x3  }
.Ltmp2:
0x61: {  	(pc) =	sbr.rel @p0 .LBB2_2-.Ltmp2, $4  }
0x62: {  	v6 =	vor.u32 s23, v0;
	s23 =	smov.u32 s14;
	[tilespmem:s1+$0xA100] =	vst.msk vm0, v7  }
0x63: {  	[tilespmem:s1+$0xC180] =	vst.msk vm0, v6  }
0x64: {  	s25 =	sadd.s32 $0x10, s25  }
0x65: {  	s14 =	sadd.s32 $0x10, s14;
	v6 =	vld [tilespmem:s25+$0x0]  }
0x66: {  	_ =	sdelay $0x3  }
0x67: {  	vm0 =	vge.f32 v6, v4;
	vm1 =	vle.f32 v6, v5  }
0x68: {  	vm0 =	vmand vm0, vm1  }
0x69: {  	v4 =	vmpcnt.ones.xlane vm0;
	_ =	sdelay $0x1  }
0x6a: {  	v4 =	vxor.u32 $0x80000000, v4  }
0x6b: {  	(xrf0) =	vmax.scan.msk.u32 $0xffff, v4;
	_ =	sdelay $0x5  }
0x6c: {  	v4, _, _ =	vpop (xrf0)  }
0x6d: {  	(v2sf) =	vpush v4, $0xF;
	_ =	sdelay $0x4  }
0x6e: {  	s14 =	spop (v2sf)  }
0x6f: {  	s1 =	sadd.s32 s14, s1  }
0x70: {  	s1 =	sadd.s32 $0x80000000, s1  }
0x71: {  	s25 =	sadd.s32 $0x10, s24;
	[tilespmem:s1+$0x6000] =	vst.msk vm0, v6  }
0x72: {  	v4 =	vld [tilespmem:s25+$0x0];
	_ =	sdelay $0x4  }
0x73: {  	s0 =	sadd.s32 $0x10, s0;
	[tilespmem:s1+$0x8080] =	vst.msk vm0, v4  }
0x74: {  	v4 =	vld [tilespmem:s0+$0x0];
	s26 =	spop (v2sf)  }
0x75: {  	s0 =	sadd.s32 s26, s1  }
0x76: {  	s0 =	sadd.s32 $0x80000000, s0  }
0x77: {  	s28 =	sadd.s32 $0xF, s0  }
0x78: {  	s29 =	sand.u32 $0xF, s28  }
0x79: {  	[tilespmem:s1+$0xA100] =	vst.msk vm0, v4;
	v4 =	vor.u32 s23, v0;
	s30 =	sshra.s32 s28, $0x1F;
	p0 =	slt.s32 s28, $0x1;
	p1 =	sne.s32 s29, $0x0  }
.Ltmp3:
0x7a: {  	[tilespmem:s1+$0xC180] =	vst.msk vm0, v4;
	s31 =	sshrl.u32 s30, $0x1C;
	p0 =	por !p0, !p1;
	(pc) =	sbr.rel .LBB2_4-.Ltmp3, $4  }
0x7b: {  	s14 =	simm.s32 $0x1;
	[tilespmem:s0+$0x6000] =	vst v1;
	s1 =	sadd.s32 s31, s28;
	p0 =	por !p0, !p0  }
0x7c: {  	[tilespmem:s0+$0x8080] =	vst v1;
	s1 =	sshra.s32 s1, $0x4;
	s14 =	simm.s32 @!p0 $0x0  }
0x7d: {  	[tilespmem:s0+$0xA100] =	vst v1;
	s23 =	ssub.s32 s1, s14  }
0x7e: {  	s24 =	simm.s32 $0x0;
	[tilespmem:s0+$0xC180] =	vst v2;
	p0 =	slt.s32 s23, $0x1  }
.LBB2_16:
0x7f: {  	s24 =	sadd.s32 $0x1, s24  }
0x80: {  	p1 =	sne.s32 s24, $0x8  }
.Ltmp4:
0x81: {  	_ = 	snop;
	(pc) =	sbr.rel @!p1 .LBB2_17-.Ltmp4, $1  }
0x82: {  	_ =	sdelay $0x3  }
.LBB2_4:
.Ltmp5:
0x83: {  	(pc) =	sbr.rel .LBB2_5-.Ltmp5, $4  }
0x84: {  	s25 =	sshll.u32 s24, $0x4  }
0x85: {  	v4 =	vld [tilespmem:s25+$0xE200]  }
0x86: {  	v5 =	vld [tilespmem:s25+$0xE280]  }
0x87: {  	s26 =	simm.s32 $0x0;
	v6 =	vld [tilespmem:s25+$0xE300]  }
.LBB2_7:
0x88: {  	s30 =	simm.s32 $0xA100;
	s31 =	simm.s32 $0xC180  }
.LBB2_14:
0x89: {  	v16 =	vxor.u32 @p3 $0x80000000, v16  }
0x8a: {  	v16 =	vpsel p3, v16, v10  }
0x8b: {  	v14 =	vnsel @p1 vm0, $0x7FFFFFFF, v14;
	vm0 =	vlt.s32 @p2 v16, v15  }
0x8c: {  	s0 =	sadd.s32 @p1 $0x10, s30;
	v17 =	vxor.u32 @p1 $0x80000000, v14;
	v15 =	vsel @p2 vm0, v16, v15  }
0x8d: {  	s29 =	smov.u32 @p1 s0;
	(xrf1) =	vsort.ascd.msk.u32 @p1 $0xffff, v17, v14;
	v14 =	vxor.u32 @p2 $0x80000000, v15  }
0x8e: {  	v59 =	vld [tilespmem:s29+$0x0];
	(xrf1) =	vsort.ascd.msk.u32 @p2 $0xffff, v14, v15;
	_ =	sdelay $0x2  }
0x8f: {  	v12 =	vsub.f32 v12, v9;
	v13 =	vsub.f32 v13, v8;
	_ =	sdelay $0x1  }
0x90: {  	v12 =	vmul.f32 v12, v12;
	v13 =	vmul.f32 v13, v13;
	v60 =	vsub.f32 v59, v7;
	_ =	sdelay $0x1  }
0x91: {  	v12 =	vadd.f32 v13, v12;
	v61 =	vmul.f32 v60, v60;
	_ =	sdelay $0x1  }
0x92: {  	v12 =	vadd.f32 v61, v12  }
0x93: {  	s0 =	sadd.s32 @p1 $0x10, s31  }
0x94: {  	s28 =	smov.u32 @p1 s0;
	v13 =	vmul.f32 $3.276800000e+04, v12  }
0x95: {  	v62 =	vld [tilespmem:s28+$0x0]  }
0x96: {  	v13 =	vtrunc.f32 v13;
	v15, _, _ =	vpop @p1 (xrf1)  }
0x97: {  	v13 =	vcvt.f32.s32 v13;
	v15 =	vxor.u32 @p1 $0x80000000, v15;
	v16, _, _ =	vpop @p2 (xrf1)  }
0x98: {  	v15 =	vperm.xlane @p1 v15, v3;
	v16 =	vpsel p2, v16, v0  }
0x99: {  	vm14 =	vle.f32 v12, $4.000000000e+00;
	v13 =	vshll.u32 v13, $0xD;
	v12 =	vxor.u32 @p2 $0x80000000, v16  }
0x9a: {  	v13 =	vadd.s32 v62, v13;
	v11 =	vpsel p1, v15, v11;
	v12 =	vpsel p2, v12, v10  }
0x9b: {  	v13 =	vnsel vm14, $0x7FFFFFFF, v13;
	vm0 =	vlt.s32 @p1 v12, v11  }
0x9c: {  	v63 =	vxor.u32 $0x80000000, v13;
	v11 =	vsel @p1 vm0, v12, v11  }
0x9d: {  	(xrf1) =	vsort.ascd.msk.u32 $0xffff, v63, v13;
	v12 =	vxor.u32 @p1 $0x80000000, v11  }
0x9e: {  	(xrf1) =	vsort.ascd.msk.u32 @p1 $0xffff, v12, v11;
	_ =	sdelay $0xc  }
0x9f: {  	v11, _, _ =	vpop (xrf1)  }
0xa0: {  	v12, _, _ =	vpop @p1 (xrf1)  }
0xa1: {  	v11 =	vxor.u32 $0x80000000, v11;
	v12 =	vpsel p1, v12, v0  }
0xa2: {  	v11 =	vperm.xlane v11, v3;
	v12 =	vxor.u32 @p1 $0x80000000, v12  }
0xa3: {  	v10 =	vpsel p1, v12, v10  }
0xa4: {  	vm15 =	vlt.s32 v10, v11  }
0xa5: {  	v10 =	vsel vm15, v10, v11  }
0xa6: {  	v11 =	vxor.u32 $0x80000000, v10  }
0xa7: {  	(xrf1) =	vsort.ascd.msk.u32 $0xffff, v11, v10;
	_ =	sdelay $0xd  }
0xa8: {  	v10, _, _ =	vpop (xrf1)  }
0xa9: {  	v10 =	vxor.u32 $0x80000000, v10  }
.LBB2_15:
0xaa: {  	vm0 =	veq.s32 v10, $0x7FFFFFFF;
	v63 =	vand.u32 $0x1FFF, v10  }
0xab: {  	v10 =	vsel vm0, $0x0, v63;
	_ =	sdelay $0x4  }
0xac: {  	v11 =	vld.idx.msk [tilespmem:v10+s2+$0x0], $0xffff  }
0xad: {  	v12 =	vld.idx.msk [tilespmem:v10+s17+$0x0], $0xffff  }
0xae: {  	v10 =	vld.idx.msk [tilespmem:v10+s18+$0x0], $0xffff;
	_ =	sdelay $0x1  }
0xaf: {  	s0 =	sor.u32 s25, s26;
	s26 =	sadd.s32 $0x1, s26  }
0xb0: {  	p1 =	sne.s32 s26, $0x10;
	v9 =	vsub.f32 v11, v9  }
.Ltmp6:
0xb1: {  	v8 =	vsub.f32 v12, v8;
	(pc) =	sbr.rel @!p1 .LBB2_16-.Ltmp6, $4  }
0xb2: {  	s0 =	sshll.u32 s0, $0x7;
	v7 =	vsub.f32 v10, v7;
	v9 =	vsel vm0, $0x49742400, v9  }
0xb3: {  	v8 =	vsel vm0, $0x49742400, v8;
	[tilespmem:s0+$0xE380] =	vst v9  }
0xb4: {  	v7 =	vsel vm0, $0x49742400, v7;
	[tilespmem:s0+$0x12380] =	vst v8  }
0xb5: {  	[tilespmem:s0+$0x16380] =	vst v7  }
.LBB2_5:
.Ltmp7:
0xb6: {  	_ = 	snop;
	(pc) =	sbr.rel @p0 .LBB2_15-.Ltmp7, $4  }
0xb7: {  	_ = 	snop  }
0xb8: {  	v7 =	vmov s26  }
0xb9: {  	v9 =	vperm.xlane v4, v7  }
0xba: {  	v10 =	vimm.s32 $0x7FFFFFFF;
	v8 =	vperm.xlane v5, v7;
	v7 =	vperm.xlane v6, v7  }
0xbb: {  	p4 =	sne.s32 s23, $0x1  }
.Ltmp8:
0xbc: {  	_ = 	snop;
	(pc) =	sbr.rel @!p4 .LBB2_7-.Ltmp8, $4  }
0xbd: {  	_ = 	snop  }
0xbe: {  	s0 =	simm.s32 $0x6000;
	s1 =	simm.s32 $0x8080  }
0xbf: {  	s29 =	simm.s32 $0xA100;
	s28 =	simm.s32 $0xC180;
	p1 =	por $0x0, $0x0;
	v12 =	vld [tilespmem:s0+$0x0]  }
0xc0: {  	p2 =	por $0x0, $0x0;
	p3 =	por $0x0, $0x0;
	s0 =	sadd.s32 $0xFFFFFFFF, s23;
	v13 =	vld [tilespmem:s1+$0x0]  }
0xc1: {  	_ = 	snop  }
0xc2: {  	v11 =	vld [tilespmem:s29+$0x0];
	_ =	sdelay $0x2  }
0xc3: {  	v12 =	vsub.f32 v12, v9;
	v13 =	vsub.f32 v13, v8;
	_ =	sdelay $0x1  }
0xc4: {  	v11 =	vsub.f32 v11, v7;
	v12 =	vmul.f32 v12, v12;
	v13 =	vmul.f32 v13, v13;
	_ =	sdelay $0x1  }
0xc5: {  	v11 =	vmul.f32 v11, v11;
	v12 =	vadd.f32 v13, v12;
	_ =	sdelay $0x1  }
0xc6: {  	v11 =	vadd.f32 v11, v12;
	_ =	sdelay $0x1  }
0xc7: {  	v12 =	vmul.f32 $3.276800000e+04, v11  }
0xc8: {  	v14 =	vld [tilespmem:s28+$0x0];
	p4 =	sne.s32 s0, $0x1  }
.Ltmp9:
0xc9: {  	v12 =	vtrunc.f32 v12;
	(pc) =	sbr.rel @!p4 .LBB2_9-.Ltmp9, $4  }
0xca: {  	v13 =	vcvt.f32.s32 v12  }
0xcb: {  	s1 =	simm.s32 $0x6010  }
0xcc: {  	s31 =	simm.s32 $0x8090;
	v12 =	vld [tilespmem:s1+$0x0];
	v15 =	vshll.u32 v13, $0xD  }
0xcd: {  	s0 =	sadd.s32 $0xFFFFFFFF, s0;
	p1 =	por $0x1, $0x1;
	vm0 =	vle.f32 v11, $4.000000000e+00;
	v13 =	vld [tilespmem:s31+$0x0];
	v14 =	vadd.s32 v14, v15  }
0xce: {  	v11 =	vnsel vm0, $0x7FFFFFFF, v14;
	s30 =	simm.s32 $0xA110  }
0xcf: {  	v14 =	vld [tilespmem:s30+$0x0];
	v15 =	vxor.u32 $0x80000000, v11  }
0xd0: {  	(xrf1) =	vsort.ascd.msk.u32 $0xffff, v15, v11;
	_ =	sdelay $0x1  }
0xd1: {  	v11 =	vsub.f32 v12, v9;
	v12 =	vsub.f32 v13, v8;
	_ =	sdelay $0x1  }
0xd2: {  	v11 =	vmul.f32 v11, v11;
	v13 =	vsub.f32 v14, v7;
	v12 =	vmul.f32 v12, v12;
	_ =	sdelay $0x1  }
0xd3: {  	v11 =	vadd.f32 v12, v11;
	v12 =	vmul.f32 v13, v13;
	_ =	sdelay $0x1  }
0xd4: {  	v11 =	vadd.f32 v12, v11;
	_ =	sdelay $0x1  }
0xd5: {  	s31 =	simm.s32 $0xC190;
	v12 =	vmul.f32 $3.276800000e+04, v11  }
0xd6: {  	p4 =	sne.s32 s0, $0x1;
	v14 =	vld [tilespmem:s31+$0x0]  }
.Ltmp10:
0xd7: {  	v12 =	vtrunc.f32 v12;
	(pc) =	sbr.rel @!p4 .LBB2_11-.Ltmp10, $4  }
0xd8: {  	v13 =	vcvt.f32.s32 v12  }
0xd9: {  	s1 =	simm.s32 $0x6020;
	v15, _, _ =	vpop (xrf1)  }
0xda: {  	s14 =	simm.s32 $0x80A0;
	v12 =	vld [tilespmem:s1+$0x0];
	v16 =	vshll.u32 v13, $0xD;
	v15 =	vxor.u32 $0x80000000, v15  }
0xdb: {  	p2 =	por $0x1, $0x1;
	vm0 =	vle.f32 v11, $4.000000000e+00;
	v13 =	vld [tilespmem:s14+$0x0];
	s14 =	sadd.s32 $0xFFFFFFFF, s0;
	v14 =	vadd.s32 v14, v16;
	v11 =	vperm.xlane v15, v3  }
0xdc: {  	v14 =	vnsel vm0, $0x7FFFFFFF, v14  }
0xdd: {  	v16 =	vxor.u32 $0x80000000, v14  }
0xde: {  	s30 =	simm.s32 $0xA120;
	(xrf1) =	vsort.ascd.msk.u32 $0xffff, v16, v14  }
0xdf: {  	v15 =	vld [tilespmem:s30+$0x0];
	vm0 =	vlt.s32 v10, v11  }
0xe0: {  	v14 =	vsel vm0, v10, v11  }
0xe1: {  	v16 =	vxor.u32 $0x80000000, v14  }
0xe2: {  	v12 =	vsub.f32 v12, v9;
	v13 =	vsub.f32 v13, v8;
	(xrf1) =	vsort.ascd.msk.u32 $0xffff, v16, v14;
	_ =	sdelay $0x1  }
0xe3: {  	v12 =	vmul.f32 v12, v12;
	v14 =	vsub.f32 v15, v7;
	v13 =	vmul.f32 v13, v13;
	_ =	sdelay $0x1  }
0xe4: {  	v12 =	vadd.f32 v13, v12;
	v13 =	vmul.f32 v14, v14;
	_ =	sdelay $0x1  }
0xe5: {  	v14 =	vadd.f32 v13, v12;
	_ =	sdelay $0x1  }
0xe6: {  	s31 =	simm.s32 $0xC1A0;
	v12 =	vmul.f32 $3.276800000e+04, v14  }
0xe7: {  	p4 =	sne.s32 s14, $0x1;
	v15 =	vld [tilespmem:s31+$0x0]  }
.Ltmp11:
0xe8: {  	v12 =	vtrunc.f32 v12;
	v16, _, _ =	vpop (xrf1);
	(pc) =	sbr.rel @!p4 .LBB2_14-.Ltmp11, $4  }
0xe9: {  	v13 =	vcvt.f32.s32 v12;
	v16 =	vxor.u32 $0x80000000, v16  }
0xea: {  	s0 =	simm.s32 $0x6030  }
0xeb: {  	s1 =	simm.s32 $0x80B0;
	v12 =	vld [tilespmem:s0+$0x0];
	v17 =	vshll.u32 v13, $0xD  }
0xec: {  	s14 =	sadd.s32 $0xFFFFFFFF, s14;
	p3 =	por $0x1, $0x1;
	vm0 =	vle.f32 v14, $4.000000000e+00;
	v13 =	vld [tilespmem:s1+$0x0];
	v14 =	vadd.s32 v15, v17;
	v15 =	vperm.xlane v16, v3;
	v16, _, _ =	vpop (xrf1)  }
.LBB2_13:
0xed: {  	p4 =	sne.s32 s14, $0x1;
	v14 =	vnsel vm0, $0x7FFFFFFF, v14;
	s30 =	sadd.s32 $0x10, s30;
	v16 =	vxor.u32 $0x80000000, v16  }
0xee: {  	v17 =	vld [tilespmem:s30+$0x0];
	v18 =	vxor.u32 $0x80000000, v14;
	vm0 =	vlt.s32 v16, v15  }
0xef: {  	(xrf1) =	vsort.ascd.msk.u32 $0xffff, v18, v14;
	v14 =	vsel vm0, v16, v15  }
0xf0: {  	v15 =	vxor.u32 $0x80000000, v14  }
0xf1: {  	v12 =	vsub.f32 v12, v9;
	v13 =	vsub.f32 v13, v8;
	(xrf1) =	vsort.ascd.msk.u32 $0xffff, v15, v14;
	_ =	sdelay $0x1  }
0xf2: {  	v12 =	vmul.f32 v12, v12;
	v13 =	vmul.f32 v13, v13;
	v14 =	vsub.f32 v17, v7;
	_ =	sdelay $0x1  }
0xf3: {  	v12 =	vadd.f32 v13, v12;
	v13 =	vmul.f32 v14, v14;
	_ =	sdelay $0x1  }
0xf4: {  	v14 =	vadd.f32 v13, v12;
	_ =	sdelay $0x1  }
0xf5: {  	s31 =	sadd.s32 $0x10, s31;
	v12 =	vmul.f32 $3.276800000e+04, v14  }
0xf6: {  	v15 =	vld [tilespmem:s31+$0x0]  }
.Ltmp12:
0xf7: {  	v12 =	vtrunc.f32 v12;
	(pc) =	sbr.rel @p4 .LBB2_13-.Ltmp12, $4  }
0xf8: {  	v13 =	vcvt.f32.s32 v12  }
0xf9: {  	s0 =	sadd.s32 $0x10, s0;
	v16, _, _ =	vpop (xrf1)  }
0xfa: {  	s1 =	sadd.s32 $0x10, s1;
	v12 =	vld [tilespmem:s0+$0x0];
	v17 =	vshll.u32 v13, $0xD;
	v18 =	vxor.u32 $0x80000000, v16  }
0xfb: {  	s14 =	sadd.s32 $0xFFFFFFFF, s14;
	vm0 =	vle.f32 v14, $4.000000000e+00;
	v13 =	vld [tilespmem:s1+$0x0];
	v14 =	vadd.s32 v15, v17;
	v15 =	vperm.xlane v18, v3;
	v16, _, _ =	vpop (xrf1)  }
.Ltmp13:
0xfc: {  	_ = 	snop;
	(pc) =	sbr.rel .LBB2_14-.Ltmp13, $1  }
0xfd: {  	_ =	sdelay $0x3  }
.LBB2_9:
.Ltmp14:
0xfe: {  	(pc) =	sbr.rel .LBB2_14-.Ltmp14, $2  }
0xff: {  	_ =	sdelay $0x2  }
0x100: {  	s30 =	simm.s32 $0xA100;
	s31 =	simm.s32 $0xC180  }
.LBB2_11:
.Ltmp15:
0x101: {  	(pc) =	sbr.rel .LBB2_14-.Ltmp15, $2  }
0x102: {  	_ =	sdelay $0x2  }
0x103: {  	v15 =	vmov v11  }
.LBB2_18:
0x104: {  	_ =	sfence.sel $0x180000  }
0x105: {  	[bflag:$0x0] =	sbarrier.arrive $0xFFFF  }
0x106: {  	_ =	strace $0x9000004A  }
0x107: {  	s0 =	stileid.u32;
	[bflag:$0x2] =	sbarrier.arrive $0xFFFF  }
0x108: {  	p0 =	sne.s32 s0, $0x0;
	s0 =	rddreg [dreg:$0x2]  }
0x109: {  	s0 =	sadd.s32 @!p0 $0x100000, s0  }
0x10a: {  	[sflag:s0] =	ssyncadd.tile.s32 @!p0 $0x1;
	_ =	shalt  }
.Lfunc_end2:
_tile_overlayer_lowered:
.L_overlay_start_2:
0x10b: {  	(tag) =	ssettag $0x2  }
0x10c: {  	s0 =	rddreg [dreg:$0x0];
	s2 =	stileid.u32  }
0x10d: {  	s1 =	rddreg [dreg:$0x1];
	p0 =	sne.s32 s2, $0x0  }
0x10e: {  	s3 =	rddreg [dreg:$0x2];
	[bflag:$0x3] =	sbarrier.arrive $0xFFFF;
	s2 =	simm.s32 @!p0 $0x1C01  }
0x10f: {  	[timem:s3], [sflag:s2] =	dma.local @!p0 [hbm:s0], s1  }
0x110: {  	s0 =	simm.s32 @!p0 $0x1  }
0x111: {  	_ =	swait.ge @!p0 [sflag:s0], s1  }
0x112: {  	s1 =	ssub.s32 @!p0 $0x0, s1;
	[sflag:s0] =	ssyncset.done @!p0 $0x0  }
0x113: {  	[sflag:s0] =	ssyncadd.s32 @!p0 s1  }
0x114: {  	[bflag:$0x3] =	sbarrier.arrive $0xFFFF  }
0x115: {  	_ =	shalt  }

</sc_bundles>
